<compile_context>
chip_gen: v7x
topology: tpu7x:2x2x1
jax: 0.10.2.dev20260603
libtpu: 0.0.44.dev20260713+nightly
codegen_flags: <defaults>
</compile_context>

<pallas_src>
import functools

import jax
import jax.numpy as jnp
from jax import lax
from jax.experimental import pallas as pl
from jax.experimental.pallas import tpu as pltpu
from jax.experimental.pallas import tpu_sc as plsc

N = 10000
E = 320000
D = 128
H = 128
DH = D // 2
NC = 2
NS = 16
EPT = E // NS
CHUNK = 80
NCHUNK = EPT // CHUNK
NBUF = 2
K = 1
RPT = 624
REM = N - NS * RPT
ZROWS = 208
DEGW = 8


def _sc_agg_body(xs_hbm, src_hbm, dst_hbm, ew_hbm, aux_hbm, agg_out, deg_out,
                 src_v, dst_v, ew_v, rows_v, ones_v, zbuf,
                 acc_sh, deg_sh, gsem, ssem, dsem):
    cid = lax.axis_index("c")
    sid = lax.axis_index("s")

    pltpu.sync_copy(src_hbm.at[sid], src_v)
    pltpu.sync_copy(dst_hbm.at[sid], dst_v)
    pltpu.sync_copy(ew_hbm.at[sid], ew_v)

    zero16 = jnp.zeros((16,), jnp.float32)

    def _zrow(i, carry):
        for k in range(DH // 16):
            zbuf[i, pl.ds(k * 16, 16)] = zero16
        return carry
    lax.fori_loop(0, ZROWS, _zrow, 0)

    pltpu.sync_copy(aux_hbm.at[pl.ds(ZROWS, CHUNK)], ones_v)

    for kk in range(RPT // ZROWS):
        sl = pl.ds(sid * RPT + kk * ZROWS, ZROWS)
        pltpu.sync_copy(zbuf, acc_sh.at[sl])
        pltpu.sync_copy(aux_hbm.at[pl.ds(0, ZROWS)], deg_sh.at[sl])

    @pl.when(sid == 0)
    def _zero_rem():
        pltpu.sync_copy(zbuf.at[pl.ds(0, REM)], acc_sh.at[pl.ds(NS * RPT, REM)])
        pltpu.sync_copy(aux_hbm.at[pl.ds(0, REM)],
                        deg_sh.at[pl.ds(NS * RPT, REM)])

    plsc.subcore_barrier()

    def _gather(j, b):
        return pltpu.make_async_copy(xs_hbm.at[cid].at[src_v.at[j]],
                                     rows_v.at[b], gsem)

    def _accsc(j, b):
        return pltpu.make_async_copy(rows_v.at[b],
                                     acc_sh.at[dst_v.at[j]], ssem)

    def _degsc(j):
        return pltpu.make_async_copy(ones_v, deg_sh.at[dst_v.at[j]], dsem)

    def _mine(j):
        return (cid == 0) == (j < NCHUNK // 2)

    def _step(t, carry):
        @pl.when((t >= NBUF) & (t < NCHUNK + NBUF))
        def _drain_acc():
            jd = t - NBUF
            _accsc(jd, lax.rem(jd, NBUF)).wait()

        @pl.when((t >= NBUF) & (t < NCHUNK + NBUF) & _mine(t - NBUF))
        def _drain_deg():
            _degsc(t - NBUF).wait()

        @pl.when(t < NCHUNK)
        def _gfire():
            _gather(t, lax.rem(t, NBUF)).start()

        @pl.when((t >= K) & (t < NCHUNK + K))
        def _consume():
            j = t - K
            b = lax.rem(j, NBUF)
            _gather(j, b).wait()

            def _scale(g2, c2):
                i0 = g2 * 16
                ewv = ew_v[j, pl.ds(i0, 16)]
                for e in range(16):
                    wv = jnp.full((16,), ewv[e], jnp.float32)
                    for k in range(DH // 16):
                        sl = pl.ds(k * 16, 16)
                        rows_v[b, i0 + e, sl] = rows_v[b, i0 + e, sl] * wv
                return c2
            lax.fori_loop(0, CHUNK // 16, _scale, 0)

            _accsc(j, b).start(add=True)

            @pl.when(_mine(j))
            def _dfire():
                _degsc(j).start(add=True)

        return carry
    lax.fori_loop(0, NCHUNK + NBUF, _step, 0)

    plsc.subcore_barrier()

    for kk in range(RPT // ZROWS):
        r0 = sid * RPT + kk * ZROWS
        pltpu.sync_copy(acc_sh.at[pl.ds(r0, ZROWS)],
                        agg_out.at[cid, pl.ds(r0, ZROWS)])
        pltpu.sync_copy(deg_sh.at[pl.ds(r0, ZROWS)],
                        deg_out.at[cid, pl.ds(r0, ZROWS)])

    @pl.when(sid == 0)
    def _copy_rem():
        pltpu.sync_copy(acc_sh.at[pl.ds(NS * RPT, REM)],
                        agg_out.at[cid, pl.ds(NS * RPT, REM)])
        pltpu.sync_copy(deg_sh.at[pl.ds(NS * RPT, REM)],
                        deg_out.at[cid, pl.ds(NS * RPT, REM)])


@functools.lru_cache(maxsize=1)
def _sc_aggregate_fn():
    return pl.kernel(
        _sc_agg_body,
        mesh=plsc.VectorSubcoreMesh(core_axis_name="c", subcore_axis_name="s"),
        compiler_params=pltpu.CompilerParams(use_tc_tiling_on_sc=False),
        out_type=[
            jax.ShapeDtypeStruct((NC, N, DH), jnp.float32),
            jax.ShapeDtypeStruct((NC, N, DEGW), jnp.float32),
        ],
        scratch_types=[
            pltpu.VMEM((NCHUNK, CHUNK), jnp.int32),
            pltpu.VMEM((NCHUNK, CHUNK), jnp.int32),
            pltpu.VMEM((NCHUNK, CHUNK), jnp.float32),
            pltpu.VMEM((NBUF, CHUNK, DH), jnp.float32),
            pltpu.VMEM((CHUNK, DEGW), jnp.float32),
            pltpu.VMEM((ZROWS, DH), jnp.float32),
            pltpu.VMEM_SHARED((N, DH), jnp.float32),
            pltpu.VMEM_SHARED((N, DEGW), jnp.float32),
            pltpu.SemaphoreType.DMA,
            pltpu.SemaphoreType.DMA,
            pltpu.SemaphoreType.DMA,
        ],
    )


def _tc_dense_body(p0, p1, d0, d1, x, h, c,
                   Wc, Wig, big, Whg, bhg, Wil, Whl, bl, wfc, bfc,
                   out, hn, cn):
    hp = jax.lax.Precision.DEFAULT
    agg = jnp.concatenate([p0[...], p1[...]], axis=1)
    deg = (d0[...] + d1[...])[:, 0:1]
    aggn = agg / jnp.maximum(deg, 1.0)
    xb = x[...]
    aggw = jnp.dot(aggn, Wc[...], precision=hp)
    gi = jnp.dot(aggw, Wig[...], precision=hp) + big[...]
    gh = jnp.dot(xb, Whg[...], precision=hp) + bhg[...]
    r = jax.nn.sigmoid(gi[:, 0:H] + gh[:, 0:H])
    z = jax.nn.sigmoid(gi[:, H:2 * H] + gh[:, H:2 * H])
    n = jnp.tanh(gi[:, 2 * H:3 * H] + r * gh[:, 2 * H:3 * H])
    x_new = (1.0 - z) * n + z * xb
    gates = (jnp.dot(x_new, Wil[...], precision=hp)
             + jnp.dot(h[...], Whl[...], precision=hp) + bl[...])
    i_g = jax.nn.sigmoid(gates[:, 0:H])
    f_g = jax.nn.sigmoid(gates[:, H:2 * H])
    g_g = jnp.tanh(gates[:, 2 * H:3 * H])
    o_g = jax.nn.sigmoid(gates[:, 3 * H:4 * H])
    c_new = f_g * c[...] + i_g * g_g
    h_new = o_g * jnp.tanh(c_new)
    out[...] = jnp.sum(jax.nn.relu(h_new) * wfc[...], axis=1,
                       keepdims=True) + bfc[...]
    hn[...] = h_new
    cn[...] = c_new


def _tc_dense(p0, p1, d0, d1, x, h, c, Wc, Wig, big, Whg, bhg, Wil, Whl,
              bl, wfc, bfc, block=1000):
    nblk = N // block
    row = lambda i: (i, 0)
    fixed = lambda i: (0, 0)
    in_specs = [
        pl.BlockSpec((block, DH), row),
        pl.BlockSpec((block, DH), row),
        pl.BlockSpec((block, DEGW), row),
        pl.BlockSpec((block, DEGW), row),
        pl.BlockSpec((block, D), row),
        pl.BlockSpec((block, H), row),
        pl.BlockSpec((block, H), row),
        pl.BlockSpec((D, D), fixed),
        pl.BlockSpec((D, 3 * D), fixed),
        pl.BlockSpec((1, 3 * D), fixed),
        pl.BlockSpec((D, 3 * D), fixed),
        pl.BlockSpec((1, 3 * D), fixed),
        pl.BlockSpec((D, 4 * H), fixed),
        pl.BlockSpec((H, 4 * H), fixed),
        pl.BlockSpec((1, 4 * H), fixed),
        pl.BlockSpec((1, H), fixed),
        pl.BlockSpec((1, 1), fixed),
    ]
    out_specs = [
        pl.BlockSpec((block, 1), row),
        pl.BlockSpec((block, H), row),
        pl.BlockSpec((block, H), row),
    ]
    out_shape = [
        jax.ShapeDtypeStruct((N, 1), jnp.float32),
        jax.ShapeDtypeStruct((N, H), jnp.float32),
        jax.ShapeDtypeStruct((N, H), jnp.float32),
    ]
    return pl.pallas_call(
        _tc_dense_body,
        grid=(nblk,),
        in_specs=in_specs,
        out_specs=out_specs,
        out_shape=out_shape,
    )(p0, p1, d0, d1, x, h, c, Wc, Wig, big, Whg, bhg, Wil, Whl, bl,
      wfc, bfc)


def kernel(x, edge_index, edge_weight, h, c, W_conv, W_ih_gru, W_hh_gru,
           b_ih_gru, b_hh_gru, W_ih_lstm, W_hh_lstm, b_ih_lstm, b_hh_lstm,
           W_fc, b_fc):
    src2 = edge_index[0].astype(jnp.int32).reshape(NS, NCHUNK, CHUNK)
    dst2 = edge_index[1].astype(jnp.int32).reshape(NS, NCHUNK, CHUNK)
    ew2 = edge_weight.reshape(NS, NCHUNK, CHUNK)
    xs = jnp.stack([x[:, :DH], x[:, DH:]])
    aux = jnp.concatenate([jnp.zeros((ZROWS, DEGW), jnp.float32),
                           jnp.ones((CHUNK, DEGW), jnp.float32)])

    agg_halves, deg = _sc_aggregate_fn()(xs, src2, dst2, ew2, aux)

    out, hn, cn = _tc_dense(
        agg_halves[0], agg_halves[1], deg[0], deg[1], x, h, c,
        W_conv,
        W_ih_gru.T, b_ih_gru.reshape(1, 3 * D),
        W_hh_gru.T, b_hh_gru.reshape(1, 3 * D),
        W_ih_lstm.T, W_hh_lstm.T,
        (b_ih_lstm + b_hh_lstm).reshape(1, 4 * H),
        W_fc, b_fc.reshape(1, 1),
    )
    return out, hn, cn

# --- scband reference (transcript-rebuilt; emitter-appended) ---
"""Pipeline reference for scband-dy-gr-encoder-model-49529562857564 (READ-ONLY COPY).

The authoritative reference and input builder live on the scoring server;
editing this copy changes nothing except your own understanding.
"""

import jax, jax.numpy as jnp
import numpy as np

N = 10000
E = 320000
D = 128  # node_features = conv_out_channels
H = 128  # hidden_dim = lstm_out_channels


def setup_inputs(seed: int = 0):
    key = jax.random.key(seed)
    ks = jax.random.split(key, 16)
    s = 0.08
    inp = {}
    inp["x"] = jax.random.normal(ks[0], (N, D), dtype=jnp.float32)
    inp["edge_index"] = jax.random.randint(ks[1], (2, E), 0, N)
    inp["edge_weight"] = jax.random.uniform(ks[2], (E,), dtype=jnp.float32)
    inp["h"] = jax.random.normal(ks[3], (N, H), dtype=jnp.float32)
    inp["c"] = jax.random.normal(ks[4], (N, H), dtype=jnp.float32)
    inp["W_conv"] = jax.random.normal(ks[5], (D, D), dtype=jnp.float32) * s
    inp["W_ih_gru"] = jax.random.normal(ks[6], (3 * D, D), dtype=jnp.float32) * s
    inp["W_hh_gru"] = jax.random.normal(ks[7], (3 * D, D), dtype=jnp.float32) * s
    inp["b_ih_gru"] = jax.random.normal(ks[8], (3 * D,), dtype=jnp.float32) * s
    inp["b_hh_gru"] = jax.random.normal(ks[9], (3 * D,), dtype=jnp.float32) * s
    inp["W_ih_lstm"] = jax.random.normal(ks[10], (4 * H, D), dtype=jnp.float32) * s
    inp["W_hh_lstm"] = jax.random.normal(ks[11], (4 * H, H), dtype=jnp.float32) * s
    inp["b_ih_lstm"] = jax.random.normal(ks[12], (4 * H,), dtype=jnp.float32) * s
    inp["b_hh_lstm"] = jax.random.normal(ks[13], (4 * H,), dtype=jnp.float32) * s
    inp["W_fc"] = jax.random.normal(ks[14], (1, H), dtype=jnp.float32) * s
    inp["b_fc"] = jax.random.normal(ks[15], (1,), dtype=jnp.float32) * s
    return inp


def _forward(x, edge_weight, h, c, W_conv, W_ih_gru, W_hh_gru, b_ih_gru, b_hh_gru,
             W_ih_lstm, W_hh_lstm, b_ih_lstm, b_hh_lstm, W_fc, b_fc, edge_index):
    src = edge_index[0]
    dst = edge_index[1]
    # --- GatedGraphConv (num_layers=1, aggr='mean') ---
    m = x @ W_conv
    msg = edge_weight[:, None] * jnp.take(m, src, axis=0)
    agg = jax.ops.segment_sum(msg, dst, num_segments=N)
    deg = jax.ops.segment_sum(jnp.ones((E,), jnp.float32), dst, num_segments=N)
    agg = agg / jnp.maximum(deg, 1.0)[:, None]
    # --- GRUCell(input=agg, hidden=x) ---
    gi = agg @ W_ih_gru.T + b_ih_gru
    gh = x @ W_hh_gru.T + b_hh_gru
    i_r, i_z, i_n = jnp.split(gi, 3, axis=-1)
    h_r, h_z, h_n = jnp.split(gh, 3, axis=-1)
    r = jax.nn.sigmoid(i_r + h_r)
    z = jax.nn.sigmoid(i_z + h_z)
    n = jnp.tanh(i_n + r * h_n)
    x_new = (1.0 - z) * n + z * x
    # --- LSTM (1 layer, seq_len=1, batch=num_nodes) ---
    gates = x_new @ W_ih_lstm.T + b_ih_lstm + h @ W_hh_lstm.T + b_hh_lstm
    gi_, gf_, gg_, go_ = jnp.split(gates, 4, axis=-1)
    i_g = jax.nn.sigmoid(gi_)
    f_g = jax.nn.sigmoid(gf_)
    g_g = jnp.tanh(gg_)
    o_g = jax.nn.sigmoid(go_)
    c_new = f_g * c + i_g * g_g
    h_new = o_g * jnp.tanh(c_new)
    y = h_new
    # --- fc(relu(y)) ---
    out = jax.nn.relu(y) @ W_fc.T + b_fc
    return out, h_new, c_new


def reference(x, edge_index, edge_weight, h, c, W_conv, W_ih_gru, W_hh_gru, b_ih_gru,
              b_hh_gru, W_ih_lstm, W_hh_lstm, b_ih_lstm, b_hh_lstm, W_fc, b_fc):
    return _forward(x, edge_weight, h, c, W_conv, W_ih_gru, W_hh_gru, b_ih_gru,
                    b_hh_gru, W_ih_lstm, W_hh_lstm, b_ih_lstm, b_hh_lstm, W_fc, b_fc,
                    edge_index)

if __name__ == "__main__":
    import jax
    _d = setup_inputs()
    print(jax.jit(kernel)(*tuple(_d.values())))

</pallas_src>

<mosaic_0001>
#map = affine_map<(d0, d1) -> (0, 0, 0)>
#map1 = affine_map<(d0, d1) -> (0, 0)>
module attributes {stable_mosaic.version = 14 : i64} {
  func.func @_sc_agg_body(%arg0: i32, %arg1: i32, %arg2: memref<2x10000x64xf32, #tpu.memory_space<hbm>>, %arg3: memref<16x250x80xi32, #tpu.memory_space<hbm>>, %arg4: memref<16x250x80xi32, #tpu.memory_space<hbm>>, %arg5: memref<16x250x80xf32, #tpu.memory_space<hbm>>, %arg6: memref<288x8xf32, #tpu.memory_space<hbm>>, %arg7: memref<2x10000x64xf32, #tpu.memory_space<hbm>>, %arg8: memref<2x10000x8xf32, #tpu.memory_space<hbm>>, %arg9: memref<250x80xi32, #tpu.memory_space<vmem>>, %arg10: memref<250x80xi32, #tpu.memory_space<vmem>>, %arg11: memref<250x80xf32, #tpu.memory_space<vmem>>, %arg12: memref<2x80x64xf32, #tpu.memory_space<vmem>>, %arg13: memref<80x8xf32, #tpu.memory_space<vmem>>, %arg14: memref<208x64xf32, #tpu.memory_space<vmem>>, %arg15: memref<10000x64xf32, #tpu.memory_space<vmem_shared>>, %arg16: memref<10000x8xf32, #tpu.memory_space<vmem_shared>>, %arg17: memref<!tpu.dma_semaphore, #tpu.memory_space<semaphore_mem>>, %arg18: memref<!tpu.dma_semaphore, #tpu.memory_space<semaphore_mem>>, %arg19: memref<!tpu.dma_semaphore, #tpu.memory_space<semaphore_mem>>) attributes {dimension_semantics = [#tpu.dimension_semantics<core_parallel>, #tpu.dimension_semantics<subcore_parallel>], iteration_bounds = array<i64: 2, 16>, scalar_prefetch = 0 : i64, scratch_operands = 11 : i64, tpu.core_type = #tpu.core_type<sc_vector_subcore>, window_params = [{transform_indices = #map}, {transform_indices = #map}, {transform_indices = #map}, {transform_indices = #map}, {transform_indices = #map1}, {transform_indices = #map}, {transform_indices = #map}]} {
    "tpu.region"() ({
      %run_scoped3A = tpu.sem_alloc : memref<!tpu.dma_semaphore, #tpu.memory_space<semaphore_mem>>
      %dma_start3A = arith.constant 0 : i32
      %dma_start3A_42 = arith.constant 0 : i32
      %dma_start3A_43 = tpu.memref_slice %arg3[%arg1, %dma_start3A, %dma_start3A_42] : memref<16x250x80xi32, #tpu.memory_space<hbm>> -> memref<1x250x80xi32, #tpu.memory_space<hbm>>
      %dma_start3A_44 = tpu.memref_squeeze %dma_start3A_43 : memref<1x250x80xi32, #tpu.memory_space<hbm>> -> memref<250x80xi32, #tpu.memory_space<hbm>>
      %dma_start3A_45 = arith.constant 0 : i32
      %dma_start3A_46 = arith.constant 0 : i32
      %dma_start3A_47 = tpu.memref_slice %arg3[%arg1, %dma_start3A_45, %dma_start3A_46] : memref<16x250x80xi32, #tpu.memory_space<hbm>> -> memref<1x250x80xi32, #tpu.memory_space<hbm>>
      %dma_start3A_48 = tpu.memref_squeeze %dma_start3A_47 : memref<1x250x80xi32, #tpu.memory_space<hbm>> -> memref<250x80xi32, #tpu.memory_space<hbm>>
      tpu.enqueue_dma source(%dma_start3A_48 : memref<250x80xi32, #tpu.memory_space<hbm>>) target(%arg9 : memref<250x80xi32, #tpu.memory_space<vmem>>) target_semaphore(%run_scoped3A : memref<!tpu.dma_semaphore, #tpu.memory_space<semaphore_mem>>)
      %dma_wait3A = arith.constant 0 : i32
      %dma_wait3A_49 = arith.constant 0 : i32
      %dma_wait3A_50 = tpu.memref_slice %arg3[%arg1, %dma_wait3A, %dma_wait3A_49] : memref<16x250x80xi32, #tpu.memory_space<hbm>> -> memref<1x250x80xi32, #tpu.memory_space<hbm>>
      %dma_wait3A_51 = tpu.memref_squeeze %dma_wait3A_50 : memref<1x250x80xi32, #tpu.memory_space<hbm>> -> memref<250x80xi32, #tpu.memory_space<hbm>>
      %dma_wait3A_52 = arith.constant 0 : i32
      %dma_wait3A_53 = arith.constant 0 : i32
      %dma_wait3A_54 = tpu.memref_slice %arg3[%arg1, %dma_wait3A_52, %dma_wait3A_53] : memref<16x250x80xi32, #tpu.memory_space<hbm>> -> memref<1x250x80xi32, #tpu.memory_space<hbm>>
      %dma_wait3A_55 = tpu.memref_squeeze %dma_wait3A_54 : memref<1x250x80xi32, #tpu.memory_space<hbm>> -> memref<250x80xi32, #tpu.memory_space<hbm>>
      tpu.wait_dma2 semaphore(%run_scoped3A : memref<!tpu.dma_semaphore, #tpu.memory_space<semaphore_mem>>) src(%dma_wait3A_55 : memref<250x80xi32, #tpu.memory_space<hbm>>) dst(%arg9 : memref<250x80xi32, #tpu.memory_space<vmem>>)
      tpu.yield
    }) : () -> ()
    "tpu.region"() ({
      %run_scoped3A = tpu.sem_alloc : memref<!tpu.dma_semaphore, #tpu.memory_space<semaphore_mem>>
      %dma_start3A = arith.constant 0 : i32
      %dma_start3A_42 = arith.constant 0 : i32
      %dma_start3A_43 = tpu.memref_slice %arg4[%arg1, %dma_start3A, %dma_start3A_42] : memref<16x250x80xi32, #tpu.memory_space<hbm>> -> memref<1x250x80xi32, #tpu.memory_space<hbm>>
      %dma_start3A_44 = tpu.memref_squeeze %dma_start3A_43 : memref<1x250x80xi32, #tpu.memory_space<hbm>> -> memref<250x80xi32, #tpu.memory_space<hbm>>
      %dma_start3A_45 = arith.constant 0 : i32
      %dma_start3A_46 = arith.constant 0 : i32
      %dma_start3A_47 = tpu.memref_slice %arg4[%arg1, %dma_start3A_45, %dma_start3A_46] : memref<16x250x80xi32, #tpu.memory_space<hbm>> -> memref<1x250x80xi32, #tpu.memory_space<hbm>>
      %dma_start3A_48 = tpu.memref_squeeze %dma_start3A_47 : memref<1x250x80xi32, #tpu.memory_space<hbm>> -> memref<250x80xi32, #tpu.memory_space<hbm>>
      tpu.enqueue_dma source(%dma_start3A_48 : memref<250x80xi32, #tpu.memory_space<hbm>>) target(%arg10 : memref<250x80xi32, #tpu.memory_space<vmem>>) target_semaphore(%run_scoped3A : memref<!tpu.dma_semaphore, #tpu.memory_space<semaphore_mem>>)
      %dma_wait3A = arith.constant 0 : i32
      %dma_wait3A_49 = arith.constant 0 : i32
      %dma_wait3A_50 = tpu.memref_slice %arg4[%arg1, %dma_wait3A, %dma_wait3A_49] : memref<16x250x80xi32, #tpu.memory_space<hbm>> -> memref<1x250x80xi32, #tpu.memory_space<hbm>>
      %dma_wait3A_51 = tpu.memref_squeeze %dma_wait3A_50 : memref<1x250x80xi32, #tpu.memory_space<hbm>> -> memref<250x80xi32, #tpu.memory_space<hbm>>
      %dma_wait3A_52 = arith.constant 0 : i32
      %dma_wait3A_53 = arith.constant 0 : i32
      %dma_wait3A_54 = tpu.memref_slice %arg4[%arg1, %dma_wait3A_52, %dma_wait3A_53] : memref<16x250x80xi32, #tpu.memory_space<hbm>> -> memref<1x250x80xi32, #tpu.memory_space<hbm>>
      %dma_wait3A_55 = tpu.memref_squeeze %dma_wait3A_54 : memref<1x250x80xi32, #tpu.memory_space<hbm>> -> memref<250x80xi32, #tpu.memory_space<hbm>>
      tpu.wait_dma2 semaphore(%run_scoped3A : memref<!tpu.dma_semaphore, #tpu.memory_space<semaphore_mem>>) src(%dma_wait3A_55 : memref<250x80xi32, #tpu.memory_space<hbm>>) dst(%arg10 : memref<250x80xi32, #tpu.memory_space<vmem>>)
      tpu.yield
    }) : () -> ()
    "tpu.region"() ({
      %run_scoped3A = tpu.sem_alloc : memref<!tpu.dma_semaphore, #tpu.memory_space<semaphore_mem>>
      %dma_start3A = arith.constant 0 : i32
      %dma_start3A_42 = arith.constant 0 : i32
      %dma_start3A_43 = tpu.memref_slice %arg5[%arg1, %dma_start3A, %dma_start3A_42] : memref<16x250x80xf32, #tpu.memory_space<hbm>> -> memref<1x250x80xf32, #tpu.memory_space<hbm>>
      %dma_start3A_44 = tpu.memref_squeeze %dma_start3A_43 : memref<1x250x80xf32, #tpu.memory_space<hbm>> -> memref<250x80xf32, #tpu.memory_space<hbm>>
      %dma_start3A_45 = arith.constant 0 : i32
      %dma_start3A_46 = arith.constant 0 : i32
      %dma_start3A_47 = tpu.memref_slice %arg5[%arg1, %dma_start3A_45, %dma_start3A_46] : memref<16x250x80xf32, #tpu.memory_space<hbm>> -> memref<1x250x80xf32, #tpu.memory_space<hbm>>
      %dma_start3A_48 = tpu.memref_squeeze %dma_start3A_47 : memref<1x250x80xf32, #tpu.memory_space<hbm>> -> memref<250x80xf32, #tpu.memory_space<hbm>>
      tpu.enqueue_dma source(%dma_start3A_48 : memref<250x80xf32, #tpu.memory_space<hbm>>) target(%arg11 : memref<250x80xf32, #tpu.memory_space<vmem>>) target_semaphore(%run_scoped3A : memref<!tpu.dma_semaphore, #tpu.memory_space<semaphore_mem>>)
      %dma_wait3A = arith.constant 0 : i32
      %dma_wait3A_49 = arith.constant 0 : i32
      %dma_wait3A_50 = tpu.memref_slice %arg5[%arg1, %dma_wait3A, %dma_wait3A_49] : memref<16x250x80xf32, #tpu.memory_space<hbm>> -> memref<1x250x80xf32, #tpu.memory_space<hbm>>
      %dma_wait3A_51 = tpu.memref_squeeze %dma_wait3A_50 : memref<1x250x80xf32, #tpu.memory_space<hbm>> -> memref<250x80xf32, #tpu.memory_space<hbm>>
      %dma_wait3A_52 = arith.constant 0 : i32
      %dma_wait3A_53 = arith.constant 0 : i32
      %dma_wait3A_54 = tpu.memref_slice %arg5[%arg1, %dma_wait3A_52, %dma_wait3A_53] : memref<16x250x80xf32, #tpu.memory_space<hbm>> -> memref<1x250x80xf32, #tpu.memory_space<hbm>>
      %dma_wait3A_55 = tpu.memref_squeeze %dma_wait3A_54 : memref<1x250x80xf32, #tpu.memory_space<hbm>> -> memref<250x80xf32, #tpu.memory_space<hbm>>
      tpu.wait_dma2 semaphore(%run_scoped3A : memref<!tpu.dma_semaphore, #tpu.memory_space<semaphore_mem>>) src(%dma_wait3A_55 : memref<250x80xf32, #tpu.memory_space<hbm>>) dst(%arg11 : memref<250x80xf32, #tpu.memory_space<vmem>>)
      tpu.yield
    }) : () -> ()
    %broadcast_in_dim3A = arith.constant 0.000000e+00 : f32
    %broadcast_in_dim3A_0 = vector.broadcast %broadcast_in_dim3A : f32 to vector<16xf32>
    %scan3A = arith.constant 0 : i32
    %scan3A_1 = arith.constant 0 : i32
    %scan3A_2 = arith.constant 208 : i32
    %scan3A_3 = arith.addi %scan3A_1, %scan3A_2 : i32
    %scan3A_4 = arith.constant 1 : i32
    scf.for %scan3A_42 = %scan3A_1 to %scan3A_3 step %scan3A_4  : i32 {
      %swap3A = arith.index_cast %scan3A_42 : i32 to index
      %swap3A_43 = arith.constant 0 : index
      %swap3A_44 = tpu.vector_load %arg14[%swap3A, %swap3A_43] {strides = array<i32>} : memref<208x64xf32, #tpu.memory_space<vmem>>, vector<1x16xf32>,
      %swap3A_45 = vector.shape_cast %swap3A_44 : vector<1x16xf32> to vector<16xf32>
      %swap3A_46 = vector.shape_cast %broadcast_in_dim3A_0 : vector<16xf32> to vector<1x16xf32>
      tpu.vector_store %arg14[%swap3A, %swap3A_43], %swap3A_46 {strides = array<i32>} : memref<208x64xf32, #tpu.memory_space<vmem>>, vector<1x16xf32>,
      %swap3A_47 = arith.index_cast %scan3A_42 : i32 to index
      %swap3A_48 = arith.constant 16 : index
      %swap3A_49 = tpu.vector_load %arg14[%swap3A_47, %swap3A_48] {strides = array<i32>} : memref<208x64xf32, #tpu.memory_space<vmem>>, vector<1x16xf32>,
      %swap3A_50 = vector.shape_cast %swap3A_49 : vector<1x16xf32> to vector<16xf32>
      %swap3A_51 = vector.shape_cast %broadcast_in_dim3A_0 : vector<16xf32> to vector<1x16xf32>
      tpu.vector_store %arg14[%swap3A_47, %swap3A_48], %swap3A_51 {strides = array<i32>} : memref<208x64xf32, #tpu.memory_space<vmem>>, vector<1x16xf32>,
      %swap3A_52 = arith.index_cast %scan3A_42 : i32 to index
      %swap3A_53 = arith.constant 32 : index
      %swap3A_54 = tpu.vector_load %arg14[%swap3A_52, %swap3A_53] {strides = array<i32>} : memref<208x64xf32, #tpu.memory_space<vmem>>, vector<1x16xf32>,
      %swap3A_55 = vector.shape_cast %swap3A_54 : vector<1x16xf32> to vector<16xf32>
      %swap3A_56 = vector.shape_cast %broadcast_in_dim3A_0 : vector<16xf32> to vector<1x16xf32>
      tpu.vector_store %arg14[%swap3A_52, %swap3A_53], %swap3A_56 {strides = array<i32>} : memref<208x64xf32, #tpu.memory_space<vmem>>, vector<1x16xf32>,
      %swap3A_57 = arith.index_cast %scan3A_42 : i32 to index
      %swap3A_58 = arith.constant 48 : index
      %swap3A_59 = tpu.vector_load %arg14[%swap3A_57, %swap3A_58] {strides = array<i32>} : memref<208x64xf32, #tpu.memory_space<vmem>>, vector<1x16xf32>,
      %swap3A_60 = vector.shape_cast %swap3A_59 : vector<1x16xf32> to vector<16xf32>
      %swap3A_61 = vector.shape_cast %broadcast_in_dim3A_0 : vector<16xf32> to vector<1x16xf32>
      tpu.vector_store %arg14[%swap3A_57, %swap3A_58], %swap3A_61 {strides = array<i32>} : memref<208x64xf32, #tpu.memory_space<vmem>>, vector<1x16xf32>,
    }
    %scan3A_5 = arith.constant 208 : i32
    "tpu.region"() ({
      %run_scoped3A = tpu.sem_alloc : memref<!tpu.dma_semaphore, #tpu.memory_space<semaphore_mem>>
      %dma_start3A = arith.constant 208 : i32
      %dma_start3A_42 = arith.constant 0 : i32
      %dma_start3A_43 = tpu.memref_slice %arg6[%dma_start3A, %dma_start3A_42] : memref<288x8xf32, #tpu.memory_space<hbm>> -> memref<80x8xf32, #tpu.memory_space<hbm>>
      %dma_start3A_44 = arith.constant 208 : i32
      %dma_start3A_45 = arith.constant 0 : i32
      %dma_start3A_46 = tpu.memref_slice %arg6[%dma_start3A_44, %dma_start3A_45] : memref<288x8xf32, #tpu.memory_space<hbm>> -> memref<80x8xf32, #tpu.memory_space<hbm>>
      tpu.enqueue_dma source(%dma_start3A_46 : memref<80x8xf32, #tpu.memory_space<hbm>>) target(%arg13 : memref<80x8xf32, #tpu.memory_space<vmem>>) target_semaphore(%run_scoped3A : memref<!tpu.dma_semaphore, #tpu.memory_space<semaphore_mem>>)
      %dma_wait3A = arith.constant 208 : i32
      %dma_wait3A_47 = arith.constant 0 : i32
      %dma_wait3A_48 = tpu.memref_slice %arg6[%dma_wait3A, %dma_wait3A_47] : memref<288x8xf32, #tpu.memory_space<hbm>> -> memref<80x8xf32, #tpu.memory_space<hbm>>
      %dma_wait3A_49 = arith.constant 208 : i32
      %dma_wait3A_50 = arith.constant 0 : i32
      %dma_wait3A_51 = tpu.memref_slice %arg6[%dma_wait3A_49, %dma_wait3A_50] : memref<288x8xf32, #tpu.memory_space<hbm>> -> memref<80x8xf32, #tpu.memory_space<hbm>>
      tpu.wait_dma2 semaphore(%run_scoped3A : memref<!tpu.dma_semaphore, #tpu.memory_space<semaphore_mem>>) src(%dma_wait3A_51 : memref<80x8xf32, #tpu.memory_space<hbm>>) dst(%arg13 : memref<80x8xf32, #tpu.memory_space<vmem>>)
      tpu.yield
    }) : () -> ()
    %mul3A = arith.constant 624 : i32
    %mul3A_6 = arith.muli %arg1, %mul3A : i32
    %add3A = arith.constant 0 : i32
    %add3A_7 = arith.addi %mul3A_6, %add3A : i32
    "tpu.region"() ({
      %run_scoped3A = tpu.sem_alloc : memref<!tpu.dma_semaphore, #tpu.memory_space<semaphore_mem>>
      %dma_start3A = arith.constant 0 : i32
      %dma_start3A_42 = tpu.memref_slice %arg15[%add3A_7, %dma_start3A] : memref<10000x64xf32, #tpu.memory_space<vmem_shared>> -> memref<208x64xf32, #tpu.memory_space<vmem_shared>>
      %dma_start3A_43 = arith.constant 0 : i32
      %dma_start3A_44 = tpu.memref_slice %arg15[%add3A_7, %dma_start3A_43] : memref<10000x64xf32, #tpu.memory_space<vmem_shared>> -> memref<208x64xf32, #tpu.memory_space<vmem_shared>>
      tpu.enqueue_dma source(%arg14 : memref<208x64xf32, #tpu.memory_space<vmem>>) target(%dma_start3A_44 : memref<208x64xf32, #tpu.memory_space<vmem_shared>>) target_semaphore(%run_scoped3A : memref<!tpu.dma_semaphore, #tpu.memory_space<semaphore_mem>>)
      %dma_wait3A = arith.constant 0 : i32
      %dma_wait3A_45 = tpu.memref_slice %arg15[%add3A_7, %dma_wait3A] : memref<10000x64xf32, #tpu.memory_space<vmem_shared>> -> memref<208x64xf32, #tpu.memory_space<vmem_shared>>
      %dma_wait3A_46 = arith.constant 0 : i32
      %dma_wait3A_47 = tpu.memref_slice %arg15[%add3A_7, %dma_wait3A_46] : memref<10000x64xf32, #tpu.memory_space<vmem_shared>> -> memref<208x64xf32, #tpu.memory_space<vmem_shared>>
      tpu.wait_dma2 semaphore(%run_scoped3A : memref<!tpu.dma_semaphore, #tpu.memory_space<semaphore_mem>>) src(%arg14 : memref<208x64xf32, #tpu.memory_space<vmem>>) dst(%dma_wait3A_47 : memref<208x64xf32, #tpu.memory_space<vmem_shared>>)
      tpu.yield
    }) : () -> ()
    "tpu.region"() ({
      %run_scoped3A = tpu.sem_alloc : memref<!tpu.dma_semaphore, #tpu.memory_space<semaphore_mem>>
      %dma_start3A = arith.constant 0 : i32
      %dma_start3A_42 = tpu.memref_slice %arg16[%add3A_7, %dma_start3A] : memref<10000x8xf32, #tpu.memory_space<vmem_shared>> -> memref<208x8xf32, #tpu.memory_space<vmem_shared>>
      %dma_start3A_43 = arith.constant 0 : i32
      %dma_start3A_44 = arith.constant 0 : i32
      %dma_start3A_45 = tpu.memref_slice %arg6[%dma_start3A_43, %dma_start3A_44] : memref<288x8xf32, #tpu.memory_space<hbm>> -> memref<208x8xf32, #tpu.memory_space<hbm>>
      tpu.enqueue_dma source(%dma_start3A_45 : memref<208x8xf32, #tpu.memory_space<hbm>>) target(%dma_start3A_42 : memref<208x8xf32, #tpu.memory_space<vmem_shared>>) target_semaphore(%run_scoped3A : memref<!tpu.dma_semaphore, #tpu.memory_space<semaphore_mem>>)
      %dma_wait3A = arith.constant 0 : i32
      %dma_wait3A_46 = tpu.memref_slice %arg16[%add3A_7, %dma_wait3A] : memref<10000x8xf32, #tpu.memory_space<vmem_shared>> -> memref<208x8xf32, #tpu.memory_space<vmem_shared>>
      %dma_wait3A_47 = arith.constant 0 : i32
      %dma_wait3A_48 = arith.constant 0 : i32
      %dma_wait3A_49 = tpu.memref_slice %arg6[%dma_wait3A_47, %dma_wait3A_48] : memref<288x8xf32, #tpu.memory_space<hbm>> -> memref<208x8xf32, #tpu.memory_space<hbm>>
      tpu.wait_dma2 semaphore(%run_scoped3A : memref<!tpu.dma_semaphore, #tpu.memory_space<semaphore_mem>>) src(%dma_wait3A_49 : memref<208x8xf32, #tpu.memory_space<hbm>>) dst(%dma_wait3A_46 : memref<208x8xf32, #tpu.memory_space<vmem_shared>>)
      tpu.yield
    }) : () -> ()
    %mul3A_8 = arith.constant 624 : i32
    %mul3A_9 = arith.muli %arg1, %mul3A_8 : i32
    %add3A_10 = arith.constant 208 : i32
    %add3A_11 = arith.addi %mul3A_9, %add3A_10 : i32
    "tpu.region"() ({
      %run_scoped3A = tpu.sem_alloc : memref<!tpu.dma_semaphore, #tpu.memory_space<semaphore_mem>>
      %dma_start3A = arith.constant 0 : i32
      %dma_start3A_42 = tpu.memref_slice %arg15[%add3A_11, %dma_start3A] : memref<10000x64xf32, #tpu.memory_space<vmem_shared>> -> memref<208x64xf32, #tpu.memory_space<vmem_shared>>
      %dma_start3A_43 = arith.constant 0 : i32
      %dma_start3A_44 = tpu.memref_slice %arg15[%add3A_11, %dma_start3A_43] : memref<10000x64xf32, #tpu.memory_space<vmem_shared>> -> memref<208x64xf32, #tpu.memory_space<vmem_shared>>
      tpu.enqueue_dma source(%arg14 : memref<208x64xf32, #tpu.memory_space<vmem>>) target(%dma_start3A_44 : memref<208x64xf32, #tpu.memory_space<vmem_shared>>) target_semaphore(%run_scoped3A : memref<!tpu.dma_semaphore, #tpu.memory_space<semaphore_mem>>)
      %dma_wait3A = arith.constant 0 : i32
      %dma_wait3A_45 = tpu.memref_slice %arg15[%add3A_11, %dma_wait3A] : memref<10000x64xf32, #tpu.memory_space<vmem_shared>> -> memref<208x64xf32, #tpu.memory_space<vmem_shared>>
      %dma_wait3A_46 = arith.constant 0 : i32
      %dma_wait3A_47 = tpu.memref_slice %arg15[%add3A_11, %dma_wait3A_46] : memref<10000x64xf32, #tpu.memory_space<vmem_shared>> -> memref<208x64xf32, #tpu.memory_space<vmem_shared>>
      tpu.wait_dma2 semaphore(%run_scoped3A : memref<!tpu.dma_semaphore, #tpu.memory_space<semaphore_mem>>) src(%arg14 : memref<208x64xf32, #tpu.memory_space<vmem>>) dst(%dma_wait3A_47 : memref<208x64xf32, #tpu.memory_space<vmem_shared>>)
      tpu.yield
    }) : () -> ()
    "tpu.region"() ({
      %run_scoped3A = tpu.sem_alloc : memref<!tpu.dma_semaphore, #tpu.memory_space<semaphore_mem>>
      %dma_start3A = arith.constant 0 : i32
      %dma_start3A_42 = tpu.memref_slice %arg16[%add3A_11, %dma_start3A] : memref<10000x8xf32, #tpu.memory_space<vmem_shared>> -> memref<208x8xf32, #tpu.memory_space<vmem_shared>>
      %dma_start3A_43 = arith.constant 0 : i32
      %dma_start3A_44 = arith.constant 0 : i32
      %dma_start3A_45 = tpu.memref_slice %arg6[%dma_start3A_43, %dma_start3A_44] : memref<288x8xf32, #tpu.memory_space<hbm>> -> memref<208x8xf32, #tpu.memory_space<hbm>>
      tpu.enqueue_dma source(%dma_start3A_45 : memref<208x8xf32, #tpu.memory_space<hbm>>) target(%dma_start3A_42 : memref<208x8xf32, #tpu.memory_space<vmem_shared>>) target_semaphore(%run_scoped3A : memref<!tpu.dma_semaphore, #tpu.memory_space<semaphore_mem>>)
      %dma_wait3A = arith.constant 0 : i32
      %dma_wait3A_46 = tpu.memref_slice %arg16[%add3A_11, %dma_wait3A] : memref<10000x8xf32, #tpu.memory_space<vmem_shared>> -> memref<208x8xf32, #tpu.memory_space<vmem_shared>>
      %dma_wait3A_47 = arith.constant 0 : i32
      %dma_wait3A_48 = arith.constant 0 : i32
      %dma_wait3A_49 = tpu.memref_slice %arg6[%dma_wait3A_47, %dma_wait3A_48] : memref<288x8xf32, #tpu.memory_space<hbm>> -> memref<208x8xf32, #tpu.memory_space<hbm>>
      tpu.wait_dma2 semaphore(%run_scoped3A : memref<!tpu.dma_semaphore, #tpu.memory_space<semaphore_mem>>) src(%dma_wait3A_49 : memref<208x8xf32, #tpu.memory_space<hbm>>) dst(%dma_wait3A_46 : memref<208x8xf32, #tpu.memory_space<vmem_shared>>)
      tpu.yield
    }) : () -> ()
    %mul3A_12 = arith.constant 624 : i32
    %mul3A_13 = arith.muli %arg1, %mul3A_12 : i32
    %add3A_14 = arith.constant 416 : i32
    %add3A_15 = arith.addi %mul3A_13, %add3A_14 : i32
    "tpu.region"() ({
      %run_scoped3A = tpu.sem_alloc : memref<!tpu.dma_semaphore, #tpu.memory_space<semaphore_mem>>
      %dma_start3A = arith.constant 0 : i32
      %dma_start3A_42 = tpu.memref_slice %arg15[%add3A_15, %dma_start3A] : memref<10000x64xf32, #tpu.memory_space<vmem_shared>> -> memref<208x64xf32, #tpu.memory_space<vmem_shared>>
      %dma_start3A_43 = arith.constant 0 : i32
      %dma_start3A_44 = tpu.memref_slice %arg15[%add3A_15, %dma_start3A_43] : memref<10000x64xf32, #tpu.memory_space<vmem_shared>> -> memref<208x64xf32, #tpu.memory_space<vmem_shared>>
      tpu.enqueue_dma source(%arg14 : memref<208x64xf32, #tpu.memory_space<vmem>>) target(%dma_start3A_44 : memref<208x64xf32, #tpu.memory_space<vmem_shared>>) target_semaphore(%run_scoped3A : memref<!tpu.dma_semaphore, #tpu.memory_space<semaphore_mem>>)
      %dma_wait3A = arith.constant 0 : i32
      %dma_wait3A_45 = tpu.memref_slice %arg15[%add3A_15, %dma_wait3A] : memref<10000x64xf32, #tpu.memory_space<vmem_shared>> -> memref<208x64xf32, #tpu.memory_space<vmem_shared>>
      %dma_wait3A_46 = arith.constant 0 : i32
      %dma_wait3A_47 = tpu.memref_slice %arg15[%add3A_15, %dma_wait3A_46] : memref<10000x64xf32, #tpu.memory_space<vmem_shared>> -> memref<208x64xf32, #tpu.memory_space<vmem_shared>>
      tpu.wait_dma2 semaphore(%run_scoped3A : memref<!tpu.dma_semaphore, #tpu.memory_space<semaphore_mem>>) src(%arg14 : memref<208x64xf32, #tpu.memory_space<vmem>>) dst(%dma_wait3A_47 : memref<208x64xf32, #tpu.memory_space<vmem_shared>>)
      tpu.yield
    }) : () -> ()
    "tpu.region"() ({
      %run_scoped3A = tpu.sem_alloc : memref<!tpu.dma_semaphore, #tpu.memory_space<semaphore_mem>>
      %dma_start3A = arith.constant 0 : i32
      %dma_start3A_42 = tpu.memref_slice %arg16[%add3A_15, %dma_start3A] : memref<10000x8xf32, #tpu.memory_space<vmem_shared>> -> memref<208x8xf32, #tpu.memory_space<vmem_shared>>
      %dma_start3A_43 = arith.constant 0 : i32
      %dma_start3A_44 = arith.constant 0 : i32
      %dma_start3A_45 = tpu.memref_slice %arg6[%dma_start3A_43, %dma_start3A_44] : memref<288x8xf32, #tpu.memory_space<hbm>> -> memref<208x8xf32, #tpu.memory_space<hbm>>
      tpu.enqueue_dma source(%dma_start3A_45 : memref<208x8xf32, #tpu.memory_space<hbm>>) target(%dma_start3A_42 : memref<208x8xf32, #tpu.memory_space<vmem_shared>>) target_semaphore(%run_scoped3A : memref<!tpu.dma_semaphore, #tpu.memory_space<semaphore_mem>>)
      %dma_wait3A = arith.constant 0 : i32
      %dma_wait3A_46 = tpu.memref_slice %arg16[%add3A_15, %dma_wait3A] : memref<10000x8xf32, #tpu.memory_space<vmem_shared>> -> memref<208x8xf32, #tpu.memory_space<vmem_shared>>
      %dma_wait3A_47 = arith.constant 0 : i32
      %dma_wait3A_48 = arith.constant 0 : i32
      %dma_wait3A_49 = tpu.memref_slice %arg6[%dma_wait3A_47, %dma_wait3A_48] : memref<288x8xf32, #tpu.memory_space<hbm>> -> memref<208x8xf32, #tpu.memory_space<hbm>>
      tpu.wait_dma2 semaphore(%run_scoped3A : memref<!tpu.dma_semaphore, #tpu.memory_space<semaphore_mem>>) src(%dma_wait3A_49 : memref<208x8xf32, #tpu.memory_space<hbm>>) dst(%dma_wait3A_46 : memref<208x8xf32, #tpu.memory_space<vmem_shared>>)
      tpu.yield
    }) : () -> ()
    %eq3A = arith.constant 0 : i32
    %eq3A_16 = arith.cmpi eq, %arg1, %eq3A : i32
    %convert_element_type3A = arith.extui %eq3A_16 : i1 to i32
    %cond3A = arith.constant 0 : i32
    %cond3A_17 = arith.cmpi ne, %convert_element_type3A, %cond3A : i32
    scf.if %cond3A_17 {
      "tpu.region"() ({
        %run_scoped3A = tpu.sem_alloc : memref<!tpu.dma_semaphore, #tpu.memory_space<semaphore_mem>>
        %dma_start3A = arith.constant 0 : i32
        %dma_start3A_42 = arith.constant 0 : i32
        %dma_start3A_43 = tpu.memref_slice %arg14[%dma_start3A, %dma_start3A_42] : memref<208x64xf32, #tpu.memory_space<vmem>> -> memref<16x64xf32, #tpu.memory_space<vmem>>
        %dma_start3A_44 = arith.constant 9984 : i32
        %dma_start3A_45 = arith.constant 0 : i32
        %dma_start3A_46 = tpu.memref_slice %arg15[%dma_start3A_44, %dma_start3A_45] : memref<10000x64xf32, #tpu.memory_space<vmem_shared>> -> memref<16x64xf32, #tpu.memory_space<vmem_shared>>
        %dma_start3A_47 = arith.constant 9984 : i32
        %dma_start3A_48 = arith.constant 0 : i32
        %dma_start3A_49 = tpu.memref_slice %arg15[%dma_start3A_47, %dma_start3A_48] : memref<10000x64xf32, #tpu.memory_space<vmem_shared>> -> memref<16x64xf32, #tpu.memory_space<vmem_shared>>
        %dma_start3A_50 = arith.constant 0 : i32
        %dma_start3A_51 = arith.constant 0 : i32
        %dma_start3A_52 = tpu.memref_slice %arg14[%dma_start3A_50, %dma_start3A_51] : memref<208x64xf32, #tpu.memory_space<vmem>> -> memref<16x64xf32, #tpu.memory_space<vmem>>
        tpu.enqueue_dma source(%dma_start3A_52 : memref<16x64xf32, #tpu.memory_space<vmem>>) target(%dma_start3A_49 : memref<16x64xf32, #tpu.memory_space<vmem_shared>>) target_semaphore(%run_scoped3A : memref<!tpu.dma_semaphore, #tpu.memory_space<semaphore_mem>>)
        %dma_wait3A = arith.constant 0 : i32
        %dma_wait3A_53 = arith.constant 0 : i32
        %dma_wait3A_54 = tpu.memref_slice %arg14[%dma_wait3A, %dma_wait3A_53] : memref<208x64xf32, #tpu.memory_space<vmem>> -> memref<16x64xf32, #tpu.memory_space<vmem>>
        %dma_wait3A_55 = arith.constant 9984 : i32
        %dma_wait3A_56 = arith.constant 0 : i32
        %dma_wait3A_57 = tpu.memref_slice %arg15[%dma_wait3A_55, %dma_wait3A_56] : memref<10000x64xf32, #tpu.memory_space<vmem_shared>> -> memref<16x64xf32, #tpu.memory_space<vmem_shared>>
        %dma_wait3A_58 = arith.constant 9984 : i32
        %dma_wait3A_59 = arith.constant 0 : i32
        %dma_wait3A_60 = tpu.memref_slice %arg15[%dma_wait3A_58, %dma_wait3A_59] : memref<10000x64xf32, #tpu.memory_space<vmem_shared>> -> memref<16x64xf32, #tpu.memory_space<vmem_shared>>
        %dma_wait3A_61 = arith.constant 0 : i32
        %dma_wait3A_62 = arith.constant 0 : i32
        %dma_wait3A_63 = tpu.memref_slice %arg14[%dma_wait3A_61, %dma_wait3A_62] : memref<208x64xf32, #tpu.memory_space<vmem>> -> memref<16x64xf32, #tpu.memory_space<vmem>>
        tpu.wait_dma2 semaphore(%run_scoped3A : memref<!tpu.dma_semaphore, #tpu.memory_space<semaphore_mem>>) src(%dma_wait3A_63 : memref<16x64xf32, #tpu.memory_space<vmem>>) dst(%dma_wait3A_60 : memref<16x64xf32, #tpu.memory_space<vmem_shared>>)
        tpu.yield
      }) : () -> ()
      "tpu.region"() ({
        %run_scoped3A = tpu.sem_alloc : memref<!tpu.dma_semaphore, #tpu.memory_space<semaphore_mem>>
        %dma_start3A = arith.constant 9984 : i32
        %dma_start3A_42 = arith.constant 0 : i32
        %dma_start3A_43 = tpu.memref_slice %arg16[%dma_start3A, %dma_start3A_42] : memref<10000x8xf32, #tpu.memory_space<vmem_shared>> -> memref<16x8xf32, #tpu.memory_space<vmem_shared>>
        %dma_start3A_44 = arith.constant 0 : i32
        %dma_start3A_45 = arith.constant 0 : i32
        %dma_start3A_46 = tpu.memref_slice %arg6[%dma_start3A_44, %dma_start3A_45] : memref<288x8xf32, #tpu.memory_space<hbm>> -> memref<16x8xf32, #tpu.memory_space<hbm>>
        tpu.enqueue_dma source(%dma_start3A_46 : memref<16x8xf32, #tpu.memory_space<hbm>>) target(%dma_start3A_43 : memref<16x8xf32, #tpu.memory_space<vmem_shared>>) target_semaphore(%run_scoped3A : memref<!tpu.dma_semaphore, #tpu.memory_space<semaphore_mem>>)
        %dma_wait3A = arith.constant 9984 : i32
        %dma_wait3A_47 = arith.constant 0 : i32
        %dma_wait3A_48 = tpu.memref_slice %arg16[%dma_wait3A, %dma_wait3A_47] : memref<10000x8xf32, #tpu.memory_space<vmem_shared>> -> memref<16x8xf32, #tpu.memory_space<vmem_shared>>
        %dma_wait3A_49 = arith.constant 0 : i32
        %dma_wait3A_50 = arith.constant 0 : i32
        %dma_wait3A_51 = tpu.memref_slice %arg6[%dma_wait3A_49, %dma_wait3A_50] : memref<288x8xf32, #tpu.memory_space<hbm>> -> memref<16x8xf32, #tpu.memory_space<hbm>>
        tpu.wait_dma2 semaphore(%run_scoped3A : memref<!tpu.dma_semaphore, #tpu.memory_space<semaphore_mem>>) src(%dma_wait3A_51 : memref<16x8xf32, #tpu.memory_space<hbm>>) dst(%dma_wait3A_48 : memref<16x8xf32, #tpu.memory_space<vmem_shared>>)
        tpu.yield
      }) : () -> ()
    } else {
    }
    %barrier3A = arith.constant 0 : index
    tpu.barrier barrier_id(%barrier3A)
    %scan3A_18 = arith.constant 0 : i32
    %scan3A_19 = arith.constant 0 : i32
    %scan3A_20 = arith.constant 252 : i32
    %scan3A_21 = arith.addi %scan3A_19, %scan3A_20 : i32
    %scan3A_22 = arith.constant 1 : i32
    scf.for %scan3A_42 = %scan3A_19 to %scan3A_21 step %scan3A_22  : i32 {
      %ge3A = arith.constant 2 : i32
      %ge3A_43 = arith.cmpi sge, %scan3A_42, %ge3A : i32
      %lt3A = arith.constant 252 : i32
      %lt3A_44 = arith.cmpi slt, %scan3A_42, %lt3A : i32
      %and3A = arith.andi %ge3A_43, %lt3A_44 : i1
      %convert_element_type3A_45 = arith.extui %and3A : i1 to i32
      %cond3A_46 = arith.constant 0 : i32
      %cond3A_47 = arith.cmpi ne, %convert_element_type3A_45, %cond3A_46 : i32
      scf.if %cond3A_47 {
        %sub3A_78 = arith.constant 2 : i32
        %sub3A_79 = arith.subi %scan3A_42, %sub3A_78 : i32
        %rem3A = arith.constant 2 : i32
        %rem3A_80 = arith.remsi %sub3A_79, %rem3A : i32
        %dma_wait3A = arith.constant 0 : i32
        %dma_wait3A_81 = arith.constant 0 : i32
        %dma_wait3A_82 = tpu.memref_slice %arg12[%rem3A_80, %dma_wait3A, %dma_wait3A_81] : memref<2x80x64xf32, #tpu.memory_space<vmem>> -> memref<1x80x64xf32, #tpu.memory_space<vmem>>
        %dma_wait3A_83 = tpu.memref_squeeze %dma_wait3A_82 : memref<1x80x64xf32, #tpu.memory_space<vmem>> -> memref<80x64xf32, #tpu.memory_space<vmem>>
        %dma_wait3A_84 = arith.constant 0 : i32
        %dma_wait3A_85 = tpu.memref_slice %arg10[%sub3A_79, %dma_wait3A_84] : memref<250x80xi32, #tpu.memory_space<vmem>> -> memref<1x80xi32, #tpu.memory_space<vmem>>
        %dma_wait3A_86 = tpu.memref_squeeze %dma_wait3A_85 : memref<1x80xi32, #tpu.memory_space<vmem>> -> memref<80xi32, #tpu.memory_space<vmem>>
        %dma_wait3A_87 = arith.constant 0 : i32
        %dma_wait3A_88 = arith.constant 0 : i32
        %dma_wait3A_89 = tpu.memref_slice %arg15[%dma_wait3A_87, %dma_wait3A_88] : memref<10000x64xf32, #tpu.memory_space<vmem_shared>> -> memref<10000x64xf32, #tpu.memory_space<vmem_shared>>
        tpu.wait_indirect_dma semaphore(%arg18 : memref<!tpu.dma_semaphore, #tpu.memory_space<semaphore_mem>>) src(%dma_wait3A_83 : memref<80x64xf32, #tpu.memory_space<vmem>>) dst(%dma_wait3A_89 : memref<10000x64xf32, #tpu.memory_space<vmem_shared>>)
      } else {
      }
      %ge3A_48 = arith.constant 2 : i32
      %ge3A_49 = arith.cmpi sge, %scan3A_42, %ge3A_48 : i32
      %lt3A_50 = arith.constant 252 : i32
      %lt3A_51 = arith.cmpi slt, %scan3A_42, %lt3A_50 : i32
      %and3A_52 = arith.andi %ge3A_49, %lt3A_51 : i1
      %sub3A = arith.constant 2 : i32
      %sub3A_53 = arith.subi %scan3A_42, %sub3A : i32
      %eq3A_54 = arith.constant 0 : i32
      %eq3A_55 = arith.cmpi eq, %arg0, %eq3A_54 : i32
      %lt3A_56 = arith.constant 125 : i32
      %lt3A_57 = arith.cmpi slt, %sub3A_53, %lt3A_56 : i32
      %eq3A_58 = arith.xori %eq3A_55, %lt3A_57 : i1
      %eq3A_59 = arith.constant true
      %eq3A_60 = arith.xori %eq3A_58, %eq3A_59 : i1
      %and3A_61 = arith.andi %and3A_52, %eq3A_60 : i1
      %convert_element_type3A_62 = arith.extui %and3A_61 : i1 to i32
      %cond3A_63 = arith.constant 0 : i32
      %cond3A_64 = arith.cmpi ne, %convert_element_type3A_62, %cond3A_63 : i32
      scf.if %cond3A_64 {
        %sub3A_78 = arith.constant 2 : i32
        %sub3A_79 = arith.subi %scan3A_42, %sub3A_78 : i32
        %dma_wait3A = arith.constant 0 : i32
        %dma_wait3A_80 = tpu.memref_slice %arg10[%sub3A_79, %dma_wait3A] : memref<250x80xi32, #tpu.memory_space<vmem>> -> memref<1x80xi32, #tpu.memory_space<vmem>>
        %dma_wait3A_81 = tpu.memref_squeeze %dma_wait3A_80 : memref<1x80xi32, #tpu.memory_space<vmem>> -> memref<80xi32, #tpu.memory_space<vmem>>
        %dma_wait3A_82 = arith.constant 0 : i32
        %dma_wait3A_83 = arith.constant 0 : i32
        %dma_wait3A_84 = tpu.memref_slice %arg16[%dma_wait3A_82, %dma_wait3A_83] : memref<10000x8xf32, #tpu.memory_space<vmem_shared>> -> memref<10000x8xf32, #tpu.memory_space<vmem_shared>>
        tpu.wait_indirect_dma semaphore(%arg19 : memref<!tpu.dma_semaphore, #tpu.memory_space<semaphore_mem>>) src(%arg13 : memref<80x8xf32, #tpu.memory_space<vmem>>) dst(%dma_wait3A_84 : memref<10000x8xf32, #tpu.memory_space<vmem_shared>>)
      } else {
      }
      %lt3A_65 = arith.constant 250 : i32
      %lt3A_66 = arith.cmpi slt, %scan3A_42, %lt3A_65 : i32
      %convert_element_type3A_67 = arith.extui %lt3A_66 : i1 to i32
      %cond3A_68 = arith.constant 0 : i32
      %cond3A_69 = arith.cmpi ne, %convert_element_type3A_67, %cond3A_68 : i32
      scf.if %cond3A_69 {
        %rem3A = arith.constant 2 : i32
        %rem3A_78 = arith.remsi %scan3A_42, %rem3A : i32
        %dma_start3A = arith.constant 0 : i32
        %dma_start3A_79 = arith.constant 0 : i32
        %dma_start3A_80 = tpu.memref_slice %arg12[%rem3A_78, %dma_start3A, %dma_start3A_79] : memref<2x80x64xf32, #tpu.memory_space<vmem>> -> memref<1x80x64xf32, #tpu.memory_space<vmem>>
        %dma_start3A_81 = tpu.memref_squeeze %dma_start3A_80 : memref<1x80x64xf32, #tpu.memory_space<vmem>> -> memref<80x64xf32, #tpu.memory_space<vmem>>
        %dma_start3A_82 = arith.constant 0 : i32
        %dma_start3A_83 = tpu.memref_slice %arg9[%scan3A_42, %dma_start3A_82] : memref<250x80xi32, #tpu.memory_space<vmem>> -> memref<1x80xi32, #tpu.memory_space<vmem>>
        %dma_start3A_84 = tpu.memref_squeeze %dma_start3A_83 : memref<1x80xi32, #tpu.memory_space<vmem>> -> memref<80xi32, #tpu.memory_space<vmem>>
        %dma_start3A_85 = arith.constant 0 : i32
        %dma_start3A_86 = arith.constant 0 : i32
        %dma_start3A_87 = tpu.memref_slice %arg2[%arg0, %dma_start3A_85, %dma_start3A_86] : memref<2x10000x64xf32, #tpu.memory_space<hbm>> -> memref<1x10000x64xf32, #tpu.memory_space<hbm>>
        %dma_start3A_88 = tpu.memref_squeeze %dma_start3A_87 : memref<1x10000x64xf32, #tpu.memory_space<hbm>> -> memref<10000x64xf32, #tpu.memory_space<hbm>>
        %dma_start3A_89 = arith.constant 0 : i32
        %dma_start3A_90 = arith.constant 0 : i32
        %dma_start3A_91 = tpu.memref_slice %dma_start3A_88[%dma_start3A_89, %dma_start3A_90] : memref<10000x64xf32, #tpu.memory_space<hbm>> -> memref<10000x64xf32, #tpu.memory_space<hbm>>
        tpu.enqueue_indirect_dma source(%dma_start3A_91 : memref<10000x64xf32, #tpu.memory_space<hbm>>) target(%dma_start3A_81 : memref<80x64xf32, #tpu.memory_space<vmem>>) offsets(%dma_start3A_84 : memref<80xi32, #tpu.memory_space<vmem>>) semaphore(%arg17 : memref<!tpu.dma_semaphore, #tpu.memory_space<semaphore_mem>>)
      } else {
      }
      %ge3A_70 = arith.constant 1 : i32
      %ge3A_71 = arith.cmpi sge, %scan3A_42, %ge3A_70 : i32
      %lt3A_72 = arith.constant 251 : i32
      %lt3A_73 = arith.cmpi slt, %scan3A_42, %lt3A_72 : i32
      %and3A_74 = arith.andi %ge3A_71, %lt3A_73 : i1
      %convert_element_type3A_75 = arith.extui %and3A_74 : i1 to i32
      %cond3A_76 = arith.constant 0 : i32
      %cond3A_77 = arith.cmpi ne, %convert_element_type3A_75, %cond3A_76 : i32
      scf.if %cond3A_77 {
        %sub3A_78 = arith.constant 1 : i32
        %sub3A_79 = arith.subi %scan3A_42, %sub3A_78 : i32
        %rem3A = arith.constant 2 : i32
        %rem3A_80 = arith.remsi %sub3A_79, %rem3A : i32
        %dma_wait3A = arith.constant 0 : i32
        %dma_wait3A_81 = arith.constant 0 : i32
        %dma_wait3A_82 = tpu.memref_slice %arg12[%rem3A_80, %dma_wait3A, %dma_wait3A_81] : memref<2x80x64xf32, #tpu.memory_space<vmem>> -> memref<1x80x64xf32, #tpu.memory_space<vmem>>
        %dma_wait3A_83 = tpu.memref_squeeze %dma_wait3A_82 : memref<1x80x64xf32, #tpu.memory_space<vmem>> -> memref<80x64xf32, #tpu.memory_space<vmem>>
        %dma_wait3A_84 = arith.constant 0 : i32
        %dma_wait3A_85 = tpu.memref_slice %arg9[%sub3A_79, %dma_wait3A_84] : memref<250x80xi32, #tpu.memory_space<vmem>> -> memref<1x80xi32, #tpu.memory_space<vmem>>
        %dma_wait3A_86 = tpu.memref_squeeze %dma_wait3A_85 : memref<1x80xi32, #tpu.memory_space<vmem>> -> memref<80xi32, #tpu.memory_space<vmem>>
        %dma_wait3A_87 = arith.constant 0 : i32
        %dma_wait3A_88 = arith.constant 0 : i32
        %dma_wait3A_89 = tpu.memref_slice %arg2[%arg0, %dma_wait3A_87, %dma_wait3A_88] : memref<2x10000x64xf32, #tpu.memory_space<hbm>> -> memref<1x10000x64xf32, #tpu.memory_space<hbm>>
        %dma_wait3A_90 = tpu.memref_squeeze %dma_wait3A_89 : memref<1x10000x64xf32, #tpu.memory_space<hbm>> -> memref<10000x64xf32, #tpu.memory_space<hbm>>
        %dma_wait3A_91 = arith.constant 0 : i32
        %dma_wait3A_92 = arith.constant 0 : i32
        %dma_wait3A_93 = tpu.memref_slice %dma_wait3A_90[%dma_wait3A_91, %dma_wait3A_92] : memref<10000x64xf32, #tpu.memory_space<hbm>> -> memref<10000x64xf32, #tpu.memory_space<hbm>>
        tpu.wait_indirect_dma semaphore(%arg17 : memref<!tpu.dma_semaphore, #tpu.memory_space<semaphore_mem>>) src(%dma_wait3A_93 : memref<10000x64xf32, #tpu.memory_space<hbm>>) dst(%dma_wait3A_83 : memref<80x64xf32, #tpu.memory_space<vmem>>)
        %scan3A_94 = arith.constant 0 : i32
        %scan3A_95 = arith.constant 0 : i32
        %scan3A_96 = arith.constant 5 : i32
        %scan3A_97 = arith.addi %scan3A_95, %scan3A_96 : i32
        %scan3A_98 = arith.constant 1 : i32
        scf.for %scan3A_119 = %scan3A_95 to %scan3A_97 step %scan3A_98  : i32 {
          %mul3A_120 = arith.constant 16 : i32
          %mul3A_121 = arith.muli %scan3A_119, %mul3A_120 : i32
          %get3A = arith.index_cast %sub3A_79 : i32 to index
          %get3A_122 = arith.index_cast %mul3A_121 : i32 to index
          %get3A_123 = tpu.vector_load %arg11[%get3A, %get3A_122] {strides = array<i32>} : memref<250x80xf32, #tpu.memory_space<vmem>>, vector<1x16xf32>,
          %get3A_124 = vector.shape_cast %get3A_123 : vector<1x16xf32> to vector<16xf32>
          %slice3A = vector.extract_strided_slice %get3A_124 {offsets = [0], sizes = [1], strides = [1]} : vector<16xf32> to vector<1xf32>
          %squeeze3A = vector.extract %slice3A[0] : f32 from vector<1xf32>
          %broadcast_in_dim3A_125 = vector.broadcast %squeeze3A : f32 to vector<16xf32>
          %add3A_126 = arith.constant 0 : i32
          %add3A_127 = arith.addi %mul3A_121, %add3A_126 : i32
          %get3A_128 = arith.index_cast %rem3A_80 : i32 to index
          %get3A_129 = arith.index_cast %add3A_127 : i32 to index
          %get3A_130 = arith.constant 0 : index
          %get3A_131 = tpu.vector_load %arg12[%get3A_128, %get3A_129, %get3A_130] {strides = array<i32>} : memref<2x80x64xf32, #tpu.memory_space<vmem>>, vector<1x1x16xf32>,
          %get3A_132 = vector.shape_cast %get3A_131 : vector<1x1x16xf32> to vector<16xf32>
          %mul3A_133 = arith.mulf %get3A_132, %broadcast_in_dim3A_125 : vector<16xf32>
          %add3A_134 = arith.constant 0 : i32
          %add3A_135 = arith.addi %mul3A_121, %add3A_134 : i32
          %swap3A = arith.index_cast %rem3A_80 : i32 to index
          %swap3A_136 = arith.index_cast %add3A_135 : i32 to index
          %swap3A_137 = arith.constant 0 : index
          %swap3A_138 = tpu.vector_load %arg12[%swap3A, %swap3A_136, %swap3A_137] {strides = array<i32>} : memref<2x80x64xf32, #tpu.memory_space<vmem>>, vector<1x1x16xf32>,
          %swap3A_139 = vector.shape_cast %swap3A_138 : vector<1x1x16xf32> to vector<16xf32>
          %swap3A_140 = vector.shape_cast %mul3A_133 : vector<16xf32> to vector<1x1x16xf32>
          tpu.vector_store %arg12[%swap3A, %swap3A_136, %swap3A_137], %swap3A_140 {strides = array<i32>} : memref<2x80x64xf32, #tpu.memory_space<vmem>>, vector<1x1x16xf32>,
          %add3A_141 = arith.constant 0 : i32
          %add3A_142 = arith.addi %mul3A_121, %add3A_141 : i32
          %get3A_143 = arith.index_cast %rem3A_80 : i32 to index
          %get3A_144 = arith.index_cast %add3A_142 : i32 to index
          %get3A_145 = arith.constant 16 : index
          %get3A_146 = tpu.vector_load %arg12[%get3A_143, %get3A_144, %get3A_145] {strides = array<i32>} : memref<2x80x64xf32, #tpu.memory_space<vmem>>, vector<1x1x16xf32>,
          %get3A_147 = vector.shape_cast %get3A_146 : vector<1x1x16xf32> to vector<16xf32>
          %mul3A_148 = arith.mulf %get3A_147, %broadcast_in_dim3A_125 : vector<16xf32>
          %add3A_149 = arith.constant 0 : i32
          %add3A_150 = arith.addi %mul3A_121, %add3A_149 : i32
          %swap3A_151 = arith.index_cast %rem3A_80 : i32 to index
          %swap3A_152 = arith.index_cast %add3A_150 : i32 to index
          %swap3A_153 = arith.constant 16 : index
          %swap3A_154 = tpu.vector_load %arg12[%swap3A_151, %swap3A_152, %swap3A_153] {strides = array<i32>} : memref<2x80x64xf32, #tpu.memory_space<vmem>>, vector<1x1x16xf32>,
          %swap3A_155 = vector.shape_cast %swap3A_154 : vector<1x1x16xf32> to vector<16xf32>
          %swap3A_156 = vector.shape_cast %mul3A_148 : vector<16xf32> to vector<1x1x16xf32>
          tpu.vector_store %arg12[%swap3A_151, %swap3A_152, %swap3A_153], %swap3A_156 {strides = array<i32>} : memref<2x80x64xf32, #tpu.memory_space<vmem>>, vector<1x1x16xf32>,
          %add3A_157 = arith.constant 0 : i32
          %add3A_158 = arith.addi %mul3A_121, %add3A_157 : i32
          %get3A_159 = arith.index_cast %rem3A_80 : i32 to index
          %get3A_160 = arith.index_cast %add3A_158 : i32 to index
          %get3A_161 = arith.constant 32 : index
          %get3A_162 = tpu.vector_load %arg12[%get3A_159, %get3A_160, %get3A_161] {strides = array<i32>} : memref<2x80x64xf32, #tpu.memory_space<vmem>>, vector<1x1x16xf32>,
          %get3A_163 = vector.shape_cast %get3A_162 : vector<1x1x16xf32> to vector<16xf32>
          %mul3A_164 = arith.mulf %get3A_163, %broadcast_in_dim3A_125 : vector<16xf32>
          %add3A_165 = arith.constant 0 : i32
          %add3A_166 = arith.addi %mul3A_121, %add3A_165 : i32
          %swap3A_167 = arith.index_cast %rem3A_80 : i32 to index
          %swap3A_168 = arith.index_cast %add3A_166 : i32 to index
          %swap3A_169 = arith.constant 32 : index
          %swap3A_170 = tpu.vector_load %arg12[%swap3A_167, %swap3A_168, %swap3A_169] {strides = array<i32>} : memref<2x80x64xf32, #tpu.memory_space<vmem>>, vector<1x1x16xf32>,
          %swap3A_171 = vector.shape_cast %swap3A_170 : vector<1x1x16xf32> to vector<16xf32>
          %swap3A_172 = vector.shape_cast %mul3A_164 : vector<16xf32> to vector<1x1x16xf32>
          tpu.vector_store %arg12[%swap3A_167, %swap3A_168, %swap3A_169], %swap3A_172 {strides = array<i32>} : memref<2x80x64xf32, #tpu.memory_space<vmem>>, vector<1x1x16xf32>,
          %add3A_173 = arith.constant 0 : i32
          %add3A_174 = arith.addi %mul3A_121, %add3A_173 : i32
          %get3A_175 = arith.index_cast %rem3A_80 : i32 to index
          %get3A_176 = arith.index_cast %add3A_174 : i32 to index
          %get3A_177 = arith.constant 48 : index
          %get3A_178 = tpu.vector_load %arg12[%get3A_175, %get3A_176, %get3A_177] {strides = array<i32>} : memref<2x80x64xf32, #tpu.memory_space<vmem>>, vector<1x1x16xf32>,
          %get3A_179 = vector.shape_cast %get3A_178 : vector<1x1x16xf32> to vector<16xf32>
          %mul3A_180 = arith.mulf %get3A_179, %broadcast_in_dim3A_125 : vector<16xf32>
          %add3A_181 = arith.constant 0 : i32
          %add3A_182 = arith.addi %mul3A_121, %add3A_181 : i32
          %swap3A_183 = arith.index_cast %rem3A_80 : i32 to index
          %swap3A_184 = arith.index_cast %add3A_182 : i32 to index
          %swap3A_185 = arith.constant 48 : index
          %swap3A_186 = tpu.vector_load %arg12[%swap3A_183, %swap3A_184, %swap3A_185] {strides = array<i32>} : memref<2x80x64xf32, #tpu.memory_space<vmem>>, vector<1x1x16xf32>,
          %swap3A_187 = vector.shape_cast %swap3A_186 : vector<1x1x16xf32> to vector<16xf32>
          %swap3A_188 = vector.shape_cast %mul3A_180 : vector<16xf32> to vector<1x1x16xf32>
          tpu.vector_store %arg12[%swap3A_183, %swap3A_184, %swap3A_185], %swap3A_188 {strides = array<i32>} : memref<2x80x64xf32, #tpu.memory_space<vmem>>, vector<1x1x16xf32>,
          %slice3A_189 = vector.extract_strided_slice %get3A_124 {offsets = [1], sizes = [1], strides = [1]} : vector<16xf32> to vector<1xf32>
          %squeeze3A_190 = vector.extract %slice3A_189[0] : f32 from vector<1xf32>
          %broadcast_in_dim3A_191 = vector.broadcast %squeeze3A_190 : f32 to vector<16xf32>
          %add3A_192 = arith.constant 1 : i32
          %add3A_193 = arith.addi %mul3A_121, %add3A_192 : i32
          %get3A_194 = arith.index_cast %rem3A_80 : i32 to index
          %get3A_195 = arith.index_cast %add3A_193 : i32 to index
          %get3A_196 = arith.constant 0 : index
          %get3A_197 = tpu.vector_load %arg12[%get3A_194, %get3A_195, %get3A_196] {strides = array<i32>} : memref<2x80x64xf32, #tpu.memory_space<vmem>>, vector<1x1x16xf32>,
          %get3A_198 = vector.shape_cast %get3A_197 : vector<1x1x16xf32> to vector<16xf32>
          %mul3A_199 = arith.mulf %get3A_198, %broadcast_in_dim3A_191 : vector<16xf32>
          %add3A_200 = arith.constant 1 : i32
          %add3A_201 = arith.addi %mul3A_121, %add3A_200 : i32
          %swap3A_202 = arith.index_cast %rem3A_80 : i32 to index
          %swap3A_203 = arith.index_cast %add3A_201 : i32 to index
          %swap3A_204 = arith.constant 0 : index
          %swap3A_205 = tpu.vector_load %arg12[%swap3A_202, %swap3A_203, %swap3A_204] {strides = array<i32>} : memref<2x80x64xf32, #tpu.memory_space<vmem>>, vector<1x1x16xf32>,
          %swap3A_206 = vector.shape_cast %swap3A_205 : vector<1x1x16xf32> to vector<16xf32>
          %swap3A_207 = vector.shape_cast %mul3A_199 : vector<16xf32> to vector<1x1x16xf32>
          tpu.vector_store %arg12[%swap3A_202, %swap3A_203, %swap3A_204], %swap3A_207 {strides = array<i32>} : memref<2x80x64xf32, #tpu.memory_space<vmem>>, vector<1x1x16xf32>,
          %add3A_208 = arith.constant 1 : i32
          %add3A_209 = arith.addi %mul3A_121, %add3A_208 : i32
          %get3A_210 = arith.index_cast %rem3A_80 : i32 to index
          %get3A_211 = arith.index_cast %add3A_209 : i32 to index
          %get3A_212 = arith.constant 16 : index
          %get3A_213 = tpu.vector_load %arg12[%get3A_210, %get3A_211, %get3A_212] {strides = array<i32>} : memref<2x80x64xf32, #tpu.memory_space<vmem>>, vector<1x1x16xf32>,
          %get3A_214 = vector.shape_cast %get3A_213 : vector<1x1x16xf32> to vector<16xf32>
          %mul3A_215 = arith.mulf %get3A_214, %broadcast_in_dim3A_191 : vector<16xf32>
          %add3A_216 = arith.constant 1 : i32
          %add3A_217 = arith.addi %mul3A_121, %add3A_216 : i32
          %swap3A_218 = arith.index_cast %rem3A_80 : i32 to index
          %swap3A_219 = arith.index_cast %add3A_217 : i32 to index
          %swap3A_220 = arith.constant 16 : index
          %swap3A_221 = tpu.vector_load %arg12[%swap3A_218, %swap3A_219, %swap3A_220] {strides = array<i32>} : memref<2x80x64xf32, #tpu.memory_space<vmem>>, vector<1x1x16xf32>,
          %swap3A_222 = vector.shape_cast %swap3A_221 : vector<1x1x16xf32> to vector<16xf32>
          %swap3A_223 = vector.shape_cast %mul3A_215 : vector<16xf32> to vector<1x1x16xf32>
          tpu.vector_store %arg12[%swap3A_218, %swap3A_219, %swap3A_220], %swap3A_223 {strides = array<i32>} : memref<2x80x64xf32, #tpu.memory_space<vmem>>, vector<1x1x16xf32>,
          %add3A_224 = arith.constant 1 : i32
          %add3A_225 = arith.addi %mul3A_121, %add3A_224 : i32
          %get3A_226 = arith.index_cast %rem3A_80 : i32 to index
          %get3A_227 = arith.index_cast %add3A_225 : i32 to index
          %get3A_228 = arith.constant 32 : index
          %get3A_229 = tpu.vector_load %arg12[%get3A_226, %get3A_227, %get3A_228] {strides = array<i32>} : memref<2x80x64xf32, #tpu.memory_space<vmem>>, vector<1x1x16xf32>,
          %get3A_230 = vector.shape_cast %get3A_229 : vector<1x1x16xf32> to vector<16xf32>
          %mul3A_231 = arith.mulf %get3A_230, %broadcast_in_dim3A_191 : vector<16xf32>
          %add3A_232 = arith.constant 1 : i32
          %add3A_233 = arith.addi %mul3A_121, %add3A_232 : i32
          %swap3A_234 = arith.index_cast %rem3A_80 : i32 to index
          %swap3A_235 = arith.index_cast %add3A_233 : i32 to index
          %swap3A_236 = arith.constant 32 : index
          %swap3A_237 = tpu.vector_load %arg12[%swap3A_234, %swap3A_235, %swap3A_236] {strides = array<i32>} : memref<2x80x64xf32, #tpu.memory_space<vmem>>, vector<1x1x16xf32>,
          %swap3A_238 = vector.shape_cast %swap3A_237 : vector<1x1x16xf32> to vector<16xf32>
          %swap3A_239 = vector.shape_cast %mul3A_231 : vector<16xf32> to vector<1x1x16xf32>
          tpu.vector_store %arg12[%swap3A_234, %swap3A_235, %swap3A_236], %swap3A_239 {strides = array<i32>} : memref<2x80x64xf32, #tpu.memory_space<vmem>>, vector<1x1x16xf32>,
          %add3A_240 = arith.constant 1 : i32
          %add3A_241 = arith.addi %mul3A_121, %add3A_240 : i32
          %get3A_242 = arith.index_cast %rem3A_80 : i32 to index
          %get3A_243 = arith.index_cast %add3A_241 : i32 to index
          %get3A_244 = arith.constant 48 : index
          %get3A_245 = tpu.vector_load %arg12[%get3A_242, %get3A_243, %get3A_244] {strides = array<i32>} : memref<2x80x64xf32, #tpu.memory_space<vmem>>, vector<1x1x16xf32>,
          %get3A_246 = vector.shape_cast %get3A_245 : vector<1x1x16xf32> to vector<16xf32>
          %mul3A_247 = arith.mulf %get3A_246, %broadcast_in_dim3A_191 : vector<16xf32>
          %add3A_248 = arith.constant 1 : i32
          %add3A_249 = arith.addi %mul3A_121, %add3A_248 : i32
          %swap3A_250 = arith.index_cast %rem3A_80 : i32 to index
          %swap3A_251 = arith.index_cast %add3A_249 : i32 to index
          %swap3A_252 = arith.constant 48 : index
          %swap3A_253 = tpu.vector_load %arg12[%swap3A_250, %swap3A_251, %swap3A_252] {strides = array<i32>} : memref<2x80x64xf32, #tpu.memory_space<vmem>>, vector<1x1x16xf32>,
          %swap3A_254 = vector.shape_cast %swap3A_253 : vector<1x1x16xf32> to vector<16xf32>
          %swap3A_255 = vector.shape_cast %mul3A_247 : vector<16xf32> to vector<1x1x16xf32>
          tpu.vector_store %arg12[%swap3A_250, %swap3A_251, %swap3A_252], %swap3A_255 {strides = array<i32>} : memref<2x80x64xf32, #tpu.memory_space<vmem>>, vector<1x1x16xf32>,
          %slice3A_256 = vector.extract_strided_slice %get3A_124 {offsets = [2], sizes = [1], strides = [1]} : vector<16xf32> to vector<1xf32>
          %squeeze3A_257 = vector.extract %slice3A_256[0] : f32 from vector<1xf32>
          %broadcast_in_dim3A_258 = vector.broadcast %squeeze3A_257 : f32 to vector<16xf32>
          %add3A_259 = arith.constant 2 : i32
          %add3A_260 = arith.addi %mul3A_121, %add3A_259 : i32
          %get3A_261 = arith.index_cast %rem3A_80 : i32 to index
          %get3A_262 = arith.index_cast %add3A_260 : i32 to index
          %get3A_263 = arith.constant 0 : index
          %get3A_264 = tpu.vector_load %arg12[%get3A_261, %get3A_262, %get3A_263] {strides = array<i32>} : memref<2x80x64xf32, #tpu.memory_space<vmem>>, vector<1x1x16xf32>,
          %get3A_265 = vector.shape_cast %get3A_264 : vector<1x1x16xf32> to vector<16xf32>
          %mul3A_266 = arith.mulf %get3A_265, %broadcast_in_dim3A_258 : vector<16xf32>
          %add3A_267 = arith.constant 2 : i32
          %add3A_268 = arith.addi %mul3A_121, %add3A_267 : i32
          %swap3A_269 = arith.index_cast %rem3A_80 : i32 to index
          %swap3A_270 = arith.index_cast %add3A_268 : i32 to index
          %swap3A_271 = arith.constant 0 : index
          %swap3A_272 = tpu.vector_load %arg12[%swap3A_269, %swap3A_270, %swap3A_271] {strides = array<i32>} : memref<2x80x64xf32, #tpu.memory_space<vmem>>, vector<1x1x16xf32>,
          %swap3A_273 = vector.shape_cast %swap3A_272 : vector<1x1x16xf32> to vector<16xf32>
          %swap3A_274 = vector.shape_cast %mul3A_266 : vector<16xf32> to vector<1x1x16xf32>
          tpu.vector_store %arg12[%swap3A_269, %swap3A_270, %swap3A_271], %swap3A_274 {strides = array<i32>} : memref<2x80x64xf32, #tpu.memory_space<vmem>>, vector<1x1x16xf32>,
          %add3A_275 = arith.constant 2 : i32
          %add3A_276 = arith.addi %mul3A_121, %add3A_275 : i32
          %get3A_277 = arith.index_cast %rem3A_80 : i32 to index
          %get3A_278 = arith.index_cast %add3A_276 : i32 to index
          %get3A_279 = arith.constant 16 : index
          %get3A_280 = tpu.vector_load %arg12[%get3A_277, %get3A_278, %get3A_279] {strides = array<i32>} : memref<2x80x64xf32, #tpu.memory_space<vmem>>, vector<1x1x16xf32>,
          %get3A_281 = vector.shape_cast %get3A_280 : vector<1x1x16xf32> to vector<16xf32>
          %mul3A_282 = arith.mulf %get3A_281, %broadcast_in_dim3A_258 : vector<16xf32>
          %add3A_283 = arith.constant 2 : i32
          %add3A_284 = arith.addi %mul3A_121, %add3A_283 : i32
          %swap3A_285 = arith.index_cast %rem3A_80 : i32 to index
          %swap3A_286 = arith.index_cast %add3A_284 : i32 to index
          %swap3A_287 = arith.constant 16 : index
          %swap3A_288 = tpu.vector_load %arg12[%swap3A_285, %swap3A_286, %swap3A_287] {strides = array<i32>} : memref<2x80x64xf32, #tpu.memory_space<vmem>>, vector<1x1x16xf32>,
          %swap3A_289 = vector.shape_cast %swap3A_288 : vector<1x1x16xf32> to vector<16xf32>
          %swap3A_290 = vector.shape_cast %mul3A_282 : vector<16xf32> to vector<1x1x16xf32>
          tpu.vector_store %arg12[%swap3A_285, %swap3A_286, %swap3A_287], %swap3A_290 {strides = array<i32>} : memref<2x80x64xf32, #tpu.memory_space<vmem>>, vector<1x1x16xf32>,
          %add3A_291 = arith.constant 2 : i32
          %add3A_292 = arith.addi %mul3A_121, %add3A_291 : i32
          %get3A_293 = arith.index_cast %rem3A_80 : i32 to index
          %get3A_294 = arith.index_cast %add3A_292 : i32 to index
          %get3A_295 = arith.constant 32 : index
          %get3A_296 = tpu.vector_load %arg12[%get3A_293, %get3A_294, %get3A_295] {strides = array<i32>} : memref<2x80x64xf32, #tpu.memory_space<vmem>>, vector<1x1x16xf32>,
          %get3A_297 = vector.shape_cast %get3A_296 : vector<1x1x16xf32> to vector<16xf32>
          %mul3A_298 = arith.mulf %get3A_297, %broadcast_in_dim3A_258 : vector<16xf32>
          %add3A_299 = arith.constant 2 : i32
          %add3A_300 = arith.addi %mul3A_121, %add3A_299 : i32
          %swap3A_301 = arith.index_cast %rem3A_80 : i32 to index
          %swap3A_302 = arith.index_cast %add3A_300 : i32 to index
          %swap3A_303 = arith.constant 32 : index
          %swap3A_304 = tpu.vector_load %arg12[%swap3A_301, %swap3A_302, %swap3A_303] {strides = array<i32>} : memref<2x80x64xf32, #tpu.memory_space<vmem>>, vector<1x1x16xf32>,
          %swap3A_305 = vector.shape_cast %swap3A_304 : vector<1x1x16xf32> to vector<16xf32>
          %swap3A_306 = vector.shape_cast %mul3A_298 : vector<16xf32> to vector<1x1x16xf32>
          tpu.vector_store %arg12[%swap3A_301, %swap3A_302, %swap3A_303], %swap3A_306 {strides = array<i32>} : memref<2x80x64xf32, #tpu.memory_space<vmem>>, vector<1x1x16xf32>,
          %add3A_307 = arith.constant 2 : i32
          %add3A_308 = arith.addi %mul3A_121, %add3A_307 : i32
          %get3A_309 = arith.index_cast %rem3A_80 : i32 to index
          %get3A_310 = arith.index_cast %add3A_308 : i32 to index
          %get3A_311 = arith.constant 48 : index
          %get3A_312 = tpu.vector_load %arg12[%get3A_309, %get3A_310, %get3A_311] {strides = array<i32>} : memref<2x80x64xf32, #tpu.memory_space<vmem>>, vector<1x1x16xf32>,
          %get3A_313 = vector.shape_cast %get3A_312 : vector<1x1x16xf32> to vector<16xf32>
          %mul3A_314 = arith.mulf %get3A_313, %broadcast_in_dim3A_258 : vector<16xf32>
          %add3A_315 = arith.constant 2 : i32
          %add3A_316 = arith.addi %mul3A_121, %add3A_315 : i32
          %swap3A_317 = arith.index_cast %rem3A_80 : i32 to index
          %swap3A_318 = arith.index_cast %add3A_316 : i32 to index
          %swap3A_319 = arith.constant 48 : index
          %swap3A_320 = tpu.vector_load %arg12[%swap3A_317, %swap3A_318, %swap3A_319] {strides = array<i32>} : memref<2x80x64xf32, #tpu.memory_space<vmem>>, vector<1x1x16xf32>,
          %swap3A_321 = vector.shape_cast %swap3A_320 : vector<1x1x16xf32> to vector<16xf32>
          %swap3A_322 = vector.shape_cast %mul3A_314 : vector<16xf32> to vector<1x1x16xf32>
          tpu.vector_store %arg12[%swap3A_317, %swap3A_318, %swap3A_319], %swap3A_322 {strides = array<i32>} : memref<2x80x64xf32, #tpu.memory_space<vmem>>, vector<1x1x16xf32>,
          %slice3A_323 = vector.extract_strided_slice %get3A_124 {offsets = [3], sizes = [1], strides = [1]} : vector<16xf32> to vector<1xf32>
          %squeeze3A_324 = vector.extract %slice3A_323[0] : f32 from vector<1xf32>
          %broadcast_in_dim3A_325 = vector.broadcast %squeeze3A_324 : f32 to vector<16xf32>
          %add3A_326 = arith.constant 3 : i32
          %add3A_327 = arith.addi %mul3A_121, %add3A_326 : i32
          %get3A_328 = arith.index_cast %rem3A_80 : i32 to index
          %get3A_329 = arith.index_cast %add3A_327 : i32 to index
          %get3A_330 = arith.constant 0 : index
          %get3A_331 = tpu.vector_load %arg12[%get3A_328, %get3A_329, %get3A_330] {strides = array<i32>} : memref<2x80x64xf32, #tpu.memory_space<vmem>>, vector<1x1x16xf32>,
          %get3A_332 = vector.shape_cast %get3A_331 : vector<1x1x16xf32> to vector<16xf32>
          %mul3A_333 = arith.mulf %get3A_332, %broadcast_in_dim3A_325 : vector<16xf32>
          %add3A_334 = arith.constant 3 : i32
          %add3A_335 = arith.addi %mul3A_121, %add3A_334 : i32
          %swap3A_336 = arith.index_cast %rem3A_80 : i32 to index
          %swap3A_337 = arith.index_cast %add3A_335 : i32 to index
          %swap3A_338 = arith.constant 0 : index
          %swap3A_339 = tpu.vector_load %arg12[%swap3A_336, %swap3A_337, %swap3A_338] {strides = array<i32>} : memref<2x80x64xf32, #tpu.memory_space<vmem>>, vector<1x1x16xf32>,
          %swap3A_340 = vector.shape_cast %swap3A_339 : vector<1x1x16xf32> to vector<16xf32>
          %swap3A_341 = vector.shape_cast %mul3A_333 : vector<16xf32> to vector<1x1x16xf32>
          tpu.vector_store %arg12[%swap3A_336, %swap3A_337, %swap3A_338], %swap3A_341 {strides = array<i32>} : memref<2x80x64xf32, #tpu.memory_space<vmem>>, vector<1x1x16xf32>,
          %add3A_342 = arith.constant 3 : i32
          %add3A_343 = arith.addi %mul3A_121, %add3A_342 : i32
          %get3A_344 = arith.index_cast %rem3A_80 : i32 to index
          %get3A_345 = arith.index_cast %add3A_343 : i32 to index
          %get3A_346 = arith.constant 16 : index
          %get3A_347 = tpu.vector_load %arg12[%get3A_344, %get3A_345, %get3A_346] {strides = array<i32>} : memref<2x80x64xf32, #tpu.memory_space<vmem>>, vector<1x1x16xf32>,
          %get3A_348 = vector.shape_cast %get3A_347 : vector<1x1x16xf32> to vector<16xf32>
          %mul3A_349 = arith.mulf %get3A_348, %broadcast_in_dim3A_325 : vector<16xf32>
          %add3A_350 = arith.constant 3 : i32
          %add3A_351 = arith.addi %mul3A_121, %add3A_350 : i32
          %swap3A_352 = arith.index_cast %rem3A_80 : i32 to index
          %swap3A_353 = arith.index_cast %add3A_351 : i32 to index
          %swap3A_354 = arith.constant 16 : index
          %swap3A_355 = tpu.vector_load %arg12[%swap3A_352, %swap3A_353, %swap3A_354] {strides = array<i32>} : memref<2x80x64xf32, #tpu.memory_space<vmem>>, vector<1x1x16xf32>,
          %swap3A_356 = vector.shape_cast %swap3A_355 : vector<1x1x16xf32> to vector<16xf32>
          %swap3A_357 = vector.shape_cast %mul3A_349 : vector<16xf32> to vector<1x1x16xf32>
          tpu.vector_store %arg12[%swap3A_352, %swap3A_353, %swap3A_354], %swap3A_357 {strides = array<i32>} : memref<2x80x64xf32, #tpu.memory_space<vmem>>, vector<1x1x16xf32>,
          %add3A_358 = arith.constant 3 : i32
          %add3A_359 = arith.addi %mul3A_121, %add3A_358 : i32
          %get3A_360 = arith.index_cast %rem3A_80 : i32 to index
          %get3A_361 = arith.index_cast %add3A_359 : i32 to index
          %get3A_362 = arith.constant 32 : index
          %get3A_363 = tpu.vector_load %arg12[%get3A_360, %get3A_361, %get3A_362] {strides = array<i32>} : memref<2x80x64xf32, #tpu.memory_space<vmem>>, vector<1x1x16xf32>,
          %get3A_364 = vector.shape_cast %get3A_363 : vector<1x1x16xf32> to vector<16xf32>
          %mul3A_365 = arith.mulf %get3A_364, %broadcast_in_dim3A_325 : vector<16xf32>
          %add3A_366 = arith.constant 3 : i32
          %add3A_367 = arith.addi %mul3A_121, %add3A_366 : i32
          %swap3A_368 = arith.index_cast %rem3A_80 : i32 to index
          %swap3A_369 = arith.index_cast %add3A_367 : i32 to index
          %swap3A_370 = arith.constant 32 : index
          %swap3A_371 = tpu.vector_load %arg12[%swap3A_368, %swap3A_369, %swap3A_370] {strides = array<i32>} : memref<2x80x64xf32, #tpu.memory_space<vmem>>, vector<1x1x16xf32>,
          %swap3A_372 = vector.shape_cast %swap3A_371 : vector<1x1x16xf32> to vector<16xf32>
          %swap3A_373 = vector.shape_cast %mul3A_365 : vector<16xf32> to vector<1x1x16xf32>
          tpu.vector_store %arg12[%swap3A_368, %swap3A_369, %swap3A_370], %swap3A_373 {strides = array<i32>} : memref<2x80x64xf32, #tpu.memory_space<vmem>>, vector<1x1x16xf32>,
          %add3A_374 = arith.constant 3 : i32
          %add3A_375 = arith.addi %mul3A_121, %add3A_374 : i32
          %get3A_376 = arith.index_cast %rem3A_80 : i32 to index
          %get3A_377 = arith.index_cast %add3A_375 : i32 to index
          %get3A_378 = arith.constant 48 : index
          %get3A_379 = tpu.vector_load %arg12[%get3A_376, %get3A_377, %get3A_378] {strides = array<i32>} : memref<2x80x64xf32, #tpu.memory_space<vmem>>, vector<1x1x16xf32>,
          %get3A_380 = vector.shape_cast %get3A_379 : vector<1x1x16xf32> to vector<16xf32>
          %mul3A_381 = arith.mulf %get3A_380, %broadcast_in_dim3A_325 : vector<16xf32>
          %add3A_382 = arith.constant 3 : i32
          %add3A_383 = arith.addi %mul3A_121, %add3A_382 : i32
          %swap3A_384 = arith.index_cast %rem3A_80 : i32 to index
          %swap3A_385 = arith.index_cast %add3A_383 : i32 to index
          %swap3A_386 = arith.constant 48 : index
          %swap3A_387 = tpu.vector_load %arg12[%swap3A_384, %swap3A_385, %swap3A_386] {strides = array<i32>} : memref<2x80x64xf32, #tpu.memory_space<vmem>>, vector<1x1x16xf32>,
          %swap3A_388 = vector.shape_cast %swap3A_387 : vector<1x1x16xf32> to vector<16xf32>
          %swap3A_389 = vector.shape_cast %mul3A_381 : vector<16xf32> to vector<1x1x16xf32>
          tpu.vector_store %arg12[%swap3A_384, %swap3A_385, %swap3A_386], %swap3A_389 {strides = array<i32>} : memref<2x80x64xf32, #tpu.memory_space<vmem>>, vector<1x1x16xf32>,
          %slice3A_390 = vector.extract_strided_slice %get3A_124 {offsets = [4], sizes = [1], strides = [1]} : vector<16xf32> to vector<1xf32>
          %squeeze3A_391 = vector.extract %slice3A_390[0] : f32 from vector<1xf32>
          %broadcast_in_dim3A_392 = vector.broadcast %squeeze3A_391 : f32 to vector<16xf32>
          %add3A_393 = arith.constant 4 : i32
          %add3A_394 = arith.addi %mul3A_121, %add3A_393 : i32
          %get3A_395 = arith.index_cast %rem3A_80 : i32 to index
          %get3A_396 = arith.index_cast %add3A_394 : i32 to index
          %get3A_397 = arith.constant 0 : index
          %get3A_398 = tpu.vector_load %arg12[%get3A_395, %get3A_396, %get3A_397] {strides = array<i32>} : memref<2x80x64xf32, #tpu.memory_space<vmem>>, vector<1x1x16xf32>,
          %get3A_399 = vector.shape_cast %get3A_398 : vector<1x1x16xf32> to vector<16xf32>
          %mul3A_400 = arith.mulf %get3A_399, %broadcast_in_dim3A_392 : vector<16xf32>
          %add3A_401 = arith.constant 4 : i32
          %add3A_402 = arith.addi %mul3A_121, %add3A_401 : i32
          %swap3A_403 = arith.index_cast %rem3A_80 : i32 to index
          %swap3A_404 = arith.index_cast %add3A_402 : i32 to index
          %swap3A_405 = arith.constant 0 : index
          %swap3A_406 = tpu.vector_load %arg12[%swap3A_403, %swap3A_404, %swap3A_405] {strides = array<i32>} : memref<2x80x64xf32, #tpu.memory_space<vmem>>, vector<1x1x16xf32>,
          %swap3A_407 = vector.shape_cast %swap3A_406 : vector<1x1x16xf32> to vector<16xf32>
          %swap3A_408 = vector.shape_cast %mul3A_400 : vector<16xf32> to vector<1x1x16xf32>
          tpu.vector_store %arg12[%swap3A_403, %swap3A_404, %swap3A_405], %swap3A_408 {strides = array<i32>} : memref<2x80x64xf32, #tpu.memory_space<vmem>>, vector<1x1x16xf32>,
          %add3A_409 = arith.constant 4 : i32
          %add3A_410 = arith.addi %mul3A_121, %add3A_409 : i32
          %get3A_411 = arith.index_cast %rem3A_80 : i32 to index
          %get3A_412 = arith.index_cast %add3A_410 : i32 to index
          %get3A_413 = arith.constant 16 : index
          %get3A_414 = tpu.vector_load %arg12[%get3A_411, %get3A_412, %get3A_413] {strides = array<i32>} : memref<2x80x64xf32, #tpu.memory_space<vmem>>, vector<1x1x16xf32>,
          %get3A_415 = vector.shape_cast %get3A_414 : vector<1x1x16xf32> to vector<16xf32>
          %mul3A_416 = arith.mulf %get3A_415, %broadcast_in_dim3A_392 : vector<16xf32>
          %add3A_417 = arith.constant 4 : i32
          %add3A_418 = arith.addi %mul3A_121, %add3A_417 : i32
          %swap3A_419 = arith.index_cast %rem3A_80 : i32 to index
          %swap3A_420 = arith.index_cast %add3A_418 : i32 to index
          %swap3A_421 = arith.constant 16 : index
          %swap3A_422 = tpu.vector_load %arg12[%swap3A_419, %swap3A_420, %swap3A_421] {strides = array<i32>} : memref<2x80x64xf32, #tpu.memory_space<vmem>>, vector<1x1x16xf32>,
          %swap3A_423 = vector.shape_cast %swap3A_422 : vector<1x1x16xf32> to vector<16xf32>
          %swap3A_424 = vector.shape_cast %mul3A_416 : vector<16xf32> to vector<1x1x16xf32>
          tpu.vector_store %arg12[%swap3A_419, %swap3A_420, %swap3A_421], %swap3A_424 {strides = array<i32>} : memref<2x80x64xf32, #tpu.memory_space<vmem>>, vector<1x1x16xf32>,
          %add3A_425 = arith.constant 4 : i32
          %add3A_426 = arith.addi %mul3A_121, %add3A_425 : i32
          %get3A_427 = arith.index_cast %rem3A_80 : i32 to index
          %get3A_428 = arith.index_cast %add3A_426 : i32 to index
          %get3A_429 = arith.constant 32 : index
          %get3A_430 = tpu.vector_load %arg12[%get3A_427, %get3A_428, %get3A_429] {strides = array<i32>} : memref<2x80x64xf32, #tpu.memory_space<vmem>>, vector<1x1x16xf32>,
          %get3A_431 = vector.shape_cast %get3A_430 : vector<1x1x16xf32> to vector<16xf32>
          %mul3A_432 = arith.mulf %get3A_431, %broadcast_in_dim3A_392 : vector<16xf32>
          %add3A_433 = arith.constant 4 : i32
          %add3A_434 = arith.addi %mul3A_121, %add3A_433 : i32
          %swap3A_435 = arith.index_cast %rem3A_80 : i32 to index
          %swap3A_436 = arith.index_cast %add3A_434 : i32 to index
          %swap3A_437 = arith.constant 32 : index
          %swap3A_438 = tpu.vector_load %arg12[%swap3A_435, %swap3A_436, %swap3A_437] {strides = array<i32>} : memref<2x80x64xf32, #tpu.memory_space<vmem>>, vector<1x1x16xf32>,
          %swap3A_439 = vector.shape_cast %swap3A_438 : vector<1x1x16xf32> to vector<16xf32>
          %swap3A_440 = vector.shape_cast %mul3A_432 : vector<16xf32> to vector<1x1x16xf32>
          tpu.vector_store %arg12[%swap3A_435, %swap3A_436, %swap3A_437], %swap3A_440 {strides = array<i32>} : memref<2x80x64xf32, #tpu.memory_space<vmem>>, vector<1x1x16xf32>,
          %add3A_441 = arith.constant 4 : i32
          %add3A_442 = arith.addi %mul3A_121, %add3A_441 : i32
          %get3A_443 = arith.index_cast %rem3A_80 : i32 to index
          %get3A_444 = arith.index_cast %add3A_442 : i32 to index
          %get3A_445 = arith.constant 48 : index
          %get3A_446 = tpu.vector_load %arg12[%get3A_443, %get3A_444, %get3A_445] {strides = array<i32>} : memref<2x80x64xf32, #tpu.memory_space<vmem>>, vector<1x1x16xf32>,
          %get3A_447 = vector.shape_cast %get3A_446 : vector<1x1x16xf32> to vector<16xf32>
          %mul3A_448 = arith.mulf %get3A_447, %broadcast_in_dim3A_392 : vector<16xf32>
          %add3A_449 = arith.constant 4 : i32
          %add3A_450 = arith.addi %mul3A_121, %add3A_449 : i32
          %swap3A_451 = arith.index_cast %rem3A_80 : i32 to index
          %swap3A_452 = arith.index_cast %add3A_450 : i32 to index
          %swap3A_453 = arith.constant 48 : index
          %swap3A_454 = tpu.vector_load %arg12[%swap3A_451, %swap3A_452, %swap3A_453] {strides = array<i32>} : memref<2x80x64xf32, #tpu.memory_space<vmem>>, vector<1x1x16xf32>,
          %swap3A_455 = vector.shape_cast %swap3A_454 : vector<1x1x16xf32> to vector<16xf32>
          %swap3A_456 = vector.shape_cast %mul3A_448 : vector<16xf32> to vector<1x1x16xf32>
          tpu.vector_store %arg12[%swap3A_451, %swap3A_452, %swap3A_453], %swap3A_456 {strides = array<i32>} : memref<2x80x64xf32, #tpu.memory_space<vmem>>, vector<1x1x16xf32>,
          %slice3A_457 = vector.extract_strided_slice %get3A_124 {offsets = [5], sizes = [1], strides = [1]} : vector<16xf32> to vector<1xf32>
          %squeeze3A_458 = vector.extract %slice3A_457[0] : f32 from vector<1xf32>
          %broadcast_in_dim3A_459 = vector.broadcast %squeeze3A_458 : f32 to vector<16xf32>
          %add3A_460 = arith.constant 5 : i32
          %add3A_461 = arith.addi %mul3A_121, %add3A_460 : i32
          %get3A_462 = arith.index_cast %rem3A_80 : i32 to index
          %get3A_463 = arith.index_cast %add3A_461 : i32 to index
          %get3A_464 = arith.constant 0 : index
          %get3A_465 = tpu.vector_load %arg12[%get3A_462, %get3A_463, %get3A_464] {strides = array<i32>} : memref<2x80x64xf32, #tpu.memory_space<vmem>>, vector<1x1x16xf32>,
          %get3A_466 = vector.shape_cast %get3A_465 : vector<1x1x16xf32> to vector<16xf32>
          %mul3A_467 = arith.mulf %get3A_466, %broadcast_in_dim3A_459 : vector<16xf32>
          %add3A_468 = arith.constant 5 : i32
          %add3A_469 = arith.addi %mul3A_121, %add3A_468 : i32
          %swap3A_470 = arith.index_cast %rem3A_80 : i32 to index
          %swap3A_471 = arith.index_cast %add3A_469 : i32 to index
          %swap3A_472 = arith.constant 0 : index
          %swap3A_473 = tpu.vector_load %arg12[%swap3A_470, %swap3A_471, %swap3A_472] {strides = array<i32>} : memref<2x80x64xf32, #tpu.memory_space<vmem>>, vector<1x1x16xf32>,
          %swap3A_474 = vector.shape_cast %swap3A_473 : vector<1x1x16xf32> to vector<16xf32>
          %swap3A_475 = vector.shape_cast %mul3A_467 : vector<16xf32> to vector<1x1x16xf32>
          tpu.vector_store %arg12[%swap3A_470, %swap3A_471, %swap3A_472], %swap3A_475 {strides = array<i32>} : memref<2x80x64xf32, #tpu.memory_space<vmem>>, vector<1x1x16xf32>,
          %add3A_476 = arith.constant 5 : i32
          %add3A_477 = arith.addi %mul3A_121, %add3A_476 : i32
          %get3A_478 = arith.index_cast %rem3A_80 : i32 to index
          %get3A_479 = arith.index_cast %add3A_477 : i32 to index
          %get3A_480 = arith.constant 16 : index
          %get3A_481 = tpu.vector_load %arg12[%get3A_478, %get3A_479, %get3A_480] {strides = array<i32>} : memref<2x80x64xf32, #tpu.memory_space<vmem>>, vector<1x1x16xf32>,
          %get3A_482 = vector.shape_cast %get3A_481 : vector<1x1x16xf32> to vector<16xf32>
          %mul3A_483 = arith.mulf %get3A_482, %broadcast_in_dim3A_459 : vector<16xf32>
          %add3A_484 = arith.constant 5 : i32
          %add3A_485 = arith.addi %mul3A_121, %add3A_484 : i32
          %swap3A_486 = arith.index_cast %rem3A_80 : i32 to index
          %swap3A_487 = arith.index_cast %add3A_485 : i32 to index
          %swap3A_488 = arith.constant 16 : index
          %swap3A_489 = tpu.vector_load %arg12[%swap3A_486, %swap3A_487, %swap3A_488] {strides = array<i32>} : memref<2x80x64xf32, #tpu.memory_space<vmem>>, vector<1x1x16xf32>,
          %swap3A_490 = vector.shape_cast %swap3A_489 : vector<1x1x16xf32> to vector<16xf32>
          %swap3A_491 = vector.shape_cast %mul3A_483 : vector<16xf32> to vector<1x1x16xf32>
          tpu.vector_store %arg12[%swap3A_486, %swap3A_487, %swap3A_488], %swap3A_491 {strides = array<i32>} : memref<2x80x64xf32, #tpu.memory_space<vmem>>, vector<1x1x16xf32>,
          %add3A_492 = arith.constant 5 : i32
          %add3A_493 = arith.addi %mul3A_121, %add3A_492 : i32
          %get3A_494 = arith.index_cast %rem3A_80 : i32 to index
          %get3A_495 = arith.index_cast %add3A_493 : i32 to index
          %get3A_496 = arith.constant 32 : index
          %get3A_497 = tpu.vector_load %arg12[%get3A_494, %get3A_495, %get3A_496] {strides = array<i32>} : memref<2x80x64xf32, #tpu.memory_space<vmem>>, vector<1x1x16xf32>,
          %get3A_498 = vector.shape_cast %get3A_497 : vector<1x1x16xf32> to vector<16xf32>
          %mul3A_499 = arith.mulf %get3A_498, %broadcast_in_dim3A_459 : vector<16xf32>
          %add3A_500 = arith.constant 5 : i32
          %add3A_501 = arith.addi %mul3A_121, %add3A_500 : i32
          %swap3A_502 = arith.index_cast %rem3A_80 : i32 to index
          %swap3A_503 = arith.index_cast %add3A_501 : i32 to index
          %swap3A_504 = arith.constant 32 : index
          %swap3A_505 = tpu.vector_load %arg12[%swap3A_502, %swap3A_503, %swap3A_504] {strides = array<i32>} : memref<2x80x64xf32, #tpu.memory_space<vmem>>, vector<1x1x16xf32>,
          %swap3A_506 = vector.shape_cast %swap3A_505 : vector<1x1x16xf32> to vector<16xf32>
          %swap3A_507 = vector.shape_cast %mul3A_499 : vector<16xf32> to vector<1x1x16xf32>
          tpu.vector_store %arg12[%swap3A_502, %swap3A_503, %swap3A_504], %swap3A_507 {strides = array<i32>} : memref<2x80x64xf32, #tpu.memory_space<vmem>>, vector<1x1x16xf32>,
          %add3A_508 = arith.constant 5 : i32
          %add3A_509 = arith.addi %mul3A_121, %add3A_508 : i32
          %get3A_510 = arith.index_cast %rem3A_80 : i32 to index
          %get3A_511 = arith.index_cast %add3A_509 : i32 to index
          %get3A_512 = arith.constant 48 : index
          %get3A_513 = tpu.vector_load %arg12[%get3A_510, %get3A_511, %get3A_512] {strides = array<i32>} : memref<2x80x64xf32, #tpu.memory_space<vmem>>, vector<1x1x16xf32>,
          %get3A_514 = vector.shape_cast %get3A_513 : vector<1x1x16xf32> to vector<16xf32>
          %mul3A_515 = arith.mulf %get3A_514, %broadcast_in_dim3A_459 : vector<16xf32>
          %add3A_516 = arith.constant 5 : i32
          %add3A_517 = arith.addi %mul3A_121, %add3A_516 : i32
          %swap3A_518 = arith.index_cast %rem3A_80 : i32 to index
          %swap3A_519 = arith.index_cast %add3A_517 : i32 to index
          %swap3A_520 = arith.constant 48 : index
          %swap3A_521 = tpu.vector_load %arg12[%swap3A_518, %swap3A_519, %swap3A_520] {strides = array<i32>} : memref<2x80x64xf32, #tpu.memory_space<vmem>>, vector<1x1x16xf32>,
          %swap3A_522 = vector.shape_cast %swap3A_521 : vector<1x1x16xf32> to vector<16xf32>
          %swap3A_523 = vector.shape_cast %mul3A_515 : vector<16xf32> to vector<1x1x16xf32>
          tpu.vector_store %arg12[%swap3A_518, %swap3A_519, %swap3A_520], %swap3A_523 {strides = array<i32>} : memref<2x80x64xf32, #tpu.memory_space<vmem>>, vector<1x1x16xf32>,
          %slice3A_524 = vector.extract_strided_slice %get3A_124 {offsets = [6], sizes = [1], strides = [1]} : vector<16xf32> to vector<1xf32>
          %squeeze3A_525 = vector.extract %slice3A_524[0] : f32 from vector<1xf32>
          %broadcast_in_dim3A_526 = vector.broadcast %squeeze3A_525 : f32 to vector<16xf32>
          %add3A_527 = arith.constant 6 : i32
          %add3A_528 = arith.addi %mul3A_121, %add3A_527 : i32
          %get3A_529 = arith.index_cast %rem3A_80 : i32 to index
          %get3A_530 = arith.index_cast %add3A_528 : i32 to index
          %get3A_531 = arith.constant 0 : index
          %get3A_532 = tpu.vector_load %arg12[%get3A_529, %get3A_530, %get3A_531] {strides = array<i32>} : memref<2x80x64xf32, #tpu.memory_space<vmem>>, vector<1x1x16xf32>,
          %get3A_533 = vector.shape_cast %get3A_532 : vector<1x1x16xf32> to vector<16xf32>
          %mul3A_534 = arith.mulf %get3A_533, %broadcast_in_dim3A_526 : vector<16xf32>
          %add3A_535 = arith.constant 6 : i32
          %add3A_536 = arith.addi %mul3A_121, %add3A_535 : i32
          %swap3A_537 = arith.index_cast %rem3A_80 : i32 to index
          %swap3A_538 = arith.index_cast %add3A_536 : i32 to index
          %swap3A_539 = arith.constant 0 : index
          %swap3A_540 = tpu.vector_load %arg12[%swap3A_537, %swap3A_538, %swap3A_539] {strides = array<i32>} : memref<2x80x64xf32, #tpu.memory_space<vmem>>, vector<1x1x16xf32>,
          %swap3A_541 = vector.shape_cast %swap3A_540 : vector<1x1x16xf32> to vector<16xf32>
          %swap3A_542 = vector.shape_cast %mul3A_534 : vector<16xf32> to vector<1x1x16xf32>
          tpu.vector_store %arg12[%swap3A_537, %swap3A_538, %swap3A_539], %swap3A_542 {strides = array<i32>} : memref<2x80x64xf32, #tpu.memory_space<vmem>>, vector<1x1x16xf32>,
          %add3A_543 = arith.constant 6 : i32
          %add3A_544 = arith.addi %mul3A_121, %add3A_543 : i32
          %get3A_545 = arith.index_cast %rem3A_80 : i32 to index
          %get3A_546 = arith.index_cast %add3A_544 : i32 to index
          %get3A_547 = arith.constant 16 : index
          %get3A_548 = tpu.vector_load %arg12[%get3A_545, %get3A_546, %get3A_547] {strides = array<i32>} : memref<2x80x64xf32, #tpu.memory_space<vmem>>, vector<1x1x16xf32>,
          %get3A_549 = vector.shape_cast %get3A_548 : vector<1x1x16xf32> to vector<16xf32>
          %mul3A_550 = arith.mulf %get3A_549, %broadcast_in_dim3A_526 : vector<16xf32>
          %add3A_551 = arith.constant 6 : i32
          %add3A_552 = arith.addi %mul3A_121, %add3A_551 : i32
          %swap3A_553 = arith.index_cast %rem3A_80 : i32 to index
          %swap3A_554 = arith.index_cast %add3A_552 : i32 to index
          %swap3A_555 = arith.constant 16 : index
          %swap3A_556 = tpu.vector_load %arg12[%swap3A_553, %swap3A_554, %swap3A_555] {strides = array<i32>} : memref<2x80x64xf32, #tpu.memory_space<vmem>>, vector<1x1x16xf32>,
          %swap3A_557 = vector.shape_cast %swap3A_556 : vector<1x1x16xf32> to vector<16xf32>
          %swap3A_558 = vector.shape_cast %mul3A_550 : vector<16xf32> to vector<1x1x16xf32>
          tpu.vector_store %arg12[%swap3A_553, %swap3A_554, %swap3A_555], %swap3A_558 {strides = array<i32>} : memref<2x80x64xf32, #tpu.memory_space<vmem>>, vector<1x1x16xf32>,
          %add3A_559 = arith.constant 6 : i32
          %add3A_560 = arith.addi %mul3A_121, %add3A_559 : i32
          %get3A_561 = arith.index_cast %rem3A_80 : i32 to index
          %get3A_562 = arith.index_cast %add3A_560 : i32 to index
          %get3A_563 = arith.constant 32 : index
          %get3A_564 = tpu.vector_load %arg12[%get3A_561, %get3A_562, %get3A_563] {strides = array<i32>} : memref<2x80x64xf32, #tpu.memory_space<vmem>>, vector<1x1x16xf32>,
          %get3A_565 = vector.shape_cast %get3A_564 : vector<1x1x16xf32> to vector<16xf32>
          %mul3A_566 = arith.mulf %get3A_565, %broadcast_in_dim3A_526 : vector<16xf32>
          %add3A_567 = arith.constant 6 : i32
          %add3A_568 = arith.addi %mul3A_121, %add3A_567 : i32
          %swap3A_569 = arith.index_cast %rem3A_80 : i32 to index
          %swap3A_570 = arith.index_cast %add3A_568 : i32 to index
          %swap3A_571 = arith.constant 32 : index
          %swap3A_572 = tpu.vector_load %arg12[%swap3A_569, %swap3A_570, %swap3A_571] {strides = array<i32>} : memref<2x80x64xf32, #tpu.memory_space<vmem>>, vector<1x1x16xf32>,
          %swap3A_573 = vector.shape_cast %swap3A_572 : vector<1x1x16xf32> to vector<16xf32>
          %swap3A_574 = vector.shape_cast %mul3A_566 : vector<16xf32> to vector<1x1x16xf32>
          tpu.vector_store %arg12[%swap3A_569, %swap3A_570, %swap3A_571], %swap3A_574 {strides = array<i32>} : memref<2x80x64xf32, #tpu.memory_space<vmem>>, vector<1x1x16xf32>,
          %add3A_575 = arith.constant 6 : i32
          %add3A_576 = arith.addi %mul3A_121, %add3A_575 : i32
          %get3A_577 = arith.index_cast %rem3A_80 : i32 to index
          %get3A_578 = arith.index_cast %add3A_576 : i32 to index
          %get3A_579 = arith.constant 48 : index
          %get3A_580 = tpu.vector_load %arg12[%get3A_577, %get3A_578, %get3A_579] {strides = array<i32>} : memref<2x80x64xf32, #tpu.memory_space<vmem>>, vector<1x1x16xf32>,
          %get3A_581 = vector.shape_cast %get3A_580 : vector<1x1x16xf32> to vector<16xf32>
          %mul3A_582 = arith.mulf %get3A_581, %broadcast_in_dim3A_526 : vector<16xf32>
          %add3A_583 = arith.constant 6 : i32
          %add3A_584 = arith.addi %mul3A_121, %add3A_583 : i32
          %swap3A_585 = arith.index_cast %rem3A_80 : i32 to index
          %swap3A_586 = arith.index_cast %add3A_584 : i32 to index
          %swap3A_587 = arith.constant 48 : index
          %swap3A_588 = tpu.vector_load %arg12[%swap3A_585, %swap3A_586, %swap3A_587] {strides = array<i32>} : memref<2x80x64xf32, #tpu.memory_space<vmem>>, vector<1x1x16xf32>,
          %swap3A_589 = vector.shape_cast %swap3A_588 : vector<1x1x16xf32> to vector<16xf32>
          %swap3A_590 = vector.shape_cast %mul3A_582 : vector<16xf32> to vector<1x1x16xf32>
          tpu.vector_store %arg12[%swap3A_585, %swap3A_586, %swap3A_587], %swap3A_590 {strides = array<i32>} : memref<2x80x64xf32, #tpu.memory_space<vmem>>, vector<1x1x16xf32>,
          %slice3A_591 = vector.extract_strided_slice %get3A_124 {offsets = [7], sizes = [1], strides = [1]} : vector<16xf32> to vector<1xf32>
          %squeeze3A_592 = vector.extract %slice3A_591[0] : f32 from vector<1xf32>
          %broadcast_in_dim3A_593 = vector.broadcast %squeeze3A_592 : f32 to vector<16xf32>
          %add3A_594 = arith.constant 7 : i32
          %add3A_595 = arith.addi %mul3A_121, %add3A_594 : i32
          %get3A_596 = arith.index_cast %rem3A_80 : i32 to index
          %get3A_597 = arith.index_cast %add3A_595 : i32 to index
          %get3A_598 = arith.constant 0 : index
          %get3A_599 = tpu.vector_load %arg12[%get3A_596, %get3A_597, %get3A_598] {strides = array<i32>} : memref<2x80x64xf32, #tpu.memory_space<vmem>>, vector<1x1x16xf32>,
          %get3A_600 = vector.shape_cast %get3A_599 : vector<1x1x16xf32> to vector<16xf32>
          %mul3A_601 = arith.mulf %get3A_600, %broadcast_in_dim3A_593 : vector<16xf32>
          %add3A_602 = arith.constant 7 : i32
          %add3A_603 = arith.addi %mul3A_121, %add3A_602 : i32
          %swap3A_604 = arith.index_cast %rem3A_80 : i32 to index
          %swap3A_605 = arith.index_cast %add3A_603 : i32 to index
          %swap3A_606 = arith.constant 0 : index
          %swap3A_607 = tpu.vector_load %arg12[%swap3A_604, %swap3A_605, %swap3A_606] {strides = array<i32>} : memref<2x80x64xf32, #tpu.memory_space<vmem>>, vector<1x1x16xf32>,
          %swap3A_608 = vector.shape_cast %swap3A_607 : vector<1x1x16xf32> to vector<16xf32>
          %swap3A_609 = vector.shape_cast %mul3A_601 : vector<16xf32> to vector<1x1x16xf32>
          tpu.vector_store %arg12[%swap3A_604, %swap3A_605, %swap3A_606], %swap3A_609 {strides = array<i32>} : memref<2x80x64xf32, #tpu.memory_space<vmem>>, vector<1x1x16xf32>,
          %add3A_610 = arith.constant 7 : i32
          %add3A_611 = arith.addi %mul3A_121, %add3A_610 : i32
          %get3A_612 = arith.index_cast %rem3A_80 : i32 to index
          %get3A_613 = arith.index_cast %add3A_611 : i32 to index
          %get3A_614 = arith.constant 16 : index
          %get3A_615 = tpu.vector_load %arg12[%get3A_612, %get3A_613, %get3A_614] {strides = array<i32>} : memref<2x80x64xf32, #tpu.memory_space<vmem>>, vector<1x1x16xf32>,
          %get3A_616 = vector.shape_cast %get3A_615 : vector<1x1x16xf32> to vector<16xf32>
          %mul3A_617 = arith.mulf %get3A_616, %broadcast_in_dim3A_593 : vector<16xf32>
          %add3A_618 = arith.constant 7 : i32
          %add3A_619 = arith.addi %mul3A_121, %add3A_618 : i32
          %swap3A_620 = arith.index_cast %rem3A_80 : i32 to index
          %swap3A_621 = arith.index_cast %add3A_619 : i32 to index
          %swap3A_622 = arith.constant 16 : index
          %swap3A_623 = tpu.vector_load %arg12[%swap3A_620, %swap3A_621, %swap3A_622] {strides = array<i32>} : memref<2x80x64xf32, #tpu.memory_space<vmem>>, vector<1x1x16xf32>,
          %swap3A_624 = vector.shape_cast %swap3A_623 : vector<1x1x16xf32> to vector<16xf32>
          %swap3A_625 = vector.shape_cast %mul3A_617 : vector<16xf32> to vector<1x1x16xf32>
          tpu.vector_store %arg12[%swap3A_620, %swap3A_621, %swap3A_622], %swap3A_625 {strides = array<i32>} : memref<2x80x64xf32, #tpu.memory_space<vmem>>, vector<1x1x16xf32>,
          %add3A_626 = arith.constant 7 : i32
          %add3A_627 = arith.addi %mul3A_121, %add3A_626 : i32
          %get3A_628 = arith.index_cast %rem3A_80 : i32 to index
          %get3A_629 = arith.index_cast %add3A_627 : i32 to index
          %get3A_630 = arith.constant 32 : index
          %get3A_631 = tpu.vector_load %arg12[%get3A_628, %get3A_629, %get3A_630] {strides = array<i32>} : memref<2x80x64xf32, #tpu.memory_space<vmem>>, vector<1x1x16xf32>,
          %get3A_632 = vector.shape_cast %get3A_631 : vector<1x1x16xf32> to vector<16xf32>
          %mul3A_633 = arith.mulf %get3A_632, %broadcast_in_dim3A_593 : vector<16xf32>
          %add3A_634 = arith.constant 7 : i32
          %add3A_635 = arith.addi %mul3A_121, %add3A_634 : i32
          %swap3A_636 = arith.index_cast %rem3A_80 : i32 to index
          %swap3A_637 = arith.index_cast %add3A_635 : i32 to index
          %swap3A_638 = arith.constant 32 : index
          %swap3A_639 = tpu.vector_load %arg12[%swap3A_636, %swap3A_637, %swap3A_638] {strides = array<i32>} : memref<2x80x64xf32, #tpu.memory_space<vmem>>, vector<1x1x16xf32>,
          %swap3A_640 = vector.shape_cast %swap3A_639 : vector<1x1x16xf32> to vector<16xf32>
          %swap3A_641 = vector.shape_cast %mul3A_633 : vector<16xf32> to vector<1x1x16xf32>
          tpu.vector_store %arg12[%swap3A_636, %swap3A_637, %swap3A_638], %swap3A_641 {strides = array<i32>} : memref<2x80x64xf32, #tpu.memory_space<vmem>>, vector<1x1x16xf32>,
          %add3A_642 = arith.constant 7 : i32
          %add3A_643 = arith.addi %mul3A_121, %add3A_642 : i32
          %get3A_644 = arith.index_cast %rem3A_80 : i32 to index
          %get3A_645 = arith.index_cast %add3A_643 : i32 to index
          %get3A_646 = arith.constant 48 : index
          %get3A_647 = tpu.vector_load %arg12[%get3A_644, %get3A_645, %get3A_646] {strides = array<i32>} : memref<2x80x64xf32, #tpu.memory_space<vmem>>, vector<1x1x16xf32>,
          %get3A_648 = vector.shape_cast %get3A_647 : vector<1x1x16xf32> to vector<16xf32>
          %mul3A_649 = arith.mulf %get3A_648, %broadcast_in_dim3A_593 : vector<16xf32>
          %add3A_650 = arith.constant 7 : i32
          %add3A_651 = arith.addi %mul3A_121, %add3A_650 : i32
          %swap3A_652 = arith.index_cast %rem3A_80 : i32 to index
          %swap3A_653 = arith.index_cast %add3A_651 : i32 to index
          %swap3A_654 = arith.constant 48 : index
          %swap3A_655 = tpu.vector_load %arg12[%swap3A_652, %swap3A_653, %swap3A_654] {strides = array<i32>} : memref<2x80x64xf32, #tpu.memory_space<vmem>>, vector<1x1x16xf32>,
          %swap3A_656 = vector.shape_cast %swap3A_655 : vector<1x1x16xf32> to vector<16xf32>
          %swap3A_657 = vector.shape_cast %mul3A_649 : vector<16xf32> to vector<1x1x16xf32>
          tpu.vector_store %arg12[%swap3A_652, %swap3A_653, %swap3A_654], %swap3A_657 {strides = array<i32>} : memref<2x80x64xf32, #tpu.memory_space<vmem>>, vector<1x1x16xf32>,
          %slice3A_658 = vector.extract_strided_slice %get3A_124 {offsets = [8], sizes = [1], strides = [1]} : vector<16xf32> to vector<1xf32>
          %squeeze3A_659 = vector.extract %slice3A_658[0] : f32 from vector<1xf32>
          %broadcast_in_dim3A_660 = vector.broadcast %squeeze3A_659 : f32 to vector<16xf32>
          %add3A_661 = arith.constant 8 : i32
          %add3A_662 = arith.addi %mul3A_121, %add3A_661 : i32
          %get3A_663 = arith.index_cast %rem3A_80 : i32 to index
          %get3A_664 = arith.index_cast %add3A_662 : i32 to index
          %get3A_665 = arith.constant 0 : index
          %get3A_666 = tpu.vector_load %arg12[%get3A_663, %get3A_664, %get3A_665] {strides = array<i32>} : memref<2x80x64xf32, #tpu.memory_space<vmem>>, vector<1x1x16xf32>,
          %get3A_667 = vector.shape_cast %get3A_666 : vector<1x1x16xf32> to vector<16xf32>
          %mul3A_668 = arith.mulf %get3A_667, %broadcast_in_dim3A_660 : vector<16xf32>
          %add3A_669 = arith.constant 8 : i32
          %add3A_670 = arith.addi %mul3A_121, %add3A_669 : i32
          %swap3A_671 = arith.index_cast %rem3A_80 : i32 to index
          %swap3A_672 = arith.index_cast %add3A_670 : i32 to index
          %swap3A_673 = arith.constant 0 : index
          %swap3A_674 = tpu.vector_load %arg12[%swap3A_671, %swap3A_672, %swap3A_673] {strides = array<i32>} : memref<2x80x64xf32, #tpu.memory_space<vmem>>, vector<1x1x16xf32>,
          %swap3A_675 = vector.shape_cast %swap3A_674 : vector<1x1x16xf32> to vector<16xf32>
          %swap3A_676 = vector.shape_cast %mul3A_668 : vector<16xf32> to vector<1x1x16xf32>
          tpu.vector_store %arg12[%swap3A_671, %swap3A_672, %swap3A_673], %swap3A_676 {strides = array<i32>} : memref<2x80x64xf32, #tpu.memory_space<vmem>>, vector<1x1x16xf32>,
          %add3A_677 = arith.constant 8 : i32
          %add3A_678 = arith.addi %mul3A_121, %add3A_677 : i32
          %get3A_679 = arith.index_cast %rem3A_80 : i32 to index
          %get3A_680 = arith.index_cast %add3A_678 : i32 to index
          %get3A_681 = arith.constant 16 : index
          %get3A_682 = tpu.vector_load %arg12[%get3A_679, %get3A_680, %get3A_681] {strides = array<i32>} : memref<2x80x64xf32, #tpu.memory_space<vmem>>, vector<1x1x16xf32>,
          %get3A_683 = vector.shape_cast %get3A_682 : vector<1x1x16xf32> to vector<16xf32>
          %mul3A_684 = arith.mulf %get3A_683, %broadcast_in_dim3A_660 : vector<16xf32>
          %add3A_685 = arith.constant 8 : i32
          %add3A_686 = arith.addi %mul3A_121, %add3A_685 : i32
          %swap3A_687 = arith.index_cast %rem3A_80 : i32 to index
          %swap3A_688 = arith.index_cast %add3A_686 : i32 to index
          %swap3A_689 = arith.constant 16 : index
          %swap3A_690 = tpu.vector_load %arg12[%swap3A_687, %swap3A_688, %swap3A_689] {strides = array<i32>} : memref<2x80x64xf32, #tpu.memory_space<vmem>>, vector<1x1x16xf32>,
          %swap3A_691 = vector.shape_cast %swap3A_690 : vector<1x1x16xf32> to vector<16xf32>
          %swap3A_692 = vector.shape_cast %mul3A_684 : vector<16xf32> to vector<1x1x16xf32>
          tpu.vector_store %arg12[%swap3A_687, %swap3A_688, %swap3A_689], %swap3A_692 {strides = array<i32>} : memref<2x80x64xf32, #tpu.memory_space<vmem>>, vector<1x1x16xf32>,
          %add3A_693 = arith.constant 8 : i32
          %add3A_694 = arith.addi %mul3A_121, %add3A_693 : i32
          %get3A_695 = arith.index_cast %rem3A_80 : i32 to index
          %get3A_696 = arith.index_cast %add3A_694 : i32 to index
          %get3A_697 = arith.constant 32 : index
          %get3A_698 = tpu.vector_load %arg12[%get3A_695, %get3A_696, %get3A_697] {strides = array<i32>} : memref<2x80x64xf32, #tpu.memory_space<vmem>>, vector<1x1x16xf32>,
          %get3A_699 = vector.shape_cast %get3A_698 : vector<1x1x16xf32> to vector<16xf32>
          %mul3A_700 = arith.mulf %get3A_699, %broadcast_in_dim3A_660 : vector<16xf32>
          %add3A_701 = arith.constant 8 : i32
          %add3A_702 = arith.addi %mul3A_121, %add3A_701 : i32
          %swap3A_703 = arith.index_cast %rem3A_80 : i32 to index
          %swap3A_704 = arith.index_cast %add3A_702 : i32 to index
          %swap3A_705 = arith.constant 32 : index
          %swap3A_706 = tpu.vector_load %arg12[%swap3A_703, %swap3A_704, %swap3A_705] {strides = array<i32>} : memref<2x80x64xf32, #tpu.memory_space<vmem>>, vector<1x1x16xf32>,
          %swap3A_707 = vector.shape_cast %swap3A_706 : vector<1x1x16xf32> to vector<16xf32>
          %swap3A_708 = vector.shape_cast %mul3A_700 : vector<16xf32> to vector<1x1x16xf32>
          tpu.vector_store %arg12[%swap3A_703, %swap3A_704, %swap3A_705], %swap3A_708 {strides = array<i32>} : memref<2x80x64xf32, #tpu.memory_space<vmem>>, vector<1x1x16xf32>,
          %add3A_709 = arith.constant 8 : i32
          %add3A_710 = arith.addi %mul3A_121, %add3A_709 : i32
          %get3A_711 = arith.index_cast %rem3A_80 : i32 to index
          %get3A_712 = arith.index_cast %add3A_710 : i32 to index
          %get3A_713 = arith.constant 48 : index
          %get3A_714 = tpu.vector_load %arg12[%get3A_711, %get3A_712, %get3A_713] {strides = array<i32>} : memref<2x80x64xf32, #tpu.memory_space<vmem>>, vector<1x1x16xf32>,
          %get3A_715 = vector.shape_cast %get3A_714 : vector<1x1x16xf32> to vector<16xf32>
          %mul3A_716 = arith.mulf %get3A_715, %broadcast_in_dim3A_660 : vector<16xf32>
          %add3A_717 = arith.constant 8 : i32
          %add3A_718 = arith.addi %mul3A_121, %add3A_717 : i32
          %swap3A_719 = arith.index_cast %rem3A_80 : i32 to index
          %swap3A_720 = arith.index_cast %add3A_718 : i32 to index
          %swap3A_721 = arith.constant 48 : index
          %swap3A_722 = tpu.vector_load %arg12[%swap3A_719, %swap3A_720, %swap3A_721] {strides = array<i32>} : memref<2x80x64xf32, #tpu.memory_space<vmem>>, vector<1x1x16xf32>,
          %swap3A_723 = vector.shape_cast %swap3A_722 : vector<1x1x16xf32> to vector<16xf32>
          %swap3A_724 = vector.shape_cast %mul3A_716 : vector<16xf32> to vector<1x1x16xf32>
          tpu.vector_store %arg12[%swap3A_719, %swap3A_720, %swap3A_721], %swap3A_724 {strides = array<i32>} : memref<2x80x64xf32, #tpu.memory_space<vmem>>, vector<1x1x16xf32>,
          %slice3A_725 = vector.extract_strided_slice %get3A_124 {offsets = [9], sizes = [1], strides = [1]} : vector<16xf32> to vector<1xf32>
          %squeeze3A_726 = vector.extract %slice3A_725[0] : f32 from vector<1xf32>
          %broadcast_in_dim3A_727 = vector.broadcast %squeeze3A_726 : f32 to vector<16xf32>
          %add3A_728 = arith.constant 9 : i32
          %add3A_729 = arith.addi %mul3A_121, %add3A_728 : i32
          %get3A_730 = arith.index_cast %rem3A_80 : i32 to index
          %get3A_731 = arith.index_cast %add3A_729 : i32 to index
          %get3A_732 = arith.constant 0 : index
          %get3A_733 = tpu.vector_load %arg12[%get3A_730, %get3A_731, %get3A_732] {strides = array<i32>} : memref<2x80x64xf32, #tpu.memory_space<vmem>>, vector<1x1x16xf32>,
          %get3A_734 = vector.shape_cast %get3A_733 : vector<1x1x16xf32> to vector<16xf32>
          %mul3A_735 = arith.mulf %get3A_734, %broadcast_in_dim3A_727 : vector<16xf32>
          %add3A_736 = arith.constant 9 : i32
          %add3A_737 = arith.addi %mul3A_121, %add3A_736 : i32
          %swap3A_738 = arith.index_cast %rem3A_80 : i32 to index
          %swap3A_739 = arith.index_cast %add3A_737 : i32 to index
          %swap3A_740 = arith.constant 0 : index
          %swap3A_741 = tpu.vector_load %arg12[%swap3A_738, %swap3A_739, %swap3A_740] {strides = array<i32>} : memref<2x80x64xf32, #tpu.memory_space<vmem>>, vector<1x1x16xf32>,
          %swap3A_742 = vector.shape_cast %swap3A_741 : vector<1x1x16xf32> to vector<16xf32>
          %swap3A_743 = vector.shape_cast %mul3A_735 : vector<16xf32> to vector<1x1x16xf32>
          tpu.vector_store %arg12[%swap3A_738, %swap3A_739, %swap3A_740], %swap3A_743 {strides = array<i32>} : memref<2x80x64xf32, #tpu.memory_space<vmem>>, vector<1x1x16xf32>,
          %add3A_744 = arith.constant 9 : i32
          %add3A_745 = arith.addi %mul3A_121, %add3A_744 : i32
          %get3A_746 = arith.index_cast %rem3A_80 : i32 to index
          %get3A_747 = arith.index_cast %add3A_745 : i32 to index
          %get3A_748 = arith.constant 16 : index
          %get3A_749 = tpu.vector_load %arg12[%get3A_746, %get3A_747, %get3A_748] {strides = array<i32>} : memref<2x80x64xf32, #tpu.memory_space<vmem>>, vector<1x1x16xf32>,
          %get3A_750 = vector.shape_cast %get3A_749 : vector<1x1x16xf32> to vector<16xf32>
          %mul3A_751 = arith.mulf %get3A_750, %broadcast_in_dim3A_727 : vector<16xf32>
          %add3A_752 = arith.constant 9 : i32
          %add3A_753 = arith.addi %mul3A_121, %add3A_752 : i32
          %swap3A_754 = arith.index_cast %rem3A_80 : i32 to index
          %swap3A_755 = arith.index_cast %add3A_753 : i32 to index
          %swap3A_756 = arith.constant 16 : index
          %swap3A_757 = tpu.vector_load %arg12[%swap3A_754, %swap3A_755, %swap3A_756] {strides = array<i32>} : memref<2x80x64xf32, #tpu.memory_space<vmem>>, vector<1x1x16xf32>,
          %swap3A_758 = vector.shape_cast %swap3A_757 : vector<1x1x16xf32> to vector<16xf32>
          %swap3A_759 = vector.shape_cast %mul3A_751 : vector<16xf32> to vector<1x1x16xf32>
          tpu.vector_store %arg12[%swap3A_754, %swap3A_755, %swap3A_756], %swap3A_759 {strides = array<i32>} : memref<2x80x64xf32, #tpu.memory_space<vmem>>, vector<1x1x16xf32>,
          %add3A_760 = arith.constant 9 : i32
          %add3A_761 = arith.addi %mul3A_121, %add3A_760 : i32
          %get3A_762 = arith.index_cast %rem3A_80 : i32 to index
          %get3A_763 = arith.index_cast %add3A_761 : i32 to index
          %get3A_764 = arith.constant 32 : index
          %get3A_765 = tpu.vector_load %arg12[%get3A_762, %get3A_763, %get3A_764] {strides = array<i32>} : memref<2x80x64xf32, #tpu.memory_space<vmem>>, vector<1x1x16xf32>,
          %get3A_766 = vector.shape_cast %get3A_765 : vector<1x1x16xf32> to vector<16xf32>
          %mul3A_767 = arith.mulf %get3A_766, %broadcast_in_dim3A_727 : vector<16xf32>
          %add3A_768 = arith.constant 9 : i32
          %add3A_769 = arith.addi %mul3A_121, %add3A_768 : i32
          %swap3A_770 = arith.index_cast %rem3A_80 : i32 to index
          %swap3A_771 = arith.index_cast %add3A_769 : i32 to index
          %swap3A_772 = arith.constant 32 : index
          %swap3A_773 = tpu.vector_load %arg12[%swap3A_770, %swap3A_771, %swap3A_772] {strides = array<i32>} : memref<2x80x64xf32, #tpu.memory_space<vmem>>, vector<1x1x16xf32>,
          %swap3A_774 = vector.shape_cast %swap3A_773 : vector<1x1x16xf32> to vector<16xf32>
          %swap3A_775 = vector.shape_cast %mul3A_767 : vector<16xf32> to vector<1x1x16xf32>
          tpu.vector_store %arg12[%swap3A_770, %swap3A_771, %swap3A_772], %swap3A_775 {strides = array<i32>} : memref<2x80x64xf32, #tpu.memory_space<vmem>>, vector<1x1x16xf32>,
          %add3A_776 = arith.constant 9 : i32
          %add3A_777 = arith.addi %mul3A_121, %add3A_776 : i32
          %get3A_778 = arith.index_cast %rem3A_80 : i32 to index
          %get3A_779 = arith.index_cast %add3A_777 : i32 to index
          %get3A_780 = arith.constant 48 : index
          %get3A_781 = tpu.vector_load %arg12[%get3A_778, %get3A_779, %get3A_780] {strides = array<i32>} : memref<2x80x64xf32, #tpu.memory_space<vmem>>, vector<1x1x16xf32>,
          %get3A_782 = vector.shape_cast %get3A_781 : vector<1x1x16xf32> to vector<16xf32>
          %mul3A_783 = arith.mulf %get3A_782, %broadcast_in_dim3A_727 : vector<16xf32>
          %add3A_784 = arith.constant 9 : i32
          %add3A_785 = arith.addi %mul3A_121, %add3A_784 : i32
          %swap3A_786 = arith.index_cast %rem3A_80 : i32 to index
          %swap3A_787 = arith.index_cast %add3A_785 : i32 to index
          %swap3A_788 = arith.constant 48 : index
          %swap3A_789 = tpu.vector_load %arg12[%swap3A_786, %swap3A_787, %swap3A_788] {strides = array<i32>} : memref<2x80x64xf32, #tpu.memory_space<vmem>>, vector<1x1x16xf32>,
          %swap3A_790 = vector.shape_cast %swap3A_789 : vector<1x1x16xf32> to vector<16xf32>
          %swap3A_791 = vector.shape_cast %mul3A_783 : vector<16xf32> to vector<1x1x16xf32>
          tpu.vector_store %arg12[%swap3A_786, %swap3A_787, %swap3A_788], %swap3A_791 {strides = array<i32>} : memref<2x80x64xf32, #tpu.memory_space<vmem>>, vector<1x1x16xf32>,
          %slice3A_792 = vector.extract_strided_slice %get3A_124 {offsets = [10], sizes = [1], strides = [1]} : vector<16xf32> to vector<1xf32>
          %squeeze3A_793 = vector.extract %slice3A_792[0] : f32 from vector<1xf32>
          %broadcast_in_dim3A_794 = vector.broadcast %squeeze3A_793 : f32 to vector<16xf32>
          %add3A_795 = arith.constant 10 : i32
          %add3A_796 = arith.addi %mul3A_121, %add3A_795 : i32
          %get3A_797 = arith.index_cast %rem3A_80 : i32 to index
          %get3A_798 = arith.index_cast %add3A_796 : i32 to index
          %get3A_799 = arith.constant 0 : index
          %get3A_800 = tpu.vector_load %arg12[%get3A_797, %get3A_798, %get3A_799] {strides = array<i32>} : memref<2x80x64xf32, #tpu.memory_space<vmem>>, vector<1x1x16xf32>,
          %get3A_801 = vector.shape_cast %get3A_800 : vector<1x1x16xf32> to vector<16xf32>
          %mul3A_802 = arith.mulf %get3A_801, %broadcast_in_dim3A_794 : vector<16xf32>
          %add3A_803 = arith.constant 10 : i32
          %add3A_804 = arith.addi %mul3A_121, %add3A_803 : i32
          %swap3A_805 = arith.index_cast %rem3A_80 : i32 to index
          %swap3A_806 = arith.index_cast %add3A_804 : i32 to index
          %swap3A_807 = arith.constant 0 : index
          %swap3A_808 = tpu.vector_load %arg12[%swap3A_805, %swap3A_806, %swap3A_807] {strides = array<i32>} : memref<2x80x64xf32, #tpu.memory_space<vmem>>, vector<1x1x16xf32>,
          %swap3A_809 = vector.shape_cast %swap3A_808 : vector<1x1x16xf32> to vector<16xf32>
          %swap3A_810 = vector.shape_cast %mul3A_802 : vector<16xf32> to vector<1x1x16xf32>
          tpu.vector_store %arg12[%swap3A_805, %swap3A_806, %swap3A_807], %swap3A_810 {strides = array<i32>} : memref<2x80x64xf32, #tpu.memory_space<vmem>>, vector<1x1x16xf32>,
          %add3A_811 = arith.constant 10 : i32
          %add3A_812 = arith.addi %mul3A_121, %add3A_811 : i32
          %get3A_813 = arith.index_cast %rem3A_80 : i32 to index
          %get3A_814 = arith.index_cast %add3A_812 : i32 to index
          %get3A_815 = arith.constant 16 : index
          %get3A_816 = tpu.vector_load %arg12[%get3A_813, %get3A_814, %get3A_815] {strides = array<i32>} : memref<2x80x64xf32, #tpu.memory_space<vmem>>, vector<1x1x16xf32>,
          %get3A_817 = vector.shape_cast %get3A_816 : vector<1x1x16xf32> to vector<16xf32>
          %mul3A_818 = arith.mulf %get3A_817, %broadcast_in_dim3A_794 : vector<16xf32>
          %add3A_819 = arith.constant 10 : i32
          %add3A_820 = arith.addi %mul3A_121, %add3A_819 : i32
          %swap3A_821 = arith.index_cast %rem3A_80 : i32 to index
          %swap3A_822 = arith.index_cast %add3A_820 : i32 to index
          %swap3A_823 = arith.constant 16 : index
          %swap3A_824 = tpu.vector_load %arg12[%swap3A_821, %swap3A_822, %swap3A_823] {strides = array<i32>} : memref<2x80x64xf32, #tpu.memory_space<vmem>>, vector<1x1x16xf32>,
          %swap3A_825 = vector.shape_cast %swap3A_824 : vector<1x1x16xf32> to vector<16xf32>
          %swap3A_826 = vector.shape_cast %mul3A_818 : vector<16xf32> to vector<1x1x16xf32>
          tpu.vector_store %arg12[%swap3A_821, %swap3A_822, %swap3A_823], %swap3A_826 {strides = array<i32>} : memref<2x80x64xf32, #tpu.memory_space<vmem>>, vector<1x1x16xf32>,
          %add3A_827 = arith.constant 10 : i32
          %add3A_828 = arith.addi %mul3A_121, %add3A_827 : i32
          %get3A_829 = arith.index_cast %rem3A_80 : i32 to index
          %get3A_830 = arith.index_cast %add3A_828 : i32 to index
          %get3A_831 = arith.constant 32 : index
          %get3A_832 = tpu.vector_load %arg12[%get3A_829, %get3A_830, %get3A_831] {strides = array<i32>} : memref<2x80x64xf32, #tpu.memory_space<vmem>>, vector<1x1x16xf32>,
          %get3A_833 = vector.shape_cast %get3A_832 : vector<1x1x16xf32> to vector<16xf32>
          %mul3A_834 = arith.mulf %get3A_833, %broadcast_in_dim3A_794 : vector<16xf32>
          %add3A_835 = arith.constant 10 : i32
          %add3A_836 = arith.addi %mul3A_121, %add3A_835 : i32
          %swap3A_837 = arith.index_cast %rem3A_80 : i32 to index
          %swap3A_838 = arith.index_cast %add3A_836 : i32 to index
          %swap3A_839 = arith.constant 32 : index
          %swap3A_840 = tpu.vector_load %arg12[%swap3A_837, %swap3A_838, %swap3A_839] {strides = array<i32>} : memref<2x80x64xf32, #tpu.memory_space<vmem>>, vector<1x1x16xf32>,
          %swap3A_841 = vector.shape_cast %swap3A_840 : vector<1x1x16xf32> to vector<16xf32>
          %swap3A_842 = vector.shape_cast %mul3A_834 : vector<16xf32> to vector<1x1x16xf32>
          tpu.vector_store %arg12[%swap3A_837, %swap3A_838, %swap3A_839], %swap3A_842 {strides = array<i32>} : memref<2x80x64xf32, #tpu.memory_space<vmem>>, vector<1x1x16xf32>,
          %add3A_843 = arith.constant 10 : i32
          %add3A_844 = arith.addi %mul3A_121, %add3A_843 : i32
          %get3A_845 = arith.index_cast %rem3A_80 : i32 to index
          %get3A_846 = arith.index_cast %add3A_844 : i32 to index
          %get3A_847 = arith.constant 48 : index
          %get3A_848 = tpu.vector_load %arg12[%get3A_845, %get3A_846, %get3A_847] {strides = array<i32>} : memref<2x80x64xf32, #tpu.memory_space<vmem>>, vector<1x1x16xf32>,
          %get3A_849 = vector.shape_cast %get3A_848 : vector<1x1x16xf32> to vector<16xf32>
          %mul3A_850 = arith.mulf %get3A_849, %broadcast_in_dim3A_794 : vector<16xf32>
          %add3A_851 = arith.constant 10 : i32
          %add3A_852 = arith.addi %mul3A_121, %add3A_851 : i32
          %swap3A_853 = arith.index_cast %rem3A_80 : i32 to index
          %swap3A_854 = arith.index_cast %add3A_852 : i32 to index
          %swap3A_855 = arith.constant 48 : index
          %swap3A_856 = tpu.vector_load %arg12[%swap3A_853, %swap3A_854, %swap3A_855] {strides = array<i32>} : memref<2x80x64xf32, #tpu.memory_space<vmem>>, vector<1x1x16xf32>,
          %swap3A_857 = vector.shape_cast %swap3A_856 : vector<1x1x16xf32> to vector<16xf32>
          %swap3A_858 = vector.shape_cast %mul3A_850 : vector<16xf32> to vector<1x1x16xf32>
          tpu.vector_store %arg12[%swap3A_853, %swap3A_854, %swap3A_855], %swap3A_858 {strides = array<i32>} : memref<2x80x64xf32, #tpu.memory_space<vmem>>, vector<1x1x16xf32>,
          %slice3A_859 = vector.extract_strided_slice %get3A_124 {offsets = [11], sizes = [1], strides = [1]} : vector<16xf32> to vector<1xf32>
          %squeeze3A_860 = vector.extract %slice3A_859[0] : f32 from vector<1xf32>
          %broadcast_in_dim3A_861 = vector.broadcast %squeeze3A_860 : f32 to vector<16xf32>
          %add3A_862 = arith.constant 11 : i32
          %add3A_863 = arith.addi %mul3A_121, %add3A_862 : i32
          %get3A_864 = arith.index_cast %rem3A_80 : i32 to index
          %get3A_865 = arith.index_cast %add3A_863 : i32 to index
          %get3A_866 = arith.constant 0 : index
          %get3A_867 = tpu.vector_load %arg12[%get3A_864, %get3A_865, %get3A_866] {strides = array<i32>} : memref<2x80x64xf32, #tpu.memory_space<vmem>>, vector<1x1x16xf32>,
          %get3A_868 = vector.shape_cast %get3A_867 : vector<1x1x16xf32> to vector<16xf32>
          %mul3A_869 = arith.mulf %get3A_868, %broadcast_in_dim3A_861 : vector<16xf32>
          %add3A_870 = arith.constant 11 : i32
          %add3A_871 = arith.addi %mul3A_121, %add3A_870 : i32
          %swap3A_872 = arith.index_cast %rem3A_80 : i32 to index
          %swap3A_873 = arith.index_cast %add3A_871 : i32 to index
          %swap3A_874 = arith.constant 0 : index
          %swap3A_875 = tpu.vector_load %arg12[%swap3A_872, %swap3A_873, %swap3A_874] {strides = array<i32>} : memref<2x80x64xf32, #tpu.memory_space<vmem>>, vector<1x1x16xf32>,
          %swap3A_876 = vector.shape_cast %swap3A_875 : vector<1x1x16xf32> to vector<16xf32>
          %swap3A_877 = vector.shape_cast %mul3A_869 : vector<16xf32> to vector<1x1x16xf32>
          tpu.vector_store %arg12[%swap3A_872, %swap3A_873, %swap3A_874], %swap3A_877 {strides = array<i32>} : memref<2x80x64xf32, #tpu.memory_space<vmem>>, vector<1x1x16xf32>,
          %add3A_878 = arith.constant 11 : i32
          %add3A_879 = arith.addi %mul3A_121, %add3A_878 : i32
          %get3A_880 = arith.index_cast %rem3A_80 : i32 to index
          %get3A_881 = arith.index_cast %add3A_879 : i32 to index
          %get3A_882 = arith.constant 16 : index
          %get3A_883 = tpu.vector_load %arg12[%get3A_880, %get3A_881, %get3A_882] {strides = array<i32>} : memref<2x80x64xf32, #tpu.memory_space<vmem>>, vector<1x1x16xf32>,
          %get3A_884 = vector.shape_cast %get3A_883 : vector<1x1x16xf32> to vector<16xf32>
          %mul3A_885 = arith.mulf %get3A_884, %broadcast_in_dim3A_861 : vector<16xf32>
          %add3A_886 = arith.constant 11 : i32
          %add3A_887 = arith.addi %mul3A_121, %add3A_886 : i32
          %swap3A_888 = arith.index_cast %rem3A_80 : i32 to index
          %swap3A_889 = arith.index_cast %add3A_887 : i32 to index
          %swap3A_890 = arith.constant 16 : index
          %swap3A_891 = tpu.vector_load %arg12[%swap3A_888, %swap3A_889, %swap3A_890] {strides = array<i32>} : memref<2x80x64xf32, #tpu.memory_space<vmem>>, vector<1x1x16xf32>,
          %swap3A_892 = vector.shape_cast %swap3A_891 : vector<1x1x16xf32> to vector<16xf32>
          %swap3A_893 = vector.shape_cast %mul3A_885 : vector<16xf32> to vector<1x1x16xf32>
          tpu.vector_store %arg12[%swap3A_888, %swap3A_889, %swap3A_890], %swap3A_893 {strides = array<i32>} : memref<2x80x64xf32, #tpu.memory_space<vmem>>, vector<1x1x16xf32>,
          %add3A_894 = arith.constant 11 : i32
          %add3A_895 = arith.addi %mul3A_121, %add3A_894 : i32
          %get3A_896 = arith.index_cast %rem3A_80 : i32 to index
          %get3A_897 = arith.index_cast %add3A_895 : i32 to index
          %get3A_898 = arith.constant 32 : index
          %get3A_899 = tpu.vector_load %arg12[%get3A_896, %get3A_897, %get3A_898] {strides = array<i32>} : memref<2x80x64xf32, #tpu.memory_space<vmem>>, vector<1x1x16xf32>,
          %get3A_900 = vector.shape_cast %get3A_899 : vector<1x1x16xf32> to vector<16xf32>
          %mul3A_901 = arith.mulf %get3A_900, %broadcast_in_dim3A_861 : vector<16xf32>
          %add3A_902 = arith.constant 11 : i32
          %add3A_903 = arith.addi %mul3A_121, %add3A_902 : i32
          %swap3A_904 = arith.index_cast %rem3A_80 : i32 to index
          %swap3A_905 = arith.index_cast %add3A_903 : i32 to index
          %swap3A_906 = arith.constant 32 : index
          %swap3A_907 = tpu.vector_load %arg12[%swap3A_904, %swap3A_905, %swap3A_906] {strides = array<i32>} : memref<2x80x64xf32, #tpu.memory_space<vmem>>, vector<1x1x16xf32>,
          %swap3A_908 = vector.shape_cast %swap3A_907 : vector<1x1x16xf32> to vector<16xf32>
          %swap3A_909 = vector.shape_cast %mul3A_901 : vector<16xf32> to vector<1x1x16xf32>
          tpu.vector_store %arg12[%swap3A_904, %swap3A_905, %swap3A_906], %swap3A_909 {strides = array<i32>} : memref<2x80x64xf32, #tpu.memory_space<vmem>>, vector<1x1x16xf32>,
          %add3A_910 = arith.constant 11 : i32
          %add3A_911 = arith.addi %mul3A_121, %add3A_910 : i32
          %get3A_912 = arith.index_cast %rem3A_80 : i32 to index
          %get3A_913 = arith.index_cast %add3A_911 : i32 to index
          %get3A_914 = arith.constant 48 : index
          %get3A_915 = tpu.vector_load %arg12[%get3A_912, %get3A_913, %get3A_914] {strides = array<i32>} : memref<2x80x64xf32, #tpu.memory_space<vmem>>, vector<1x1x16xf32>,
          %get3A_916 = vector.shape_cast %get3A_915 : vector<1x1x16xf32> to vector<16xf32>
          %mul3A_917 = arith.mulf %get3A_916, %broadcast_in_dim3A_861 : vector<16xf32>
          %add3A_918 = arith.constant 11 : i32
          %add3A_919 = arith.addi %mul3A_121, %add3A_918 : i32
          %swap3A_920 = arith.index_cast %rem3A_80 : i32 to index
          %swap3A_921 = arith.index_cast %add3A_919 : i32 to index
          %swap3A_922 = arith.constant 48 : index
          %swap3A_923 = tpu.vector_load %arg12[%swap3A_920, %swap3A_921, %swap3A_922] {strides = array<i32>} : memref<2x80x64xf32, #tpu.memory_space<vmem>>, vector<1x1x16xf32>,
          %swap3A_924 = vector.shape_cast %swap3A_923 : vector<1x1x16xf32> to vector<16xf32>
          %swap3A_925 = vector.shape_cast %mul3A_917 : vector<16xf32> to vector<1x1x16xf32>
          tpu.vector_store %arg12[%swap3A_920, %swap3A_921, %swap3A_922], %swap3A_925 {strides = array<i32>} : memref<2x80x64xf32, #tpu.memory_space<vmem>>, vector<1x1x16xf32>,
          %slice3A_926 = vector.extract_strided_slice %get3A_124 {offsets = [12], sizes = [1], strides = [1]} : vector<16xf32> to vector<1xf32>
          %squeeze3A_927 = vector.extract %slice3A_926[0] : f32 from vector<1xf32>
          %broadcast_in_dim3A_928 = vector.broadcast %squeeze3A_927 : f32 to vector<16xf32>
          %add3A_929 = arith.constant 12 : i32
          %add3A_930 = arith.addi %mul3A_121, %add3A_929 : i32
          %get3A_931 = arith.index_cast %rem3A_80 : i32 to index
          %get3A_932 = arith.index_cast %add3A_930 : i32 to index
          %get3A_933 = arith.constant 0 : index
          %get3A_934 = tpu.vector_load %arg12[%get3A_931, %get3A_932, %get3A_933] {strides = array<i32>} : memref<2x80x64xf32, #tpu.memory_space<vmem>>, vector<1x1x16xf32>,
          %get3A_935 = vector.shape_cast %get3A_934 : vector<1x1x16xf32> to vector<16xf32>
          %mul3A_936 = arith.mulf %get3A_935, %broadcast_in_dim3A_928 : vector<16xf32>
          %add3A_937 = arith.constant 12 : i32
          %add3A_938 = arith.addi %mul3A_121, %add3A_937 : i32
          %swap3A_939 = arith.index_cast %rem3A_80 : i32 to index
          %swap3A_940 = arith.index_cast %add3A_938 : i32 to index
          %swap3A_941 = arith.constant 0 : index
          %swap3A_942 = tpu.vector_load %arg12[%swap3A_939, %swap3A_940, %swap3A_941] {strides = array<i32>} : memref<2x80x64xf32, #tpu.memory_space<vmem>>, vector<1x1x16xf32>,
          %swap3A_943 = vector.shape_cast %swap3A_942 : vector<1x1x16xf32> to vector<16xf32>
          %swap3A_944 = vector.shape_cast %mul3A_936 : vector<16xf32> to vector<1x1x16xf32>
          tpu.vector_store %arg12[%swap3A_939, %swap3A_940, %swap3A_941], %swap3A_944 {strides = array<i32>} : memref<2x80x64xf32, #tpu.memory_space<vmem>>, vector<1x1x16xf32>,
          %add3A_945 = arith.constant 12 : i32
          %add3A_946 = arith.addi %mul3A_121, %add3A_945 : i32
          %get3A_947 = arith.index_cast %rem3A_80 : i32 to index
          %get3A_948 = arith.index_cast %add3A_946 : i32 to index
          %get3A_949 = arith.constant 16 : index
          %get3A_950 = tpu.vector_load %arg12[%get3A_947, %get3A_948, %get3A_949] {strides = array<i32>} : memref<2x80x64xf32, #tpu.memory_space<vmem>>, vector<1x1x16xf32>,
          %get3A_951 = vector.shape_cast %get3A_950 : vector<1x1x16xf32> to vector<16xf32>
          %mul3A_952 = arith.mulf %get3A_951, %broadcast_in_dim3A_928 : vector<16xf32>
          %add3A_953 = arith.constant 12 : i32
          %add3A_954 = arith.addi %mul3A_121, %add3A_953 : i32
          %swap3A_955 = arith.index_cast %rem3A_80 : i32 to index
          %swap3A_956 = arith.index_cast %add3A_954 : i32 to index
          %swap3A_957 = arith.constant 16 : index
          %swap3A_958 = tpu.vector_load %arg12[%swap3A_955, %swap3A_956, %swap3A_957] {strides = array<i32>} : memref<2x80x64xf32, #tpu.memory_space<vmem>>, vector<1x1x16xf32>,
          %swap3A_959 = vector.shape_cast %swap3A_958 : vector<1x1x16xf32> to vector<16xf32>
          %swap3A_960 = vector.shape_cast %mul3A_952 : vector<16xf32> to vector<1x1x16xf32>
          tpu.vector_store %arg12[%swap3A_955, %swap3A_956, %swap3A_957], %swap3A_960 {strides = array<i32>} : memref<2x80x64xf32, #tpu.memory_space<vmem>>, vector<1x1x16xf32>,
          %add3A_961 = arith.constant 12 : i32
          %add3A_962 = arith.addi %mul3A_121, %add3A_961 : i32
          %get3A_963 = arith.index_cast %rem3A_80 : i32 to index
          %get3A_964 = arith.index_cast %add3A_962 : i32 to index
          %get3A_965 = arith.constant 32 : index
          %get3A_966 = tpu.vector_load %arg12[%get3A_963, %get3A_964, %get3A_965] {strides = array<i32>} : memref<2x80x64xf32, #tpu.memory_space<vmem>>, vector<1x1x16xf32>,
          %get3A_967 = vector.shape_cast %get3A_966 : vector<1x1x16xf32> to vector<16xf32>
          %mul3A_968 = arith.mulf %get3A_967, %broadcast_in_dim3A_928 : vector<16xf32>
          %add3A_969 = arith.constant 12 : i32
          %add3A_970 = arith.addi %mul3A_121, %add3A_969 : i32
          %swap3A_971 = arith.index_cast %rem3A_80 : i32 to index
          %swap3A_972 = arith.index_cast %add3A_970 : i32 to index
          %swap3A_973 = arith.constant 32 : index
          %swap3A_974 = tpu.vector_load %arg12[%swap3A_971, %swap3A_972, %swap3A_973] {strides = array<i32>} : memref<2x80x64xf32, #tpu.memory_space<vmem>>, vector<1x1x16xf32>,
          %swap3A_975 = vector.shape_cast %swap3A_974 : vector<1x1x16xf32> to vector<16xf32>
          %swap3A_976 = vector.shape_cast %mul3A_968 : vector<16xf32> to vector<1x1x16xf32>
          tpu.vector_store %arg12[%swap3A_971, %swap3A_972, %swap3A_973], %swap3A_976 {strides = array<i32>} : memref<2x80x64xf32, #tpu.memory_space<vmem>>, vector<1x1x16xf32>,
          %add3A_977 = arith.constant 12 : i32
          %add3A_978 = arith.addi %mul3A_121, %add3A_977 : i32
          %get3A_979 = arith.index_cast %rem3A_80 : i32 to index
          %get3A_980 = arith.index_cast %add3A_978 : i32 to index
          %get3A_981 = arith.constant 48 : index
          %get3A_982 = tpu.vector_load %arg12[%get3A_979, %get3A_980, %get3A_981] {strides = array<i32>} : memref<2x80x64xf32, #tpu.memory_space<vmem>>, vector<1x1x16xf32>,
          %get3A_983 = vector.shape_cast %get3A_982 : vector<1x1x16xf32> to vector<16xf32>
          %mul3A_984 = arith.mulf %get3A_983, %broadcast_in_dim3A_928 : vector<16xf32>
          %add3A_985 = arith.constant 12 : i32
          %add3A_986 = arith.addi %mul3A_121, %add3A_985 : i32
          %swap3A_987 = arith.index_cast %rem3A_80 : i32 to index
          %swap3A_988 = arith.index_cast %add3A_986 : i32 to index
          %swap3A_989 = arith.constant 48 : index
          %swap3A_990 = tpu.vector_load %arg12[%swap3A_987, %swap3A_988, %swap3A_989] {strides = array<i32>} : memref<2x80x64xf32, #tpu.memory_space<vmem>>, vector<1x1x16xf32>,
          %swap3A_991 = vector.shape_cast %swap3A_990 : vector<1x1x16xf32> to vector<16xf32>
          %swap3A_992 = vector.shape_cast %mul3A_984 : vector<16xf32> to vector<1x1x16xf32>
          tpu.vector_store %arg12[%swap3A_987, %swap3A_988, %swap3A_989], %swap3A_992 {strides = array<i32>} : memref<2x80x64xf32, #tpu.memory_space<vmem>>, vector<1x1x16xf32>,
          %slice3A_993 = vector.extract_strided_slice %get3A_124 {offsets = [13], sizes = [1], strides = [1]} : vector<16xf32> to vector<1xf32>
          %squeeze3A_994 = vector.extract %slice3A_993[0] : f32 from vector<1xf32>
          %broadcast_in_dim3A_995 = vector.broadcast %squeeze3A_994 : f32 to vector<16xf32>
          %add3A_996 = arith.constant 13 : i32
          %add3A_997 = arith.addi %mul3A_121, %add3A_996 : i32
          %get3A_998 = arith.index_cast %rem3A_80 : i32 to index
          %get3A_999 = arith.index_cast %add3A_997 : i32 to index
          %get3A_1000 = arith.constant 0 : index
          %get3A_1001 = tpu.vector_load %arg12[%get3A_998, %get3A_999, %get3A_1000] {strides = array<i32>} : memref<2x80x64xf32, #tpu.memory_space<vmem>>, vector<1x1x16xf32>,
          %get3A_1002 = vector.shape_cast %get3A_1001 : vector<1x1x16xf32> to vector<16xf32>
          %mul3A_1003 = arith.mulf %get3A_1002, %broadcast_in_dim3A_995 : vector<16xf32>
          %add3A_1004 = arith.constant 13 : i32
          %add3A_1005 = arith.addi %mul3A_121, %add3A_1004 : i32
          %swap3A_1006 = arith.index_cast %rem3A_80 : i32 to index
          %swap3A_1007 = arith.index_cast %add3A_1005 : i32 to index
          %swap3A_1008 = arith.constant 0 : index
          %swap3A_1009 = tpu.vector_load %arg12[%swap3A_1006, %swap3A_1007, %swap3A_1008] {strides = array<i32>} : memref<2x80x64xf32, #tpu.memory_space<vmem>>, vector<1x1x16xf32>,
          %swap3A_1010 = vector.shape_cast %swap3A_1009 : vector<1x1x16xf32> to vector<16xf32>
          %swap3A_1011 = vector.shape_cast %mul3A_1003 : vector<16xf32> to vector<1x1x16xf32>
          tpu.vector_store %arg12[%swap3A_1006, %swap3A_1007, %swap3A_1008], %swap3A_1011 {strides = array<i32>} : memref<2x80x64xf32, #tpu.memory_space<vmem>>, vector<1x1x16xf32>,
          %add3A_1012 = arith.constant 13 : i32
          %add3A_1013 = arith.addi %mul3A_121, %add3A_1012 : i32
          %get3A_1014 = arith.index_cast %rem3A_80 : i32 to index
          %get3A_1015 = arith.index_cast %add3A_1013 : i32 to index
          %get3A_1016 = arith.constant 16 : index
          %get3A_1017 = tpu.vector_load %arg12[%get3A_1014, %get3A_1015, %get3A_1016] {strides = array<i32>} : memref<2x80x64xf32, #tpu.memory_space<vmem>>, vector<1x1x16xf32>,
          %get3A_1018 = vector.shape_cast %get3A_1017 : vector<1x1x16xf32> to vector<16xf32>
          %mul3A_1019 = arith.mulf %get3A_1018, %broadcast_in_dim3A_995 : vector<16xf32>
          %add3A_1020 = arith.constant 13 : i32
          %add3A_1021 = arith.addi %mul3A_121, %add3A_1020 : i32
          %swap3A_1022 = arith.index_cast %rem3A_80 : i32 to index
          %swap3A_1023 = arith.index_cast %add3A_1021 : i32 to index
          %swap3A_1024 = arith.constant 16 : index
          %swap3A_1025 = tpu.vector_load %arg12[%swap3A_1022, %swap3A_1023, %swap3A_1024] {strides = array<i32>} : memref<2x80x64xf32, #tpu.memory_space<vmem>>, vector<1x1x16xf32>,
          %swap3A_1026 = vector.shape_cast %swap3A_1025 : vector<1x1x16xf32> to vector<16xf32>
          %swap3A_1027 = vector.shape_cast %mul3A_1019 : vector<16xf32> to vector<1x1x16xf32>
          tpu.vector_store %arg12[%swap3A_1022, %swap3A_1023, %swap3A_1024], %swap3A_1027 {strides = array<i32>} : memref<2x80x64xf32, #tpu.memory_space<vmem>>, vector<1x1x16xf32>,
          %add3A_1028 = arith.constant 13 : i32
          %add3A_1029 = arith.addi %mul3A_121, %add3A_1028 : i32
          %get3A_1030 = arith.index_cast %rem3A_80 : i32 to index
          %get3A_1031 = arith.index_cast %add3A_1029 : i32 to index
          %get3A_1032 = arith.constant 32 : index
          %get3A_1033 = tpu.vector_load %arg12[%get3A_1030, %get3A_1031, %get3A_1032] {strides = array<i32>} : memref<2x80x64xf32, #tpu.memory_space<vmem>>, vector<1x1x16xf32>,
          %get3A_1034 = vector.shape_cast %get3A_1033 : vector<1x1x16xf32> to vector<16xf32>
          %mul3A_1035 = arith.mulf %get3A_1034, %broadcast_in_dim3A_995 : vector<16xf32>
          %add3A_1036 = arith.constant 13 : i32
          %add3A_1037 = arith.addi %mul3A_121, %add3A_1036 : i32
          %swap3A_1038 = arith.index_cast %rem3A_80 : i32 to index
          %swap3A_1039 = arith.index_cast %add3A_1037 : i32 to index
          %swap3A_1040 = arith.constant 32 : index
          %swap3A_1041 = tpu.vector_load %arg12[%swap3A_1038, %swap3A_1039, %swap3A_1040] {strides = array<i32>} : memref<2x80x64xf32, #tpu.memory_space<vmem>>, vector<1x1x16xf32>,
          %swap3A_1042 = vector.shape_cast %swap3A_1041 : vector<1x1x16xf32> to vector<16xf32>
          %swap3A_1043 = vector.shape_cast %mul3A_1035 : vector<16xf32> to vector<1x1x16xf32>
          tpu.vector_store %arg12[%swap3A_1038, %swap3A_1039, %swap3A_1040], %swap3A_1043 {strides = array<i32>} : memref<2x80x64xf32, #tpu.memory_space<vmem>>, vector<1x1x16xf32>,
          %add3A_1044 = arith.constant 13 : i32
          %add3A_1045 = arith.addi %mul3A_121, %add3A_1044 : i32
          %get3A_1046 = arith.index_cast %rem3A_80 : i32 to index
          %get3A_1047 = arith.index_cast %add3A_1045 : i32 to index
          %get3A_1048 = arith.constant 48 : index
          %get3A_1049 = tpu.vector_load %arg12[%get3A_1046, %get3A_1047, %get3A_1048] {strides = array<i32>} : memref<2x80x64xf32, #tpu.memory_space<vmem>>, vector<1x1x16xf32>,
          %get3A_1050 = vector.shape_cast %get3A_1049 : vector<1x1x16xf32> to vector<16xf32>
          %mul3A_1051 = arith.mulf %get3A_1050, %broadcast_in_dim3A_995 : vector<16xf32>
          %add3A_1052 = arith.constant 13 : i32
          %add3A_1053 = arith.addi %mul3A_121, %add3A_1052 : i32
          %swap3A_1054 = arith.index_cast %rem3A_80 : i32 to index
          %swap3A_1055 = arith.index_cast %add3A_1053 : i32 to index
          %swap3A_1056 = arith.constant 48 : index
          %swap3A_1057 = tpu.vector_load %arg12[%swap3A_1054, %swap3A_1055, %swap3A_1056] {strides = array<i32>} : memref<2x80x64xf32, #tpu.memory_space<vmem>>, vector<1x1x16xf32>,
          %swap3A_1058 = vector.shape_cast %swap3A_1057 : vector<1x1x16xf32> to vector<16xf32>
          %swap3A_1059 = vector.shape_cast %mul3A_1051 : vector<16xf32> to vector<1x1x16xf32>
          tpu.vector_store %arg12[%swap3A_1054, %swap3A_1055, %swap3A_1056], %swap3A_1059 {strides = array<i32>} : memref<2x80x64xf32, #tpu.memory_space<vmem>>, vector<1x1x16xf32>,
          %slice3A_1060 = vector.extract_strided_slice %get3A_124 {offsets = [14], sizes = [1], strides = [1]} : vector<16xf32> to vector<1xf32>
          %squeeze3A_1061 = vector.extract %slice3A_1060[0] : f32 from vector<1xf32>
          %broadcast_in_dim3A_1062 = vector.broadcast %squeeze3A_1061 : f32 to vector<16xf32>
          %add3A_1063 = arith.constant 14 : i32
          %add3A_1064 = arith.addi %mul3A_121, %add3A_1063 : i32
          %get3A_1065 = arith.index_cast %rem3A_80 : i32 to index
          %get3A_1066 = arith.index_cast %add3A_1064 : i32 to index
          %get3A_1067 = arith.constant 0 : index
          %get3A_1068 = tpu.vector_load %arg12[%get3A_1065, %get3A_1066, %get3A_1067] {strides = array<i32>} : memref<2x80x64xf32, #tpu.memory_space<vmem>>, vector<1x1x16xf32>,
          %get3A_1069 = vector.shape_cast %get3A_1068 : vector<1x1x16xf32> to vector<16xf32>
          %mul3A_1070 = arith.mulf %get3A_1069, %broadcast_in_dim3A_1062 : vector<16xf32>
          %add3A_1071 = arith.constant 14 : i32
          %add3A_1072 = arith.addi %mul3A_121, %add3A_1071 : i32
          %swap3A_1073 = arith.index_cast %rem3A_80 : i32 to index
          %swap3A_1074 = arith.index_cast %add3A_1072 : i32 to index
          %swap3A_1075 = arith.constant 0 : index
          %swap3A_1076 = tpu.vector_load %arg12[%swap3A_1073, %swap3A_1074, %swap3A_1075] {strides = array<i32>} : memref<2x80x64xf32, #tpu.memory_space<vmem>>, vector<1x1x16xf32>,
          %swap3A_1077 = vector.shape_cast %swap3A_1076 : vector<1x1x16xf32> to vector<16xf32>
          %swap3A_1078 = vector.shape_cast %mul3A_1070 : vector<16xf32> to vector<1x1x16xf32>
          tpu.vector_store %arg12[%swap3A_1073, %swap3A_1074, %swap3A_1075], %swap3A_1078 {strides = array<i32>} : memref<2x80x64xf32, #tpu.memory_space<vmem>>, vector<1x1x16xf32>,
          %add3A_1079 = arith.constant 14 : i32
          %add3A_1080 = arith.addi %mul3A_121, %add3A_1079 : i32
          %get3A_1081 = arith.index_cast %rem3A_80 : i32 to index
          %get3A_1082 = arith.index_cast %add3A_1080 : i32 to index
          %get3A_1083 = arith.constant 16 : index
          %get3A_1084 = tpu.vector_load %arg12[%get3A_1081, %get3A_1082, %get3A_1083] {strides = array<i32>} : memref<2x80x64xf32, #tpu.memory_space<vmem>>, vector<1x1x16xf32>,
          %get3A_1085 = vector.shape_cast %get3A_1084 : vector<1x1x16xf32> to vector<16xf32>
          %mul3A_1086 = arith.mulf %get3A_1085, %broadcast_in_dim3A_1062 : vector<16xf32>
          %add3A_1087 = arith.constant 14 : i32
          %add3A_1088 = arith.addi %mul3A_121, %add3A_1087 : i32
          %swap3A_1089 = arith.index_cast %rem3A_80 : i32 to index
          %swap3A_1090 = arith.index_cast %add3A_1088 : i32 to index
          %swap3A_1091 = arith.constant 16 : index
          %swap3A_1092 = tpu.vector_load %arg12[%swap3A_1089, %swap3A_1090, %swap3A_1091] {strides = array<i32>} : memref<2x80x64xf32, #tpu.memory_space<vmem>>, vector<1x1x16xf32>,
          %swap3A_1093 = vector.shape_cast %swap3A_1092 : vector<1x1x16xf32> to vector<16xf32>
          %swap3A_1094 = vector.shape_cast %mul3A_1086 : vector<16xf32> to vector<1x1x16xf32>
          tpu.vector_store %arg12[%swap3A_1089, %swap3A_1090, %swap3A_1091], %swap3A_1094 {strides = array<i32>} : memref<2x80x64xf32, #tpu.memory_space<vmem>>, vector<1x1x16xf32>,
          %add3A_1095 = arith.constant 14 : i32
          %add3A_1096 = arith.addi %mul3A_121, %add3A_1095 : i32
          %get3A_1097 = arith.index_cast %rem3A_80 : i32 to index
          %get3A_1098 = arith.index_cast %add3A_1096 : i32 to index
          %get3A_1099 = arith.constant 32 : index
          %get3A_1100 = tpu.vector_load %arg12[%get3A_1097, %get3A_1098, %get3A_1099] {strides = array<i32>} : memref<2x80x64xf32, #tpu.memory_space<vmem>>, vector<1x1x16xf32>,
          %get3A_1101 = vector.shape_cast %get3A_1100 : vector<1x1x16xf32> to vector<16xf32>
          %mul3A_1102 = arith.mulf %get3A_1101, %broadcast_in_dim3A_1062 : vector<16xf32>
          %add3A_1103 = arith.constant 14 : i32
          %add3A_1104 = arith.addi %mul3A_121, %add3A_1103 : i32
          %swap3A_1105 = arith.index_cast %rem3A_80 : i32 to index
          %swap3A_1106 = arith.index_cast %add3A_1104 : i32 to index
          %swap3A_1107 = arith.constant 32 : index
          %swap3A_1108 = tpu.vector_load %arg12[%swap3A_1105, %swap3A_1106, %swap3A_1107] {strides = array<i32>} : memref<2x80x64xf32, #tpu.memory_space<vmem>>, vector<1x1x16xf32>,
          %swap3A_1109 = vector.shape_cast %swap3A_1108 : vector<1x1x16xf32> to vector<16xf32>
          %swap3A_1110 = vector.shape_cast %mul3A_1102 : vector<16xf32> to vector<1x1x16xf32>
          tpu.vector_store %arg12[%swap3A_1105, %swap3A_1106, %swap3A_1107], %swap3A_1110 {strides = array<i32>} : memref<2x80x64xf32, #tpu.memory_space<vmem>>, vector<1x1x16xf32>,
          %add3A_1111 = arith.constant 14 : i32
          %add3A_1112 = arith.addi %mul3A_121, %add3A_1111 : i32
          %get3A_1113 = arith.index_cast %rem3A_80 : i32 to index
          %get3A_1114 = arith.index_cast %add3A_1112 : i32 to index
          %get3A_1115 = arith.constant 48 : index
          %get3A_1116 = tpu.vector_load %arg12[%get3A_1113, %get3A_1114, %get3A_1115] {strides = array<i32>} : memref<2x80x64xf32, #tpu.memory_space<vmem>>, vector<1x1x16xf32>,
          %get3A_1117 = vector.shape_cast %get3A_1116 : vector<1x1x16xf32> to vector<16xf32>
          %mul3A_1118 = arith.mulf %get3A_1117, %broadcast_in_dim3A_1062 : vector<16xf32>
          %add3A_1119 = arith.constant 14 : i32
          %add3A_1120 = arith.addi %mul3A_121, %add3A_1119 : i32
          %swap3A_1121 = arith.index_cast %rem3A_80 : i32 to index
          %swap3A_1122 = arith.index_cast %add3A_1120 : i32 to index
          %swap3A_1123 = arith.constant 48 : index
          %swap3A_1124 = tpu.vector_load %arg12[%swap3A_1121, %swap3A_1122, %swap3A_1123] {strides = array<i32>} : memref<2x80x64xf32, #tpu.memory_space<vmem>>, vector<1x1x16xf32>,
          %swap3A_1125 = vector.shape_cast %swap3A_1124 : vector<1x1x16xf32> to vector<16xf32>
          %swap3A_1126 = vector.shape_cast %mul3A_1118 : vector<16xf32> to vector<1x1x16xf32>
          tpu.vector_store %arg12[%swap3A_1121, %swap3A_1122, %swap3A_1123], %swap3A_1126 {strides = array<i32>} : memref<2x80x64xf32, #tpu.memory_space<vmem>>, vector<1x1x16xf32>,
          %slice3A_1127 = vector.extract_strided_slice %get3A_124 {offsets = [15], sizes = [1], strides = [1]} : vector<16xf32> to vector<1xf32>
          %squeeze3A_1128 = vector.extract %slice3A_1127[0] : f32 from vector<1xf32>
          %broadcast_in_dim3A_1129 = vector.broadcast %squeeze3A_1128 : f32 to vector<16xf32>
          %add3A_1130 = arith.constant 15 : i32
          %add3A_1131 = arith.addi %mul3A_121, %add3A_1130 : i32
          %get3A_1132 = arith.index_cast %rem3A_80 : i32 to index
          %get3A_1133 = arith.index_cast %add3A_1131 : i32 to index
          %get3A_1134 = arith.constant 0 : index
          %get3A_1135 = tpu.vector_load %arg12[%get3A_1132, %get3A_1133, %get3A_1134] {strides = array<i32>} : memref<2x80x64xf32, #tpu.memory_space<vmem>>, vector<1x1x16xf32>,
          %get3A_1136 = vector.shape_cast %get3A_1135 : vector<1x1x16xf32> to vector<16xf32>
          %mul3A_1137 = arith.mulf %get3A_1136, %broadcast_in_dim3A_1129 : vector<16xf32>
          %add3A_1138 = arith.constant 15 : i32
          %add3A_1139 = arith.addi %mul3A_121, %add3A_1138 : i32
          %swap3A_1140 = arith.index_cast %rem3A_80 : i32 to index
          %swap3A_1141 = arith.index_cast %add3A_1139 : i32 to index
          %swap3A_1142 = arith.constant 0 : index
          %swap3A_1143 = tpu.vector_load %arg12[%swap3A_1140, %swap3A_1141, %swap3A_1142] {strides = array<i32>} : memref<2x80x64xf32, #tpu.memory_space<vmem>>, vector<1x1x16xf32>,
          %swap3A_1144 = vector.shape_cast %swap3A_1143 : vector<1x1x16xf32> to vector<16xf32>
          %swap3A_1145 = vector.shape_cast %mul3A_1137 : vector<16xf32> to vector<1x1x16xf32>
          tpu.vector_store %arg12[%swap3A_1140, %swap3A_1141, %swap3A_1142], %swap3A_1145 {strides = array<i32>} : memref<2x80x64xf32, #tpu.memory_space<vmem>>, vector<1x1x16xf32>,
          %add3A_1146 = arith.constant 15 : i32
          %add3A_1147 = arith.addi %mul3A_121, %add3A_1146 : i32
          %get3A_1148 = arith.index_cast %rem3A_80 : i32 to index
          %get3A_1149 = arith.index_cast %add3A_1147 : i32 to index
          %get3A_1150 = arith.constant 16 : index
          %get3A_1151 = tpu.vector_load %arg12[%get3A_1148, %get3A_1149, %get3A_1150] {strides = array<i32>} : memref<2x80x64xf32, #tpu.memory_space<vmem>>, vector<1x1x16xf32>,
          %get3A_1152 = vector.shape_cast %get3A_1151 : vector<1x1x16xf32> to vector<16xf32>
          %mul3A_1153 = arith.mulf %get3A_1152, %broadcast_in_dim3A_1129 : vector<16xf32>
          %add3A_1154 = arith.constant 15 : i32
          %add3A_1155 = arith.addi %mul3A_121, %add3A_1154 : i32
          %swap3A_1156 = arith.index_cast %rem3A_80 : i32 to index
          %swap3A_1157 = arith.index_cast %add3A_1155 : i32 to index
          %swap3A_1158 = arith.constant 16 : index
          %swap3A_1159 = tpu.vector_load %arg12[%swap3A_1156, %swap3A_1157, %swap3A_1158] {strides = array<i32>} : memref<2x80x64xf32, #tpu.memory_space<vmem>>, vector<1x1x16xf32>,
          %swap3A_1160 = vector.shape_cast %swap3A_1159 : vector<1x1x16xf32> to vector<16xf32>
          %swap3A_1161 = vector.shape_cast %mul3A_1153 : vector<16xf32> to vector<1x1x16xf32>
          tpu.vector_store %arg12[%swap3A_1156, %swap3A_1157, %swap3A_1158], %swap3A_1161 {strides = array<i32>} : memref<2x80x64xf32, #tpu.memory_space<vmem>>, vector<1x1x16xf32>,
          %add3A_1162 = arith.constant 15 : i32
          %add3A_1163 = arith.addi %mul3A_121, %add3A_1162 : i32
          %get3A_1164 = arith.index_cast %rem3A_80 : i32 to index
          %get3A_1165 = arith.index_cast %add3A_1163 : i32 to index
          %get3A_1166 = arith.constant 32 : index
          %get3A_1167 = tpu.vector_load %arg12[%get3A_1164, %get3A_1165, %get3A_1166] {strides = array<i32>} : memref<2x80x64xf32, #tpu.memory_space<vmem>>, vector<1x1x16xf32>,
          %get3A_1168 = vector.shape_cast %get3A_1167 : vector<1x1x16xf32> to vector<16xf32>
          %mul3A_1169 = arith.mulf %get3A_1168, %broadcast_in_dim3A_1129 : vector<16xf32>
          %add3A_1170 = arith.constant 15 : i32
          %add3A_1171 = arith.addi %mul3A_121, %add3A_1170 : i32
          %swap3A_1172 = arith.index_cast %rem3A_80 : i32 to index
          %swap3A_1173 = arith.index_cast %add3A_1171 : i32 to index
          %swap3A_1174 = arith.constant 32 : index
          %swap3A_1175 = tpu.vector_load %arg12[%swap3A_1172, %swap3A_1173, %swap3A_1174] {strides = array<i32>} : memref<2x80x64xf32, #tpu.memory_space<vmem>>, vector<1x1x16xf32>,
          %swap3A_1176 = vector.shape_cast %swap3A_1175 : vector<1x1x16xf32> to vector<16xf32>
          %swap3A_1177 = vector.shape_cast %mul3A_1169 : vector<16xf32> to vector<1x1x16xf32>
          tpu.vector_store %arg12[%swap3A_1172, %swap3A_1173, %swap3A_1174], %swap3A_1177 {strides = array<i32>} : memref<2x80x64xf32, #tpu.memory_space<vmem>>, vector<1x1x16xf32>,
          %add3A_1178 = arith.constant 15 : i32
          %add3A_1179 = arith.addi %mul3A_121, %add3A_1178 : i32
          %get3A_1180 = arith.index_cast %rem3A_80 : i32 to index
          %get3A_1181 = arith.index_cast %add3A_1179 : i32 to index
          %get3A_1182 = arith.constant 48 : index
          %get3A_1183 = tpu.vector_load %arg12[%get3A_1180, %get3A_1181, %get3A_1182] {strides = array<i32>} : memref<2x80x64xf32, #tpu.memory_space<vmem>>, vector<1x1x16xf32>,
          %get3A_1184 = vector.shape_cast %get3A_1183 : vector<1x1x16xf32> to vector<16xf32>
          %mul3A_1185 = arith.mulf %get3A_1184, %broadcast_in_dim3A_1129 : vector<16xf32>
          %add3A_1186 = arith.constant 15 : i32
          %add3A_1187 = arith.addi %mul3A_121, %add3A_1186 : i32
          %swap3A_1188 = arith.index_cast %rem3A_80 : i32 to index
          %swap3A_1189 = arith.index_cast %add3A_1187 : i32 to index
          %swap3A_1190 = arith.constant 48 : index
          %swap3A_1191 = tpu.vector_load %arg12[%swap3A_1188, %swap3A_1189, %swap3A_1190] {strides = array<i32>} : memref<2x80x64xf32, #tpu.memory_space<vmem>>, vector<1x1x16xf32>,
          %swap3A_1192 = vector.shape_cast %swap3A_1191 : vector<1x1x16xf32> to vector<16xf32>
          %swap3A_1193 = vector.shape_cast %mul3A_1185 : vector<16xf32> to vector<1x1x16xf32>
          tpu.vector_store %arg12[%swap3A_1188, %swap3A_1189, %swap3A_1190], %swap3A_1193 {strides = array<i32>} : memref<2x80x64xf32, #tpu.memory_space<vmem>>, vector<1x1x16xf32>,
        }
        %scan3A_99 = arith.constant 5 : i32
        %dma_start3A = arith.constant 0 : i32
        %dma_start3A_100 = arith.constant 0 : i32
        %dma_start3A_101 = tpu.memref_slice %arg12[%rem3A_80, %dma_start3A, %dma_start3A_100] : memref<2x80x64xf32, #tpu.memory_space<vmem>> -> memref<1x80x64xf32, #tpu.memory_space<vmem>>
        %dma_start3A_102 = tpu.memref_squeeze %dma_start3A_101 : memref<1x80x64xf32, #tpu.memory_space<vmem>> -> memref<80x64xf32, #tpu.memory_space<vmem>>
        %dma_start3A_103 = arith.constant 0 : i32
        %dma_start3A_104 = tpu.memref_slice %arg10[%sub3A_79, %dma_start3A_103] : memref<250x80xi32, #tpu.memory_space<vmem>> -> memref<1x80xi32, #tpu.memory_space<vmem>>
        %dma_start3A_105 = tpu.memref_squeeze %dma_start3A_104 : memref<1x80xi32, #tpu.memory_space<vmem>> -> memref<80xi32, #tpu.memory_space<vmem>>
        %dma_start3A_106 = arith.constant 0 : i32
        %dma_start3A_107 = arith.constant 0 : i32
        %dma_start3A_108 = tpu.memref_slice %arg15[%dma_start3A_106, %dma_start3A_107] : memref<10000x64xf32, #tpu.memory_space<vmem_shared>> -> memref<10000x64xf32, #tpu.memory_space<vmem_shared>>
        tpu.enqueue_indirect_dma source(%dma_start3A_102 : memref<80x64xf32, #tpu.memory_space<vmem>>) target(%dma_start3A_108 : memref<10000x64xf32, #tpu.memory_space<vmem_shared>>) offsets(%dma_start3A_105 : memref<80xi32, #tpu.memory_space<vmem>>) semaphore(%arg18 : memref<!tpu.dma_semaphore, #tpu.memory_space<semaphore_mem>>) {add = true}
        %eq3A_109 = arith.constant 0 : i32
        %eq3A_110 = arith.cmpi eq, %arg0, %eq3A_109 : i32
        %lt3A_111 = arith.constant 125 : i32
        %lt3A_112 = arith.cmpi slt, %sub3A_79, %lt3A_111 : i32
        %eq3A_113 = arith.xori %eq3A_110, %lt3A_112 : i1
        %eq3A_114 = arith.constant true
        %eq3A_115 = arith.xori %eq3A_113, %eq3A_114 : i1
        %convert_element_type3A_116 = arith.extui %eq3A_115 : i1 to i32
        %cond3A_117 = arith.constant 0 : i32
        %cond3A_118 = arith.cmpi ne, %convert_element_type3A_116, %cond3A_117 : i32
        scf.if %cond3A_118 {
          %dma_start3A_119 = arith.constant 0 : i32
          %dma_start3A_120 = tpu.memref_slice %arg10[%sub3A_79, %dma_start3A_119] : memref<250x80xi32, #tpu.memory_space<vmem>> -> memref<1x80xi32, #tpu.memory_space<vmem>>
          %dma_start3A_121 = tpu.memref_squeeze %dma_start3A_120 : memref<1x80xi32, #tpu.memory_space<vmem>> -> memref<80xi32, #tpu.memory_space<vmem>>
          %dma_start3A_122 = arith.constant 0 : i32
          %dma_start3A_123 = arith.constant 0 : i32
          %dma_start3A_124 = tpu.memref_slice %arg16[%dma_start3A_122, %dma_start3A_123] : memref<10000x8xf32, #tpu.memory_space<vmem_shared>> -> memref<10000x8xf32, #tpu.memory_space<vmem_shared>>
          tpu.enqueue_indirect_dma source(%arg13 : memref<80x8xf32, #tpu.memory_space<vmem>>) target(%dma_start3A_124 : memref<10000x8xf32, #tpu.memory_space<vmem_shared>>) offsets(%dma_start3A_121 : memref<80xi32, #tpu.memory_space<vmem>>) semaphore(%arg19 : memref<!tpu.dma_semaphore, #tpu.memory_space<semaphore_mem>>) {add = true}
        } else {
        }
      } else {
      }
    }
    %scan3A_23 = arith.constant 252 : i32
    %barrier3A_24 = arith.constant 0 : index
    tpu.barrier barrier_id(%barrier3A_24)
    %mul3A_25 = arith.constant 624 : i32
    %mul3A_26 = arith.muli %arg1, %mul3A_25 : i32
    %add3A_27 = arith.constant 0 : i32
    %add3A_28 = arith.addi %mul3A_26, %add3A_27 : i32
    "tpu.region"() ({
      %run_scoped3A = tpu.sem_alloc : memref<!tpu.dma_semaphore, #tpu.memory_space<semaphore_mem>>
      %dma_start3A = arith.constant 0 : i32
      %dma_start3A_42 = tpu.memref_slice %arg7[%arg0, %add3A_28, %dma_start3A] : memref<2x10000x64xf32, #tpu.memory_space<hbm>> -> memref<1x208x64xf32, #tpu.memory_space<hbm>>
      %dma_start3A_43 = tpu.memref_squeeze %dma_start3A_42 : memref<1x208x64xf32, #tpu.memory_space<hbm>> -> memref<208x64xf32, #tpu.memory_space<hbm>>
      %dma_start3A_44 = arith.constant 0 : i32
      %dma_start3A_45 = tpu.memref_slice %arg15[%add3A_28, %dma_start3A_44] : memref<10000x64xf32, #tpu.memory_space<vmem_shared>> -> memref<208x64xf32, #tpu.memory_space<vmem_shared>>
      tpu.enqueue_dma source(%dma_start3A_45 : memref<208x64xf32, #tpu.memory_space<vmem_shared>>) target(%dma_start3A_43 : memref<208x64xf32, #tpu.memory_space<hbm>>) target_semaphore(%run_scoped3A : memref<!tpu.dma_semaphore, #tpu.memory_space<semaphore_mem>>)
      %dma_wait3A = arith.constant 0 : i32
      %dma_wait3A_46 = tpu.memref_slice %arg7[%arg0, %add3A_28, %dma_wait3A] : memref<2x10000x64xf32, #tpu.memory_space<hbm>> -> memref<1x208x64xf32, #tpu.memory_space<hbm>>
      %dma_wait3A_47 = tpu.memref_squeeze %dma_wait3A_46 : memref<1x208x64xf32, #tpu.memory_space<hbm>> -> memref<208x64xf32, #tpu.memory_space<hbm>>
      %dma_wait3A_48 = arith.constant 0 : i32
      %dma_wait3A_49 = tpu.memref_slice %arg15[%add3A_28, %dma_wait3A_48] : memref<10000x64xf32, #tpu.memory_space<vmem_shared>> -> memref<208x64xf32, #tpu.memory_space<vmem_shared>>
      tpu.wait_dma2 semaphore(%run_scoped3A : memref<!tpu.dma_semaphore, #tpu.memory_space<semaphore_mem>>) src(%dma_wait3A_49 : memref<208x64xf32, #tpu.memory_space<vmem_shared>>) dst(%dma_wait3A_47 : memref<208x64xf32, #tpu.memory_space<hbm>>)
      tpu.yield
    }) : () -> ()
    "tpu.region"() ({
      %run_scoped3A = tpu.sem_alloc : memref<!tpu.dma_semaphore, #tpu.memory_space<semaphore_mem>>
      %dma_start3A = arith.constant 0 : i32
      %dma_start3A_42 = tpu.memref_slice %arg8[%arg0, %add3A_28, %dma_start3A] : memref<2x10000x8xf32, #tpu.memory_space<hbm>> -> memref<1x208x8xf32, #tpu.memory_space<hbm>>
      %dma_start3A_43 = tpu.memref_squeeze %dma_start3A_42 : memref<1x208x8xf32, #tpu.memory_space<hbm>> -> memref<208x8xf32, #tpu.memory_space<hbm>>
      %dma_start3A_44 = arith.constant 0 : i32
      %dma_start3A_45 = tpu.memref_slice %arg16[%add3A_28, %dma_start3A_44] : memref<10000x8xf32, #tpu.memory_space<vmem_shared>> -> memref<208x8xf32, #tpu.memory_space<vmem_shared>>
      tpu.enqueue_dma source(%dma_start3A_45 : memref<208x8xf32, #tpu.memory_space<vmem_shared>>) target(%dma_start3A_43 : memref<208x8xf32, #tpu.memory_space<hbm>>) target_semaphore(%run_scoped3A : memref<!tpu.dma_semaphore, #tpu.memory_space<semaphore_mem>>)
      %dma_wait3A = arith.constant 0 : i32
      %dma_wait3A_46 = tpu.memref_slice %arg8[%arg0, %add3A_28, %dma_wait3A] : memref<2x10000x8xf32, #tpu.memory_space<hbm>> -> memref<1x208x8xf32, #tpu.memory_space<hbm>>
      %dma_wait3A_47 = tpu.memref_squeeze %dma_wait3A_46 : memref<1x208x8xf32, #tpu.memory_space<hbm>> -> memref<208x8xf32, #tpu.memory_space<hbm>>
      %dma_wait3A_48 = arith.constant 0 : i32
      %dma_wait3A_49 = tpu.memref_slice %arg16[%add3A_28, %dma_wait3A_48] : memref<10000x8xf32, #tpu.memory_space<vmem_shared>> -> memref<208x8xf32, #tpu.memory_space<vmem_shared>>
      tpu.wait_dma2 semaphore(%run_scoped3A : memref<!tpu.dma_semaphore, #tpu.memory_space<semaphore_mem>>) src(%dma_wait3A_49 : memref<208x8xf32, #tpu.memory_space<vmem_shared>>) dst(%dma_wait3A_47 : memref<208x8xf32, #tpu.memory_space<hbm>>)
      tpu.yield
    }) : () -> ()
    %mul3A_29 = arith.constant 624 : i32
    %mul3A_30 = arith.muli %arg1, %mul3A_29 : i32
    %add3A_31 = arith.constant 208 : i32
    %add3A_32 = arith.addi %mul3A_30, %add3A_31 : i32
    "tpu.region"() ({
      %run_scoped3A = tpu.sem_alloc : memref<!tpu.dma_semaphore, #tpu.memory_space<semaphore_mem>>
      %dma_start3A = arith.constant 0 : i32
      %dma_start3A_42 = tpu.memref_slice %arg7[%arg0, %add3A_32, %dma_start3A] : memref<2x10000x64xf32, #tpu.memory_space<hbm>> -> memref<1x208x64xf32, #tpu.memory_space<hbm>>
      %dma_start3A_43 = tpu.memref_squeeze %dma_start3A_42 : memref<1x208x64xf32, #tpu.memory_space<hbm>> -> memref<208x64xf32, #tpu.memory_space<hbm>>
      %dma_start3A_44 = arith.constant 0 : i32
      %dma_start3A_45 = tpu.memref_slice %arg15[%add3A_32, %dma_start3A_44] : memref<10000x64xf32, #tpu.memory_space<vmem_shared>> -> memref<208x64xf32, #tpu.memory_space<vmem_shared>>
      tpu.enqueue_dma source(%dma_start3A_45 : memref<208x64xf32, #tpu.memory_space<vmem_shared>>) target(%dma_start3A_43 : memref<208x64xf32, #tpu.memory_space<hbm>>) target_semaphore(%run_scoped3A : memref<!tpu.dma_semaphore, #tpu.memory_space<semaphore_mem>>)
      %dma_wait3A = arith.constant 0 : i32
      %dma_wait3A_46 = tpu.memref_slice %arg7[%arg0, %add3A_32, %dma_wait3A] : memref<2x10000x64xf32, #tpu.memory_space<hbm>> -> memref<1x208x64xf32, #tpu.memory_space<hbm>>
      %dma_wait3A_47 = tpu.memref_squeeze %dma_wait3A_46 : memref<1x208x64xf32, #tpu.memory_space<hbm>> -> memref<208x64xf32, #tpu.memory_space<hbm>>
      %dma_wait3A_48 = arith.constant 0 : i32
      %dma_wait3A_49 = tpu.memref_slice %arg15[%add3A_32, %dma_wait3A_48] : memref<10000x64xf32, #tpu.memory_space<vmem_shared>> -> memref<208x64xf32, #tpu.memory_space<vmem_shared>>
      tpu.wait_dma2 semaphore(%run_scoped3A : memref<!tpu.dma_semaphore, #tpu.memory_space<semaphore_mem>>) src(%dma_wait3A_49 : memref<208x64xf32, #tpu.memory_space<vmem_shared>>) dst(%dma_wait3A_47 : memref<208x64xf32, #tpu.memory_space<hbm>>)
      tpu.yield
    }) : () -> ()
    "tpu.region"() ({
      %run_scoped3A = tpu.sem_alloc : memref<!tpu.dma_semaphore, #tpu.memory_space<semaphore_mem>>
      %dma_start3A = arith.constant 0 : i32
      %dma_start3A_42 = tpu.memref_slice %arg8[%arg0, %add3A_32, %dma_start3A] : memref<2x10000x8xf32, #tpu.memory_space<hbm>> -> memref<1x208x8xf32, #tpu.memory_space<hbm>>
      %dma_start3A_43 = tpu.memref_squeeze %dma_start3A_42 : memref<1x208x8xf32, #tpu.memory_space<hbm>> -> memref<208x8xf32, #tpu.memory_space<hbm>>
      %dma_start3A_44 = arith.constant 0 : i32
      %dma_start3A_45 = tpu.memref_slice %arg16[%add3A_32, %dma_start3A_44] : memref<10000x8xf32, #tpu.memory_space<vmem_shared>> -> memref<208x8xf32, #tpu.memory_space<vmem_shared>>
      tpu.enqueue_dma source(%dma_start3A_45 : memref<208x8xf32, #tpu.memory_space<vmem_shared>>) target(%dma_start3A_43 : memref<208x8xf32, #tpu.memory_space<hbm>>) target_semaphore(%run_scoped3A : memref<!tpu.dma_semaphore, #tpu.memory_space<semaphore_mem>>)
      %dma_wait3A = arith.constant 0 : i32
      %dma_wait3A_46 = tpu.memref_slice %arg8[%arg0, %add3A_32, %dma_wait3A] : memref<2x10000x8xf32, #tpu.memory_space<hbm>> -> memref<1x208x8xf32, #tpu.memory_space<hbm>>
      %dma_wait3A_47 = tpu.memref_squeeze %dma_wait3A_46 : memref<1x208x8xf32, #tpu.memory_space<hbm>> -> memref<208x8xf32, #tpu.memory_space<hbm>>
      %dma_wait3A_48 = arith.constant 0 : i32
      %dma_wait3A_49 = tpu.memref_slice %arg16[%add3A_32, %dma_wait3A_48] : memref<10000x8xf32, #tpu.memory_space<vmem_shared>> -> memref<208x8xf32, #tpu.memory_space<vmem_shared>>
      tpu.wait_dma2 semaphore(%run_scoped3A : memref<!tpu.dma_semaphore, #tpu.memory_space<semaphore_mem>>) src(%dma_wait3A_49 : memref<208x8xf32, #tpu.memory_space<vmem_shared>>) dst(%dma_wait3A_47 : memref<208x8xf32, #tpu.memory_space<hbm>>)
      tpu.yield
    }) : () -> ()
    %mul3A_33 = arith.constant 624 : i32
    %mul3A_34 = arith.muli %arg1, %mul3A_33 : i32
    %add3A_35 = arith.constant 416 : i32
    %add3A_36 = arith.addi %mul3A_34, %add3A_35 : i32
    "tpu.region"() ({
      %run_scoped3A = tpu.sem_alloc : memref<!tpu.dma_semaphore, #tpu.memory_space<semaphore_mem>>
      %dma_start3A = arith.constant 0 : i32
      %dma_start3A_42 = tpu.memref_slice %arg7[%arg0, %add3A_36, %dma_start3A] : memref<2x10000x64xf32, #tpu.memory_space<hbm>> -> memref<1x208x64xf32, #tpu.memory_space<hbm>>
      %dma_start3A_43 = tpu.memref_squeeze %dma_start3A_42 : memref<1x208x64xf32, #tpu.memory_space<hbm>> -> memref<208x64xf32, #tpu.memory_space<hbm>>
      %dma_start3A_44 = arith.constant 0 : i32
      %dma_start3A_45 = tpu.memref_slice %arg15[%add3A_36, %dma_start3A_44] : memref<10000x64xf32, #tpu.memory_space<vmem_shared>> -> memref<208x64xf32, #tpu.memory_space<vmem_shared>>
      tpu.enqueue_dma source(%dma_start3A_45 : memref<208x64xf32, #tpu.memory_space<vmem_shared>>) target(%dma_start3A_43 : memref<208x64xf32, #tpu.memory_space<hbm>>) target_semaphore(%run_scoped3A : memref<!tpu.dma_semaphore, #tpu.memory_space<semaphore_mem>>)
      %dma_wait3A = arith.constant 0 : i32
      %dma_wait3A_46 = tpu.memref_slice %arg7[%arg0, %add3A_36, %dma_wait3A] : memref<2x10000x64xf32, #tpu.memory_space<hbm>> -> memref<1x208x64xf32, #tpu.memory_space<hbm>>
      %dma_wait3A_47 = tpu.memref_squeeze %dma_wait3A_46 : memref<1x208x64xf32, #tpu.memory_space<hbm>> -> memref<208x64xf32, #tpu.memory_space<hbm>>
      %dma_wait3A_48 = arith.constant 0 : i32
      %dma_wait3A_49 = tpu.memref_slice %arg15[%add3A_36, %dma_wait3A_48] : memref<10000x64xf32, #tpu.memory_space<vmem_shared>> -> memref<208x64xf32, #tpu.memory_space<vmem_shared>>
      tpu.wait_dma2 semaphore(%run_scoped3A : memref<!tpu.dma_semaphore, #tpu.memory_space<semaphore_mem>>) src(%dma_wait3A_49 : memref<208x64xf32, #tpu.memory_space<vmem_shared>>) dst(%dma_wait3A_47 : memref<208x64xf32, #tpu.memory_space<hbm>>)
      tpu.yield
    }) : () -> ()
    "tpu.region"() ({
      %run_scoped3A = tpu.sem_alloc : memref<!tpu.dma_semaphore, #tpu.memory_space<semaphore_mem>>
      %dma_start3A = arith.constant 0 : i32
      %dma_start3A_42 = tpu.memref_slice %arg8[%arg0, %add3A_36, %dma_start3A] : memref<2x10000x8xf32, #tpu.memory_space<hbm>> -> memref<1x208x8xf32, #tpu.memory_space<hbm>>
      %dma_start3A_43 = tpu.memref_squeeze %dma_start3A_42 : memref<1x208x8xf32, #tpu.memory_space<hbm>> -> memref<208x8xf32, #tpu.memory_space<hbm>>
      %dma_start3A_44 = arith.constant 0 : i32
      %dma_start3A_45 = tpu.memref_slice %arg16[%add3A_36, %dma_start3A_44] : memref<10000x8xf32, #tpu.memory_space<vmem_shared>> -> memref<208x8xf32, #tpu.memory_space<vmem_shared>>
      tpu.enqueue_dma source(%dma_start3A_45 : memref<208x8xf32, #tpu.memory_space<vmem_shared>>) target(%dma_start3A_43 : memref<208x8xf32, #tpu.memory_space<hbm>>) target_semaphore(%run_scoped3A : memref<!tpu.dma_semaphore, #tpu.memory_space<semaphore_mem>>)
      %dma_wait3A = arith.constant 0 : i32
      %dma_wait3A_46 = tpu.memref_slice %arg8[%arg0, %add3A_36, %dma_wait3A] : memref<2x10000x8xf32, #tpu.memory_space<hbm>> -> memref<1x208x8xf32, #tpu.memory_space<hbm>>
      %dma_wait3A_47 = tpu.memref_squeeze %dma_wait3A_46 : memref<1x208x8xf32, #tpu.memory_space<hbm>> -> memref<208x8xf32, #tpu.memory_space<hbm>>
      %dma_wait3A_48 = arith.constant 0 : i32
      %dma_wait3A_49 = tpu.memref_slice %arg16[%add3A_36, %dma_wait3A_48] : memref<10000x8xf32, #tpu.memory_space<vmem_shared>> -> memref<208x8xf32, #tpu.memory_space<vmem_shared>>
      tpu.wait_dma2 semaphore(%run_scoped3A : memref<!tpu.dma_semaphore, #tpu.memory_space<semaphore_mem>>) src(%dma_wait3A_49 : memref<208x8xf32, #tpu.memory_space<vmem_shared>>) dst(%dma_wait3A_47 : memref<208x8xf32, #tpu.memory_space<hbm>>)
      tpu.yield
    }) : () -> ()
    %eq3A_37 = arith.constant 0 : i32
    %eq3A_38 = arith.cmpi eq, %arg1, %eq3A_37 : i32
    %convert_element_type3A_39 = arith.extui %eq3A_38 : i1 to i32
    %cond3A_40 = arith.constant 0 : i32
    %cond3A_41 = arith.cmpi ne, %convert_element_type3A_39, %cond3A_40 : i32
    scf.if %cond3A_41 {
      "tpu.region"() ({
        %run_scoped3A = tpu.sem_alloc : memref<!tpu.dma_semaphore, #tpu.memory_space<semaphore_mem>>
        %dma_start3A = arith.constant 9984 : i32
        %dma_start3A_42 = arith.constant 0 : i32
        %dma_start3A_43 = tpu.memref_slice %arg7[%arg0, %dma_start3A, %dma_start3A_42] : memref<2x10000x64xf32, #tpu.memory_space<hbm>> -> memref<1x16x64xf32, #tpu.memory_space<hbm>>
        %dma_start3A_44 = tpu.memref_squeeze %dma_start3A_43 : memref<1x16x64xf32, #tpu.memory_space<hbm>> -> memref<16x64xf32, #tpu.memory_space<hbm>>
        %dma_start3A_45 = arith.constant 9984 : i32
        %dma_start3A_46 = arith.constant 0 : i32
        %dma_start3A_47 = tpu.memref_slice %arg15[%dma_start3A_45, %dma_start3A_46] : memref<10000x64xf32, #tpu.memory_space<vmem_shared>> -> memref<16x64xf32, #tpu.memory_space<vmem_shared>>
        tpu.enqueue_dma source(%dma_start3A_47 : memref<16x64xf32, #tpu.memory_space<vmem_shared>>) target(%dma_start3A_44 : memref<16x64xf32, #tpu.memory_space<hbm>>) target_semaphore(%run_scoped3A : memref<!tpu.dma_semaphore, #tpu.memory_space<semaphore_mem>>)
        %dma_wait3A = arith.constant 9984 : i32
        %dma_wait3A_48 = arith.constant 0 : i32
        %dma_wait3A_49 = tpu.memref_slice %arg7[%arg0, %dma_wait3A, %dma_wait3A_48] : memref<2x10000x64xf32, #tpu.memory_space<hbm>> -> memref<1x16x64xf32, #tpu.memory_space<hbm>>
        %dma_wait3A_50 = tpu.memref_squeeze %dma_wait3A_49 : memref<1x16x64xf32, #tpu.memory_space<hbm>> -> memref<16x64xf32, #tpu.memory_space<hbm>>
        %dma_wait3A_51 = arith.constant 9984 : i32
        %dma_wait3A_52 = arith.constant 0 : i32
        %dma_wait3A_53 = tpu.memref_slice %arg15[%dma_wait3A_51, %dma_wait3A_52] : memref<10000x64xf32, #tpu.memory_space<vmem_shared>> -> memref<16x64xf32, #tpu.memory_space<vmem_shared>>
        tpu.wait_dma2 semaphore(%run_scoped3A : memref<!tpu.dma_semaphore, #tpu.memory_space<semaphore_mem>>) src(%dma_wait3A_53 : memref<16x64xf32, #tpu.memory_space<vmem_shared>>) dst(%dma_wait3A_50 : memref<16x64xf32, #tpu.memory_space<hbm>>)
        tpu.yield
      }) : () -> ()
      "tpu.region"() ({
        %run_scoped3A = tpu.sem_alloc : memref<!tpu.dma_semaphore, #tpu.memory_space<semaphore_mem>>
        %dma_start3A = arith.constant 9984 : i32
        %dma_start3A_42 = arith.constant 0 : i32
        %dma_start3A_43 = tpu.memref_slice %arg8[%arg0, %dma_start3A, %dma_start3A_42] : memref<2x10000x8xf32, #tpu.memory_space<hbm>> -> memref<1x16x8xf32, #tpu.memory_space<hbm>>
        %dma_start3A_44 = tpu.memref_squeeze %dma_start3A_43 : memref<1x16x8xf32, #tpu.memory_space<hbm>> -> memref<16x8xf32, #tpu.memory_space<hbm>>
        %dma_start3A_45 = arith.constant 9984 : i32
        %dma_start3A_46 = arith.constant 0 : i32
        %dma_start3A_47 = tpu.memref_slice %arg16[%dma_start3A_45, %dma_start3A_46] : memref<10000x8xf32, #tpu.memory_space<vmem_shared>> -> memref<16x8xf32, #tpu.memory_space<vmem_shared>>
        tpu.enqueue_dma source(%dma_start3A_47 : memref<16x8xf32, #tpu.memory_space<vmem_shared>>) target(%dma_start3A_44 : memref<16x8xf32, #tpu.memory_space<hbm>>) target_semaphore(%run_scoped3A : memref<!tpu.dma_semaphore, #tpu.memory_space<semaphore_mem>>)
        %dma_wait3A = arith.constant 9984 : i32
        %dma_wait3A_48 = arith.constant 0 : i32
        %dma_wait3A_49 = tpu.memref_slice %arg8[%arg0, %dma_wait3A, %dma_wait3A_48] : memref<2x10000x8xf32, #tpu.memory_space<hbm>> -> memref<1x16x8xf32, #tpu.memory_space<hbm>>
        %dma_wait3A_50 = tpu.memref_squeeze %dma_wait3A_49 : memref<1x16x8xf32, #tpu.memory_space<hbm>> -> memref<16x8xf32, #tpu.memory_space<hbm>>
        %dma_wait3A_51 = arith.constant 9984 : i32
        %dma_wait3A_52 = arith.constant 0 : i32
        %dma_wait3A_53 = tpu.memref_slice %arg16[%dma_wait3A_51, %dma_wait3A_52] : memref<10000x8xf32, #tpu.memory_space<vmem_shared>> -> memref<16x8xf32, #tpu.memory_space<vmem_shared>>
        tpu.wait_dma2 semaphore(%run_scoped3A : memref<!tpu.dma_semaphore, #tpu.memory_space<semaphore_mem>>) src(%dma_wait3A_53 : memref<16x8xf32, #tpu.memory_space<vmem_shared>>) dst(%dma_wait3A_50 : memref<16x8xf32, #tpu.memory_space<hbm>>)
        tpu.yield
      }) : () -> ()
    } else {
    }
    return
  }
}

module attributes {stable_mosaic.version = 14 : i64} {
  func.func @_tc_dense_body(%arg0: i32, %arg1: memref<1000x64xf32, #tpu.memory_space<vmem>>, %arg2: memref<1000x64xf32, #tpu.memory_space<vmem>>, %arg3: memref<1000x8xf32, #tpu.memory_space<vmem>>, %arg4: memref<1000x8xf32, #tpu.memory_space<vmem>>, %arg5: memref<1000x128xf32, #tpu.memory_space<vmem>>, %arg6: memref<1000x128xf32, #tpu.memory_space<vmem>>, %arg7: memref<1000x128xf32, #tpu.memory_space<vmem>>, %arg8: memref<128x128xf32, #tpu.memory_space<vmem>>, %arg9: memref<128x384xf32, #tpu.memory_space<vmem>>, %arg10: memref<1x384xf32, #tpu.memory_space<vmem>>, %arg11: memref<128x384xf32, #tpu.memory_space<vmem>>, %arg12: memref<1x384xf32, #tpu.memory_space<vmem>>, %arg13: memref<128x512xf32, #tpu.memory_space<vmem>>, %arg14: memref<128x512xf32, #tpu.memory_space<vmem>>, %arg15: memref<1x512xf32, #tpu.memory_space<vmem>>, %arg16: memref<1x128xf32, #tpu.memory_space<vmem>>, %arg17: memref<1x1xf32, #tpu.memory_space<vmem>>, %arg18: memref<1000x1xf32, #tpu.memory_space<vmem>>, %arg19: memref<1000x128xf32, #tpu.memory_space<vmem>>, %arg20: memref<1000x128xf32, #tpu.memory_space<vmem>>) attributes {dimension_semantics = [#tpu.dimension_semantics<arbitrary>], iteration_bounds = array<i64: 10>, scalar_prefetch = 0 : i64, scratch_operands = 0 : i64, tpu.core_type = #tpu.core_type<tc>, window_params = [{transform_indices = @transform_0, window_bounds = array<i64: 1000, 64>}, {transform_indices = @transform_1, window_bounds = array<i64: 1000, 64>}, {transform_indices = @transform_2, window_bounds = array<i64: 1000, 8>}, {transform_indices = @transform_3, window_bounds = array<i64: 1000, 8>}, {transform_indices = @transform_4, window_bounds = array<i64: 1000, 128>}, {transform_indices = @transform_5, window_bounds = array<i64: 1000, 128>}, {transform_indices = @transform_6, window_bounds = array<i64: 1000, 128>}, {pipeline_mode = #tpu.pipeline_mode<synchronous>, transform_indices = @transform_7, window_bounds = array<i64: 128, 128>}, {pipeline_mode = #tpu.pipeline_mode<synchronous>, transform_indices = @transform_8, window_bounds = array<i64: 128, 384>}, {pipeline_mode = #tpu.pipeline_mode<synchronous>, transform_indices = @transform_9, window_bounds = array<i64: 1, 384>}, {pipeline_mode = #tpu.pipeline_mode<synchronous>, transform_indices = @transform_10, window_bounds = array<i64: 128, 384>}, {pipeline_mode = #tpu.pipeline_mode<synchronous>, transform_indices = @transform_11, window_bounds = array<i64: 1, 384>}, {pipeline_mode = #tpu.pipeline_mode<synchronous>, transform_indices = @transform_12, window_bounds = array<i64: 128, 512>}, {pipeline_mode = #tpu.pipeline_mode<synchronous>, transform_indices = @transform_13, window_bounds = array<i64: 128, 512>}, {pipeline_mode = #tpu.pipeline_mode<synchronous>, transform_indices = @transform_14, window_bounds = array<i64: 1, 512>}, {pipeline_mode = #tpu.pipeline_mode<synchronous>, transform_indices = @transform_15, window_bounds = array<i64: 1, 128>}, {pipeline_mode = #tpu.pipeline_mode<synchronous>, transform_indices = @transform_16, window_bounds = array<i64: 1, 1>}, {transform_indices = @transform_17, window_bounds = array<i64: 1000, 1>}, {transform_indices = @transform_18, window_bounds = array<i64: 1000, 128>}, {transform_indices = @transform_19, window_bounds = array<i64: 1000, 128>}]} {
    %get3A = arith.constant 0 : index
    %get3A_0 = arith.constant 0 : index
    %get3A_1 = vector.load %arg1[%get3A, %get3A_0] : memref<1000x64xf32, #tpu.memory_space<vmem>>, vector<1000x64xf32>
    %get3A_2 = arith.constant 0 : index
    %get3A_3 = arith.constant 0 : index
    %get3A_4 = vector.load %arg2[%get3A_2, %get3A_3] : memref<1000x64xf32, #tpu.memory_space<vmem>>, vector<1000x64xf32>
    %concatenate3A = tpu.concatenate %get3A_1, %get3A_4 in 1 : vector<1000x64xf32>, vector<1000x64xf32> -> vector<1000x128xf32>
    %get3A_5 = arith.constant 0 : index
    %get3A_6 = arith.constant 0 : index
    %get3A_7 = vector.load %arg3[%get3A_5, %get3A_6] : memref<1000x8xf32, #tpu.memory_space<vmem>>, vector<1000x8xf32>
    %get3A_8 = arith.constant 0 : index
    %get3A_9 = arith.constant 0 : index
    %get3A_10 = vector.load %arg4[%get3A_8, %get3A_9] : memref<1000x8xf32, #tpu.memory_space<vmem>>, vector<1000x8xf32>
    %add3A = arith.addf %get3A_7, %get3A_10 : vector<1000x8xf32>
    %slice3A = vector.extract_strided_slice %add3A {offsets = [0, 0], sizes = [1000, 1], strides = [1, 1]} : vector<1000x8xf32> to vector<1000x1xf32>
    %max3A = arith.constant 1.000000e+00 : f32
    %max3A_11 = vector.broadcast %max3A : f32 to vector<1000x1xf32>
    %max3A_12 = arith.maximumf %slice3A, %max3A_11 : vector<1000x1xf32>
    %div3A = vector.broadcast %max3A_12 : vector<1000x1xf32> to vector<1000x128xf32>
    %div3A_13 = arith.divf %concatenate3A, %div3A : vector<1000x128xf32>
    %get3A_14 = arith.constant 0 : index
    %get3A_15 = arith.constant 0 : index
    %get3A_16 = vector.load %arg5[%get3A_14, %get3A_15] : memref<1000x128xf32, #tpu.memory_space<vmem>>, vector<1000x128xf32>
    %get3A_17 = arith.constant 0 : index
    %get3A_18 = arith.constant 0 : index
    %get3A_19 = vector.load %arg8[%get3A_17, %get3A_18] : memref<128x128xf32, #tpu.memory_space<vmem>>, vector<128x128xf32>
    %dot_general3A = arith.constant dense<0.000000e+00> : vector<1000x128xf32>
    %dot_general3A_20 = tpu.matmul %div3A_13, %get3A_19, %dot_general3A {dimension_numbers = #tpu.dot_dimension_numbers<[1], [0], [0], [1], [0, 0, 1, 1], [], []>, transpose_lhs_hint = false} : vector<1000x128xf32>, vector<128x128xf32>, vector<1000x128xf32> -> vector<1000x128xf32>
    %get3A_21 = arith.constant 0 : index
    %get3A_22 = arith.constant 0 : index
    %get3A_23 = vector.load %arg9[%get3A_21, %get3A_22] : memref<128x384xf32, #tpu.memory_space<vmem>>, vector<128x384xf32>
    %dot_general3A_24 = arith.constant dense<0.000000e+00> : vector<1000x384xf32>
    %dot_general3A_25 = tpu.matmul %dot_general3A_20, %get3A_23, %dot_general3A_24 {dimension_numbers = #tpu.dot_dimension_numbers<[1], [0], [0], [1], [0, 0, 1, 1], [], []>, transpose_lhs_hint = false} : vector<1000x128xf32>, vector<128x384xf32>, vector<1000x384xf32> -> vector<1000x384xf32>
    %get3A_26 = arith.constant 0 : index
    %get3A_27 = arith.constant 0 : index
    %get3A_28 = vector.load %arg10[%get3A_26, %get3A_27] : memref<1x384xf32, #tpu.memory_space<vmem>>, vector<1x384xf32>
    %add3A_29 = vector.broadcast %get3A_28 : vector<1x384xf32> to vector<1000x384xf32>
    %add3A_30 = arith.addf %dot_general3A_25, %add3A_29 : vector<1000x384xf32>
    %get3A_31 = arith.constant 0 : index
    %get3A_32 = arith.constant 0 : index
    %get3A_33 = vector.load %arg11[%get3A_31, %get3A_32] : memref<128x384xf32, #tpu.memory_space<vmem>>, vector<128x384xf32>
    %dot_general3A_34 = arith.constant dense<0.000000e+00> : vector<1000x384xf32>
    %dot_general3A_35 = tpu.matmul %get3A_16, %get3A_33, %dot_general3A_34 {dimension_numbers = #tpu.dot_dimension_numbers<[1], [0], [0], [1], [0, 0, 1, 1], [], []>, transpose_lhs_hint = false} : vector<1000x128xf32>, vector<128x384xf32>, vector<1000x384xf32> -> vector<1000x384xf32>
    %get3A_36 = arith.constant 0 : index
    %get3A_37 = arith.constant 0 : index
    %get3A_38 = vector.load %arg12[%get3A_36, %get3A_37] : memref<1x384xf32, #tpu.memory_space<vmem>>, vector<1x384xf32>
    %add3A_39 = vector.broadcast %get3A_38 : vector<1x384xf32> to vector<1000x384xf32>
    %add3A_40 = arith.addf %dot_general3A_35, %add3A_39 : vector<1000x384xf32>
    %slice3A_41 = vector.extract_strided_slice %add3A_30 {offsets = [0, 0], sizes = [1000, 128], strides = [1, 1]} : vector<1000x384xf32> to vector<1000x128xf32>
    %slice3A_42 = vector.extract_strided_slice %add3A_40 {offsets = [0, 0], sizes = [1000, 128], strides = [1, 1]} : vector<1000x384xf32> to vector<1000x128xf32>
    %add3A_43 = arith.addf %slice3A_41, %slice3A_42 : vector<1000x128xf32>
    %logistic3A = arith.negf %add3A_43 : vector<1000x128xf32>
    %logistic3A_44 = math.exp %logistic3A : vector<1000x128xf32>
    %logistic3A_45 = arith.constant 1.000000e+00 : f32
    %logistic3A_46 = vector.broadcast %logistic3A_45 : f32 to vector<1000x128xf32>
    %logistic3A_47 = arith.addf %logistic3A_46, %logistic3A_44 : vector<1000x128xf32>
    %logistic3A_48 = arith.divf %logistic3A_46, %logistic3A_47 : vector<1000x128xf32>
    %slice3A_49 = vector.extract_strided_slice %add3A_30 {offsets = [0, 128], sizes = [1000, 128], strides = [1, 1]} : vector<1000x384xf32> to vector<1000x128xf32>
    %slice3A_50 = vector.extract_strided_slice %add3A_40 {offsets = [0, 128], sizes = [1000, 128], strides = [1, 1]} : vector<1000x384xf32> to vector<1000x128xf32>
    %add3A_51 = arith.addf %slice3A_49, %slice3A_50 : vector<1000x128xf32>
    %logistic3A_52 = arith.negf %add3A_51 : vector<1000x128xf32>
    %logistic3A_53 = math.exp %logistic3A_52 : vector<1000x128xf32>
    %logistic3A_54 = arith.constant 1.000000e+00 : f32
    %logistic3A_55 = vector.broadcast %logistic3A_54 : f32 to vector<1000x128xf32>
    %logistic3A_56 = arith.addf %logistic3A_55, %logistic3A_53 : vector<1000x128xf32>
    %logistic3A_57 = arith.divf %logistic3A_55, %logistic3A_56 : vector<1000x128xf32>
    %slice3A_58 = vector.extract_strided_slice %add3A_30 {offsets = [0, 256], sizes = [1000, 128], strides = [1, 1]} : vector<1000x384xf32> to vector<1000x128xf32>
    %slice3A_59 = vector.extract_strided_slice %add3A_40 {offsets = [0, 256], sizes = [1000, 128], strides = [1, 1]} : vector<1000x384xf32> to vector<1000x128xf32>
    %mul3A = arith.mulf %logistic3A_48, %slice3A_59 : vector<1000x128xf32>
    %add3A_60 = arith.addf %slice3A_58, %mul3A : vector<1000x128xf32>
    %tanh3A = math.tanh %add3A_60 : vector<1000x128xf32>
    %sub3A = arith.constant 1.000000e+00 : f32
    %sub3A_61 = vector.broadcast %sub3A : f32 to vector<1000x128xf32>
    %sub3A_62 = arith.subf %sub3A_61, %logistic3A_57 : vector<1000x128xf32>
    %mul3A_63 = arith.mulf %sub3A_62, %tanh3A : vector<1000x128xf32>
    %mul3A_64 = arith.mulf %logistic3A_57, %get3A_16 : vector<1000x128xf32>
    %add3A_65 = arith.addf %mul3A_63, %mul3A_64 : vector<1000x128xf32>
    %get3A_66 = arith.constant 0 : index
    %get3A_67 = arith.constant 0 : index
    %get3A_68 = vector.load %arg13[%get3A_66, %get3A_67] : memref<128x512xf32, #tpu.memory_space<vmem>>, vector<128x512xf32>
    %dot_general3A_69 = arith.constant dense<0.000000e+00> : vector<1000x512xf32>
    %dot_general3A_70 = tpu.matmul %add3A_65, %get3A_68, %dot_general3A_69 {dimension_numbers = #tpu.dot_dimension_numbers<[1], [0], [0], [1], [0, 0, 1, 1], [], []>, transpose_lhs_hint = false} : vector<1000x128xf32>, vector<128x512xf32>, vector<1000x512xf32> -> vector<1000x512xf32>
    %get3A_71 = arith.constant 0 : index
    %get3A_72 = arith.constant 0 : index
    %get3A_73 = vector.load %arg6[%get3A_71, %get3A_72] : memref<1000x128xf32, #tpu.memory_space<vmem>>, vector<1000x128xf32>
    %get3A_74 = arith.constant 0 : index
    %get3A_75 = arith.constant 0 : index
    %get3A_76 = vector.load %arg14[%get3A_74, %get3A_75] : memref<128x512xf32, #tpu.memory_space<vmem>>, vector<128x512xf32>
    %dot_general3A_77 = arith.constant dense<0.000000e+00> : vector<1000x512xf32>
    %dot_general3A_78 = tpu.matmul %get3A_73, %get3A_76, %dot_general3A_77 {dimension_numbers = #tpu.dot_dimension_numbers<[1], [0], [0], [1], [0, 0, 1, 1], [], []>, transpose_lhs_hint = false} : vector<1000x128xf32>, vector<128x512xf32>, vector<1000x512xf32> -> vector<1000x512xf32>
    %add3A_79 = arith.addf %dot_general3A_70, %dot_general3A_78 : vector<1000x512xf32>
    %get3A_80 = arith.constant 0 : index
    %get3A_81 = arith.constant 0 : index
    %get3A_82 = vector.load %arg15[%get3A_80, %get3A_81] : memref<1x512xf32, #tpu.memory_space<vmem>>, vector<1x512xf32>
    %add3A_83 = vector.broadcast %get3A_82 : vector<1x512xf32> to vector<1000x512xf32>
    %add3A_84 = arith.addf %add3A_79, %add3A_83 : vector<1000x512xf32>
    %slice3A_85 = vector.extract_strided_slice %add3A_84 {offsets = [0, 0], sizes = [1000, 128], strides = [1, 1]} : vector<1000x512xf32> to vector<1000x128xf32>
    %logistic3A_86 = arith.negf %slice3A_85 : vector<1000x128xf32>
    %logistic3A_87 = math.exp %logistic3A_86 : vector<1000x128xf32>
    %logistic3A_88 = arith.constant 1.000000e+00 : f32
    %logistic3A_89 = vector.broadcast %logistic3A_88 : f32 to vector<1000x128xf32>
    %logistic3A_90 = arith.addf %logistic3A_89, %logistic3A_87 : vector<1000x128xf32>
    %logistic3A_91 = arith.divf %logistic3A_89, %logistic3A_90 : vector<1000x128xf32>
    %slice3A_92 = vector.extract_strided_slice %add3A_84 {offsets = [0, 128], sizes = [1000, 128], strides = [1, 1]} : vector<1000x512xf32> to vector<1000x128xf32>
    %logistic3A_93 = arith.negf %slice3A_92 : vector<1000x128xf32>
    %logistic3A_94 = math.exp %logistic3A_93 : vector<1000x128xf32>
    %logistic3A_95 = arith.constant 1.000000e+00 : f32
    %logistic3A_96 = vector.broadcast %logistic3A_95 : f32 to vector<1000x128xf32>
    %logistic3A_97 = arith.addf %logistic3A_96, %logistic3A_94 : vector<1000x128xf32>
    %logistic3A_98 = arith.divf %logistic3A_96, %logistic3A_97 : vector<1000x128xf32>
    %slice3A_99 = vector.extract_strided_slice %add3A_84 {offsets = [0, 256], sizes = [1000, 128], strides = [1, 1]} : vector<1000x512xf32> to vector<1000x128xf32>
    %tanh3A_100 = math.tanh %slice3A_99 : vector<1000x128xf32>
    %slice3A_101 = vector.extract_strided_slice %add3A_84 {offsets = [0, 384], sizes = [1000, 128], strides = [1, 1]} : vector<1000x512xf32> to vector<1000x128xf32>
    %logistic3A_102 = arith.negf %slice3A_101 : vector<1000x128xf32>
    %logistic3A_103 = math.exp %logistic3A_102 : vector<1000x128xf32>
    %logistic3A_104 = arith.constant 1.000000e+00 : f32
    %logistic3A_105 = vector.broadcast %logistic3A_104 : f32 to vector<1000x128xf32>
    %logistic3A_106 = arith.addf %logistic3A_105, %logistic3A_103 : vector<1000x128xf32>
    %logistic3A_107 = arith.divf %logistic3A_105, %logistic3A_106 : vector<1000x128xf32>
    %get3A_108 = arith.constant 0 : index
    %get3A_109 = arith.constant 0 : index
    %get3A_110 = vector.load %arg7[%get3A_108, %get3A_109] : memref<1000x128xf32, #tpu.memory_space<vmem>>, vector<1000x128xf32>
    %mul3A_111 = arith.mulf %logistic3A_98, %get3A_110 : vector<1000x128xf32>
    %mul3A_112 = arith.mulf %logistic3A_91, %tanh3A_100 : vector<1000x128xf32>
    %add3A_113 = arith.addf %mul3A_111, %mul3A_112 : vector<1000x128xf32>
    %tanh3A_114 = math.tanh %add3A_113 : vector<1000x128xf32>
    %mul3A_115 = arith.mulf %logistic3A_107, %tanh3A_114 : vector<1000x128xf32>
    %max3A_116 = arith.constant 0.000000e+00 : f32
    %max3A_117 = vector.broadcast %max3A_116 : f32 to vector<1000x128xf32>
    %max3A_118 = arith.maximumf %mul3A_115, %max3A_117 : vector<1000x128xf32>
    %get3A_119 = arith.constant 0 : index
    %get3A_120 = arith.constant 0 : index
    %get3A_121 = vector.load %arg16[%get3A_119, %get3A_120] : memref<1x128xf32, #tpu.memory_space<vmem>>, vector<1x128xf32>
    %mul3A_122 = vector.broadcast %get3A_121 : vector<1x128xf32> to vector<1000x128xf32>
    %mul3A_123 = arith.mulf %max3A_118, %mul3A_122 : vector<1000x128xf32>
    %reduce_sum3A = arith.constant dense<0.000000e+00> : vector<1000xf32>
    %reduce_sum3A_124 = vector.multi_reduction <add>, %mul3A_123, %reduce_sum3A [1] : vector<1000x128xf32> to vector<1000xf32>
    %broadcast_in_dim3A = vector.shape_cast %reduce_sum3A_124 : vector<1000xf32> to vector<1000x1xf32>
    %get3A_125 = arith.constant 0 : index
    %get3A_126 = arith.constant 0 : index
    %get3A_127 = vector.load %arg17[%get3A_125, %get3A_126] : memref<1x1xf32, #tpu.memory_space<vmem>>, vector<1x1xf32>
    %add3A_128 = vector.broadcast %get3A_127 : vector<1x1xf32> to vector<1000x1xf32>
    %add3A_129 = arith.addf %broadcast_in_dim3A, %add3A_128 : vector<1000x1xf32>
    %swap3A = arith.constant 0 : index
    %swap3A_130 = arith.constant 0 : index
    %swap3A_131 = vector.load %arg18[%swap3A, %swap3A_130] : memref<1000x1xf32, #tpu.memory_space<vmem>>, vector<1000x1xf32>
    tpu.vector_store %arg18[%swap3A, %swap3A_130], %add3A_129 {strides = array<i32>} : memref<1000x1xf32, #tpu.memory_space<vmem>>, vector<1000x1xf32>,
    %swap3A_132 = arith.constant 0 : index
    %swap3A_133 = arith.constant 0 : index
    %swap3A_134 = vector.load %arg19[%swap3A_132, %swap3A_133] : memref<1000x128xf32, #tpu.memory_space<vmem>>, vector<1000x128xf32>
    tpu.vector_store %arg19[%swap3A_132, %swap3A_133], %mul3A_115 {strides = array<i32>} : memref<1000x128xf32, #tpu.memory_space<vmem>>, vector<1000x128xf32>,
    %swap3A_135 = arith.constant 0 : index
    %swap3A_136 = arith.constant 0 : index
    %swap3A_137 = vector.load %arg20[%swap3A_135, %swap3A_136] : memref<1000x128xf32, #tpu.memory_space<vmem>>, vector<1000x128xf32>
    tpu.vector_store %arg20[%swap3A_135, %swap3A_136], %add3A_113 {strides = array<i32>} : memref<1000x128xf32, #tpu.memory_space<vmem>>, vector<1000x128xf32>,
    return
  }
  func.func @transform_0(%arg0: i32) -> (i32, i32) {
    %c0_i32 = arith.constant 0 : i32
    %c0_i32_0 = arith.constant 0 : i32
    return %arg0, %c0_i32 : i32, i32
  }
  func.func @transform_1(%arg0: i32) -> (i32, i32) {
    %c0_i32 = arith.constant 0 : i32
    %c0_i32_0 = arith.constant 0 : i32
    return %arg0, %c0_i32 : i32, i32
  }
  func.func @transform_2(%arg0: i32) -> (i32, i32) {
    %c0_i32 = arith.constant 0 : i32
    %c0_i32_0 = arith.constant 0 : i32
    return %arg0, %c0_i32 : i32, i32
  }
  func.func @transform_3(%arg0: i32) -> (i32, i32) {
    %c0_i32 = arith.constant 0 : i32
    %c0_i32_0 = arith.constant 0 : i32
    return %arg0, %c0_i32 : i32, i32
  }
  func.func @transform_4(%arg0: i32) -> (i32, i32) {
    %c0_i32 = arith.constant 0 : i32
    %c0_i32_0 = arith.constant 0 : i32
    return %arg0, %c0_i32 : i32, i32
  }
  func.func @transform_5(%arg0: i32) -> (i32, i32) {
    %c0_i32 = arith.constant 0 : i32
    %c0_i32_0 = arith.constant 0 : i32
    return %arg0, %c0_i32 : i32, i32
  }
  func.func @transform_6(%arg0: i32) -> (i32, i32) {
    %c0_i32 = arith.constant 0 : i32
    %c0_i32_0 = arith.constant 0 : i32
    return %arg0, %c0_i32 : i32, i32
  }
  func.func @transform_7(%arg0: i32) -> (i32, i32) {
    %c0_i32 = arith.constant 0 : i32
    %c0_i32_0 = arith.constant 0 : i32
    %c0_i32_1 = arith.constant 0 : i32
    return %c0_i32, %c0_i32_0 : i32, i32
  }
  func.func @transform_8(%arg0: i32) -> (i32, i32) {
    %c0_i32 = arith.constant 0 : i32
    %c0_i32_0 = arith.constant 0 : i32
    %c0_i32_1 = arith.constant 0 : i32
    return %c0_i32, %c0_i32_0 : i32, i32
  }
  func.func @transform_9(%arg0: i32) -> (i32, i32) {
    %c0_i32 = arith.constant 0 : i32
    %c0_i32_0 = arith.constant 0 : i32
    %c0_i32_1 = arith.constant 0 : i32
    return %c0_i32, %c0_i32_0 : i32, i32
  }
  func.func @transform_10(%arg0: i32) -> (i32, i32) {
    %c0_i32 = arith.constant 0 : i32
    %c0_i32_0 = arith.constant 0 : i32
    %c0_i32_1 = arith.constant 0 : i32
    return %c0_i32, %c0_i32_0 : i32, i32
  }
  func.func @transform_11(%arg0: i32) -> (i32, i32) {
    %c0_i32 = arith.constant 0 : i32
    %c0_i32_0 = arith.constant 0 : i32
    %c0_i32_1 = arith.constant 0 : i32
    return %c0_i32, %c0_i32_0 : i32, i32
  }
  func.func @transform_12(%arg0: i32) -> (i32, i32) {
    %c0_i32 = arith.constant 0 : i32
    %c0_i32_0 = arith.constant 0 : i32
    %c0_i32_1 = arith.constant 0 : i32
    return %c0_i32, %c0_i32_0 : i32, i32
  }
  func.func @transform_13(%arg0: i32) -> (i32, i32) {
    %c0_i32 = arith.constant 0 : i32
    %c0_i32_0 = arith.constant 0 : i32
    %c0_i32_1 = arith.constant 0 : i32
    return %c0_i32, %c0_i32_0 : i32, i32
  }
  func.func @transform_14(%arg0: i32) -> (i32, i32) {
    %c0_i32 = arith.constant 0 : i32
    %c0_i32_0 = arith.constant 0 : i32
    %c0_i32_1 = arith.constant 0 : i32
    return %c0_i32, %c0_i32_0 : i32, i32
  }
  func.func @transform_15(%arg0: i32) -> (i32, i32) {
    %c0_i32 = arith.constant 0 : i32
    %c0_i32_0 = arith.constant 0 : i32
    %c0_i32_1 = arith.constant 0 : i32
    return %c0_i32, %c0_i32_0 : i32, i32
  }
  func.func @transform_16(%arg0: i32) -> (i32, i32) {
    %c0_i32 = arith.constant 0 : i32
    %c0_i32_0 = arith.constant 0 : i32
    %c0_i32_1 = arith.constant 0 : i32
    return %c0_i32, %c0_i32_0 : i32, i32
  }
  func.func @transform_17(%arg0: i32) -> (i32, i32) {
    %c0_i32 = arith.constant 0 : i32
    %c0_i32_0 = arith.constant 0 : i32
    return %arg0, %c0_i32 : i32, i32
  }
  func.func @transform_18(%arg0: i32) -> (i32, i32) {
    %c0_i32 = arith.constant 0 : i32
    %c0_i32_0 = arith.constant 0 : i32
    return %arg0, %c0_i32 : i32, i32
  }
  func.func @transform_19(%arg0: i32) -> (i32, i32) {
    %c0_i32 = arith.constant 0 : i32
    %c0_i32_0 = arith.constant 0 : i32
    return %arg0, %c0_i32 : i32, i32
  }
}

</mosaic_0001>

<sc_bundles>
// kernel: kernel.4.cloned.1.call-start
scs
__scs_entry_jumppad:
0x0: {  	(pc) =	sbr.rel $0x88, $3  }
0x1: {  	(tag) =	ssettag $0x0;
	lr =	simm.s32 $0x1  }
0x2: {  	[smem:$0x3F91] =	sst lr;
	_ =	strace $0xD0000000  }
0x3: {  	_ = 	snop  }
0x4: {  	_ = 	snop  }
0x5: {  	_ = 	snop  }
0x6: {  	_ = 	snop  }
0x7: {  	_ = 	snop  }
__scs_overlays_trampoline_lowered:
0x8: {  	[smem:$0x3FA0] =	sst s0  }
0x9: {  	[smem:$0x3FA1] =	sst s1  }
0xa: {  	[smem:$0x3FA2] =	sst s2  }
0xb: {  	[smem:$0x3FA3] =	sst s3  }
0xc: {  	[smem:$0x3FA4] =	sst s4  }
0xd: {  	[smem:$0x3FA5] =	sst s5  }
0xe: {  	[smem:$0x3FA6] =	sst s6  }
0xf: {  	[smem:$0x3FA7] =	sst s7  }
0x10: {  	[smem:$0x3FA8] =	sst s8  }
0x11: {  	[smem:$0x3FA9] =	sst s9;
	s0 =	simm.s32 @!p0 $0x0  }
0x12: {  	s1 =	sld [smem:$0x3F8F];
	s0 =	simm.s32 @p0 $0x1  }
0x13: {  	[smem:$0x3FAA] =	sst s0;
	s0 =	simm.s32 @!p1 $0x0  }
0x14: {  	s2 =	sld [smem:$0x3F8E];
	s0 =	simm.s32 @p1 $0x1  }
0x15: {  	[smem:$0x3FAB] =	sst s0;
	s0 =	simm.s32 @!p2 $0x0  }
0x16: {  	s3 =	sld [smem:$0x3FDB];
	s0 =	simm.s32 @p2 $0x1  }
0x17: {  	s4 =	simm.s32 $0x1BF5;
	[smem:$0x3FAD] =	sst s0  }
0x18: {  	s0 =	sld [smem:$0x3F90];
	_ =	swait.ge [sflag:s4], $0x0  }
0x19: {  	s7 =	sld [smem:$0x3F91]  }
0x1a: {  	s8 =	sadd.s32 $0xFFFFE003, lr  }
0x1b: {  	s9 =	sadd.s32 $0xFFFFFEF7, lr;
	s5 =	simm.s32 $0xFFFFFFFF;
	p2 =	slt.u32 s8, $0xFFFFF086  }
0x1c: {  	p1 =	slt.u32 s9, $0xF7A;
	s5 =	simm.s32 @!p2 $0x0  }
0x1d: {  	s5 =	simm.s32 @p1 $0x1;
	p0 =	seq.s32 s7, s2  }
0x1e: {  	s7 =	smul.u32 @!p0 $0xF7A, s2;
	p2 =	seq.s32 @!p0 s5, $0x0  }
0x1f: {  	s9 =	smul.u32 $0xF7A, s1;
	s8 =	simm.s32 @!p0 $0x1BF5;
	p2 =	por !p2, p0  }
0x20: {  	[sflag:s8] =	ssyncset.s32 @!p0 $0xFFFFF086;
	s6 =	sadd.s32 @!p0 s3, s7;
	s7 =	simm.s32 @!p0 $0x108  }
0x21: {  	s3 =	sadd.s32 s3, s9;
	s6 =	sadd.s32 @!p0 $0x88, s6;
	s7 =	simm.s32 @p2 $0x1082  }
0x22: {  	[simem:s7], [sflag:s8] =	dma.local @!p0 [hbm:s6], $0xF7A  }
0x23: {  	s9 =	sor.u32 $0xD0000000, s2;
	s6 =	simm.s32 $0x108;
	_ =	swait.ge @!p0 [sflag:s8], $0x0  }
0x24: {  	s3 =	sadd.s32 $0x88, s3;
	s6 =	simm.s32 @!p1 $0x1082;
	[sflag:s4] =	ssyncset.s32 $0xFFFFF086  }
0x25: {  	[simem:s6], [sflag:s4] =	dma.local [hbm:s3], $0xF7A  }
0x26: {  	[smem:$0x3F91] =	sst s1;
	(tag) =	ssettag s2;
	_ =	strace s9  }
0x27: {  	s1 =	sld [smem:$0x3FA1]  }
0x28: {  	s2 =	sld [smem:$0x3FA2]  }
0x29: {  	s4 =	sld [smem:$0x3FA4]  }
0x2a: {  	p0 =	seq.s32 s5, $0x0;
	s5 =	sld [smem:$0x3FA5]  }
0x2b: {  	s6 =	sld [smem:$0x3FA6]  }
0x2c: {  	s7 =	sld [smem:$0x3FA7]  }
0x2d: {  	s3 =	simm.s32 $0x108;
	s8 =	sld [smem:$0x3FA8]  }
0x2e: {  	s3 =	simm.s32 @!p0 $0x1082;
	s9 =	sld [smem:$0x3FA9]  }
0x2f: {  	lr =	sadd.s32 s0, s3;
	s0 =	sld [smem:$0x3FA0]  }
0x30: {  	s3 =	sld [smem:$0x3FA3]  }
0x31: {  	[smem:$0x3FAC] =	sst s10  }
0x32: {  	s10 =	sld [smem:$0x3FAA];
	_ =	sdelay $0x3  }
0x33: {  	p0 =	seq.s32 s10, $0x1;
	s10 =	sld [smem:$0x3FAC];
	_ =	sdelay $0x3  }
0x34: {  	[smem:$0x3FAC] =	sst s10  }
0x35: {  	s10 =	sld [smem:$0x3FAB];
	_ =	sdelay $0x3  }
0x36: {  	p1 =	seq.s32 s10, $0x1;
	s10 =	sld [smem:$0x3FAC];
	_ =	sdelay $0x3  }
0x37: {  	[smem:$0x3FAC] =	sst s10  }
0x38: {  	s10 =	sld [smem:$0x3FAD]  }
0x39: {  	_ = 	snop;
	(pc) =	sbr.ind lr, $3  }
0x3a: {  	_ = 	snop  }
0x3b: {  	_ = 	snop  }
0x3c: {  	p2 =	seq.s32 s10, $0x1;
	s10 =	sld [smem:$0x3FAC]  }
0x3d: {  	_ =	shalt  }
0x3e: {  	_ =	shalt  }
0x3f: {  	_ =	shalt  }
0x40: {  	_ =	shalt  }
0x41: {  	_ =	shalt  }
0x42: {  	_ =	shalt  }
0x43: {  	_ =	shalt  }
0x44: {  	_ =	shalt  }
0x45: {  	_ =	shalt  }
0x46: {  	_ =	shalt  }
0x47: {  	_ =	shalt  }
0x48: {  	_ =	shalt  }
0x49: {  	_ =	shalt  }
0x4a: {  	_ =	shalt  }
0x4b: {  	_ =	shalt  }
0x4c: {  	_ =	shalt  }
0x4d: {  	_ =	shalt  }
0x4e: {  	_ =	shalt  }
0x4f: {  	_ =	shalt  }
0x50: {  	_ =	shalt  }
0x51: {  	_ =	shalt  }
0x52: {  	_ =	shalt  }
0x53: {  	_ =	shalt  }
0x54: {  	_ =	shalt  }
0x55: {  	_ =	shalt  }
0x56: {  	_ =	shalt  }
0x57: {  	_ =	shalt  }
0x58: {  	_ =	shalt  }
0x59: {  	_ =	shalt  }
0x5a: {  	_ =	shalt  }
0x5b: {  	_ =	shalt  }
0x5c: {  	_ =	shalt  }
0x5d: {  	_ =	shalt  }
0x5e: {  	_ =	shalt  }
0x5f: {  	_ =	shalt  }
0x60: {  	_ =	shalt  }
0x61: {  	_ =	shalt  }
0x62: {  	_ =	shalt  }
0x63: {  	_ =	shalt  }
0x64: {  	_ =	shalt  }
0x65: {  	_ =	shalt  }
0x66: {  	_ =	shalt  }
0x67: {  	_ =	shalt  }
0x68: {  	_ =	shalt  }
0x69: {  	_ =	shalt  }
0x6a: {  	_ =	shalt  }
0x6b: {  	_ =	shalt  }
0x6c: {  	_ =	shalt  }
0x6d: {  	_ =	shalt  }
0x6e: {  	_ =	shalt  }
0x6f: {  	_ =	shalt  }
0x70: {  	_ =	shalt  }
0x71: {  	_ =	shalt  }
0x72: {  	_ =	shalt  }
0x73: {  	_ =	shalt  }
0x74: {  	_ =	shalt  }
0x75: {  	_ =	shalt  }
0x76: {  	_ =	shalt  }
0x77: {  	_ =	shalt  }
0x78: {  	_ =	shalt  }
0x79: {  	_ =	shalt  }
0x7a: {  	_ =	shalt  }
0x7b: {  	_ =	shalt  }
0x7c: {  	_ =	shalt  }
0x7d: {  	_ =	shalt  }
0x7e: {  	_ =	shalt  }
0x7f: {  	_ =	shalt  }
0x80: {  	_ =	shalt  }
0x81: {  	_ =	shalt  }
0x82: {  	_ =	shalt  }
0x83: {  	_ =	shalt  }
0x84: {  	_ =	shalt  }
0x85: {  	_ =	shalt  }
0x86: {  	_ =	shalt  }
0x87: {  	_ =	shalt  }
.Lfunc_end0:
.L_simem_size_0:
called_computation_lowered:
.L_overlay_start_0:
0x88: {  	s2 =	sld [smem:$0x3FD9]  }
0x89: {  	s3 =	sld [smem:$0x3FFE];
	_ =	sdelay $0x1  }
0x8a: {  	s1 =	srdreg.scid  }
0x8b: {  	s0 =	sand.u32 $0x1, s1  }
0x8c: {  	s14 =	sshll.u32 s0, $0xA;
	s2 =	sadd.s32 s3, s2  }
0x8d: {  	s2 =	sadd.s32 s2, s14  }
0x8e: {  	[smem:$0x3FB8] =	sst s2  }
0x8f: {  	_ = 	snop  }
0x90: {  	s2 =	sld [smem:$0x3FD0];
	_ =	sdelay $0x2  }
0x91: {  	s4 =	simm.s32 $0xA;
	s5 =	simm.s32 $0x10;
	s15 =	sld [smem:$0x3FC7]  }
0x92: {  	[smem:s5], [sflag:s4] =	dma.local [hbm:s2], $0x1  }
0x93: {  	_ =	swait.eq [sflag:s4], $0x1  }
0x94: {  	s16 =	sld [smem:$0x10];
	[sflag:s4] =	ssyncset.done $0x0  }
0x95: {  	s17 =	sld [smem:$0x11];
	[sflag:s4] =	ssyncadd.s32 $0xFFFFFFFF  }
0x96: {  	s18 =	sld [smem:$0x12];
	(tm) =	ssettm $0x1  }
0x97: {  	s6 =	sld [smem:$0x3FFB];
	_ =	sdelay $0x3  }
0x98: {  	_ =	strace s6  }
0x99: {  	s6 =	sld [smem:$0x3FFC];
	_ =	sdelay $0x3  }
0x9a: {  	_ =	strace s6  }
0x9b: {  	s6 =	sld [smem:$0x3FFD];
	_ =	sdelay $0x3  }
0x9c: {  	_ =	strace s6  }
0x9d: {  	_ =	strace $0x8FFFFFFF  }
0x9e: {  	s19 =	sld [smem:$0x3FDB];
	_ =	sdelay $0x1  }
0x9f: {  	s7 =	simm.s32 $_scs_section_size  }
0xa0: {  	s8 =	simm.s32 $_size__tile_overlayer_lowered;
	s9 =	simm.s32 $_tile_overlayer_lowered  }
0xa1: {  	s22 =	simm.s32 $0x1BFF;
	s21 =	sshll.u32 s9, $0x1;
	s6 =	sadd.s32 s7, s19  }
0xa2: {  	s10 =	simm.s32 $0x0;
	s20 =	sshll.u32 s8, $0x1;
	s8 =	sadd.s32 s21, s6  }
0xa3: {  	[timem:s10], [sflag:s22] =	dma.local [hbm:s8], s20  }
0xa4: {  	_ =	swait.ge [sflag:s22], s20  }
0xa5: {  	s7 =	ssub.s32 $0x0, s20;
	[sflag:s22] =	ssyncset.done $0x0  }
0xa6: {  	[sflag:s22] =	ssyncadd.s32 s7;
	_ =	sdelay $0x1  }
0xa7: {  	s23 =	simm.s32 $0x1B8B  }
0xa8: {  	_ =	swait.ge [sflag:s23], $0x1  }
0xa9: {  	[sflag:s23] =	ssyncset.done $0x0  }
0xaa: {  	s25 =	simm.s32 $0x1B8E;
	s24 =	sld [smem:$0x3FFE];
	[sflag:s23] =	ssyncadd.s32 $0xFFFFFFFF  }
0xab: {  	s26 =	simm.s32 $execute0_lowered;
	[smem:$0x3FD2] =	sst s25  }
0xac: {  	s8 =	sshll.u32 s26, $0x1;
	_ =	strace $0x80000046;
	[dreg:$0x1] =	wrdreg $0xFFFFFFFF  }
0xad: {  	s28 =	simm.s32 $_size_execute0_lowered;
	s6 =	sadd.s32 s6, s8;
	[dreg:$0x0] =	wrdreg $0x0  }
0xae: {  	s8 =	sshll.u32 s28, $0x1;
	[dreg:$0x2] =	wrdreg s6  }
0xaf: {  	[dreg:$0x3] =	wrdreg s8  }
0xb0: {  	[dreg:$0x4] =	wrdreg $0xC0  }
0xb1: {  	_ =	task [dreg:s10], $0x5FFFF  }
0xb2: {  	[dreg:$0x1] =	wrdreg $0xFFFFFFFF  }
0xb3: {  	[dreg:$0x0] =	wrdreg $0x60  }
0xb4: {  	[dreg:$0x2] =	wrdreg s18  }
0xb5: {  	[dreg:$0x3] =	wrdreg s24  }
0xb6: {  	[dreg:$0x4] =	wrdreg s15  }
0xb7: {  	[dreg:$0x5] =	wrdreg s16  }
0xb8: {  	[dreg:$0x6] =	wrdreg s17  }
0xb9: {  	[dreg:$0x7] =	wrdreg $0x148E00  }
0xba: {  	[dreg:$0x8] =	wrdreg $0x1E5200  }
0xbb: {  	[dreg:$0x9] =	wrdreg $0x9  }
0xbc: {  	_ =	task.clear_ibuf [dreg:s10], $0xAFFFF;
	_ =	strace $0x90000046  }
0xbd: {  	s29 =	simm.s32 $0x9;
	_ =	strace $0x80000048  }
0xbe: {  	_ =	swait.ge [sflag:s29], $0x1  }
0xbf: {  	[sflag:s29] =	ssyncadd.s32 $0xFFFFFFFF  }
0xc0: {  	_ =	strace $0x90000048  }
0xc1: {  	_ =	sfence  }
0xc2: {  	s30 =	sld [smem:$0x0];
	_ =	sdelay $0x2  }
0xc3: {  	s31 =	sshll.u32 s1, $0xD;
	s1 =	sshrl.u32 s1, $0x2  }
0xc4: {  	s3 =	sand.u32 $0x4000, s31;
	s1 =	sadd.s32 s1, s30  }
0xc5: {  	s0 =	sor.u32 s3, s0;
	s1 =	sshll.u32 s1, $0x11  }
0xc6: {  	s0 =	sor.u32 s1, s0  }
0xc7: {  	s0 =	sadd.s32 $0x8F2B, s0  }
0xc8: {  	[sflag:s0] =	ssyncadd.remote.s32 $0x1  }
0xc9: {  	_ =	sfence.sel $0xFFFF  }
0xca: {  	[dreg:$0x0] =	wrdreg $0xFFFFFFFF;
	(pc) =	sbr.abs _section_cstart, $3  }
0xcb: {  	[dreg:$0x1] =	wrdreg $0xFFFFFFFF  }
0xcc: {  	_ =	task.clear_ibuf [dreg:s10], $0x2FFFF;
	_ =	strace $0x9FFFFFFF  }
0xcd: {  	(tm) =	ssettm $0x7FFFFFFF  }
tec
execute0_lowered:
.L_overlay_start_1:
0x0: {  	(tag) =	ssettag $0x1  }
0x1: {  	s0 =	rddreg [dreg:$0x0]  }
0x2: {  	s5 =	rddreg [dreg:$0x1]  }
0x3: {  	s7 =	rddreg [dreg:$0x2]  }
0x4: {  	s1 =	rddreg [dreg:$0x3]  }
0x5: {  	s9 =	rddreg [dreg:$0x4]  }
0x6: {  	s2 =	rddreg [dreg:$0x5];
	s22 =	stileid.u32  }
0x7: {  	s3 =	rddreg [dreg:$0x6];
	s8 =	smul.u32 $0x9C4, s22  }
0x8: {  	s4 =	simm.s32 $0x0;
	s6 =	srdreg.scid;
	s11 =	smul.u32 $0x270, s22  }
0x9: {  	s30 =	simm.s32 $0x4;
	s31 =	simm.s32 $0x50;
	s14 =	smul.u32 $0x9C00, s22  }
0xa: {  	[smem:$0x7FF] =	sst s4;
	s6 =	sand.u32 $0x1, s6;
	s16 =	smul.u32 $0x1380, s22  }
0xb: {  	p0 =	sne.s32 s22, $0x0;
	s28 =	sadd.s32 $0x9C000, s2;
	s29 =	sadd.s32 $0x13800, s3  }
0xc: {  	_ =	strace $0x80000047;
	s10 =	ssub.s32 $0x2, s6;
	s24 =	smul.u32 $0x13880, s6  }
0xd: {  	s15 =	smul.u32 $0x9C400, s6;
	p1 =	seq.s32 s6, $0x0;
	s12 =	sadd.s32 s8, s5  }
0xe: {  	s13 =	sshrl.u32 s10, $0x1;
	s5 =	sadd.s32 $0x15C00, s5;
	s7 =	sadd.s32 s7, s8  }
0xf: {  	s10 =	ssub.s32 s10, s13;
	[dreg:$0x8] =	wrdreg s7;
	s7 =	sadd.s32 $0xD0, s11  }
0x10: {  	s11 =	sadd.s32 $0x1A0, s11;
	s8 =	sadd.s32 s0, s24;
	s25 =	sadd.s32 s14, s15  }
0x11: {  	s17 =	sadd.s32 s16, s24;
	s13 =	sshrl.u32 s24, $0x3;
	s18 =	sshll.u32 s7, $0x6  }
0x12: {  	s20 =	sshll.u32 s11, $0x6;
	s0 =	sshrl.u32 s25, $0x3;
	s26 =	sshrl.u32 s17, $0x3  }
0x13: {  	s23 =	sadd.s32 s5, s7;
	s24 =	sadd.s32 s5, s11;
	s19 =	sadd.s32 s15, s18  }
0x14: {  	s0 =	sadd.s32 s9, s0;
	s21 =	sadd.s32 s15, s20;
	s15 =	sshrl.u32 s15, $0x3  }
0x15: {  	s25 =	sadd.s32 s13, s23;
	s23 =	sadd.s32 s16, s3;
	[dreg:$0x9] =	wrdreg s0  }
0x16: {  	s19 =	sshrl.u32 s19, $0x3;
	s0 =	sadd.s32 s5, s26;
	[dreg:$0xd] =	wrdreg s25  }
0x17: {  	s26 =	sadd.s32 s13, s24;
	[dreg:$0x11] =	wrdreg s23;
	s24 =	sshll.u32 s7, $0x3  }
0x18: {  	s25 =	sshll.u32 s11, $0x3;
	s7 =	simm.s32 $0x0;
	[dreg:$0xc] =	wrdreg s0  }
0x19: {  	s17 =	sadd.s32 s9, s19;
	[dreg:$0xe] =	wrdreg s26;
	s19 =	sadd.s32 $0xBE00, s12  }
0x1a: {  	s0 =	simm.s32 $0x114E0;
	[dreg:$0xa] =	wrdreg s17;
	s17 =	sshrl.u32 s21, $0x3  }
0x1b: {  	[dreg:$0xf] =	wrdreg s19;
	s21 =	sadd.s32 $0x2000, s12;
	s19 =	sadd.s32 s18, s2  }
0x1c: {  	s17 =	sadd.s32 s9, s17;
	s9 =	sadd.s32 s9, s15;
	s15 =	sadd.s32 s5, s13  }
.Ltmp0:
0x1d: {  	[dreg:$0x10] =	wrdreg s21;
	s5 =	sadd.s32 s24, s3;
	(pc) =	sbr.rel .LBB2_1-.Ltmp0, $4  }
0x1e: {  	s21 =	sadd.s32 s20, s2;
	[dreg:$0xb] =	wrdreg s17;
	s17 =	sadd.s32 s14, s2  }
0x1f: {  	[dreg:$0x12] =	wrdreg s5;
	s5 =	sadd.s32 s25, s3;
	s26 =	sadd.s32 $0x13800, s9  }
0x20: {  	s24 =	sadd.s32 $0x2700, s15;
	s25 =	smax.u32 s10, $0x1;
	[dreg:$0x13] =	wrdreg s5  }
0x21: {  	v0 =	vimm.f32 $0.0e+00;
	[dreg:$0x14] =	wrdreg s26;
	s26 =	sadd.s32 $0xD0, s1;
	s5 =	simm.s32 $0x1  }
.LBB2_11:
0x22: {  	[bflag:$0x0] =	sbarrier.arrive $0xFFFF  }
0x23: {  	s14 =	sshrl.u32 s17, $0x3;
	s15 =	rddreg [dreg:$0x9]  }
0x24: {  	[hbm:s15], [sflag:s9] =	dma.local [spmem:s14], $0x680  }
0x25: {  	_ =	swait.ge [sflag:s30], $0x680  }
0x26: {  	[sflag:s30] =	ssyncset.done $0x0  }
0x27: {  	s23 =	rddreg [dreg:$0xc];
	[sflag:s30] =	ssyncadd.s32 $0xFFFFF980  }
0x28: {  	[hbm:s23], [sflag:s9] =	dma.local [spmem:s10], $0xD0  }
0x29: {  	_ =	swait.ge [sflag:s30], $0xD0  }
0x2a: {  	[sflag:s30] =	ssyncset.done $0x0  }
0x2b: {  	s15 =	sshrl.u32 s19, $0x3;
	s16 =	rddreg [dreg:$0xa];
	[sflag:s30] =	ssyncadd.s32 $0xFFFFFF30  }
0x2c: {  	[hbm:s16], [sflag:s9] =	dma.local [spmem:s15], $0x680  }
0x2d: {  	_ =	swait.ge [sflag:s30], $0x680  }
0x2e: {  	[sflag:s30] =	ssyncset.done $0x0  }
0x2f: {  	s18 =	rddreg [dreg:$0xd];
	[sflag:s30] =	ssyncadd.s32 $0xFFFFF980  }
0x30: {  	[hbm:s18], [sflag:s9] =	dma.local [spmem:s11], $0xD0  }
0x31: {  	_ =	swait.ge [sflag:s30], $0xD0  }
0x32: {  	[sflag:s30] =	ssyncset.done $0x0  }
0x33: {  	s20 =	sshrl.u32 s21, $0x3;
	s22 =	rddreg [dreg:$0xb];
	[sflag:s30] =	ssyncadd.s32 $0xFFFFFF30  }
0x34: {  	[hbm:s22], [sflag:s9] =	dma.local [spmem:s20], $0x680  }
0x35: {  	_ =	swait.ge [sflag:s30], $0x680  }
0x36: {  	[sflag:s30] =	ssyncset.done $0x0  }
0x37: {  	s23 =	rddreg [dreg:$0xe];
	[sflag:s30] =	ssyncadd.s32 $0xFFFFF980  }
0x38: {  	[hbm:s23], [sflag:s9] =	dma.local [spmem:s12], $0xD0  }
0x39: {  	_ =	swait.ge [sflag:s30], $0xD0  }
0x3a: {  	[sflag:s30] =	ssyncset.done $0x0  }
0x3b: {  	s10 =	sshrl.u32 @!p0 s28, $0x3;
	s11 =	rddreg [dreg:$0x14];
	[sflag:s30] =	ssyncadd.s32 $0xFFFFFF30  }
0x3c: {  	[hbm:s11], [sflag:s9] =	dma.local @!p0 [spmem:s10], $0x80  }
0x3d: {  	s10 =	simm.s32 @!p0 $0x4  }
0x3e: {  	s7 =	sadd.s32 $0x1, s7;
	_ =	swait.ge @!p0 [sflag:s10], $0x80  }
0x3f: {  	p2 =	sne.s32 s7, s25;
	[sflag:s10] =	ssyncset.done @!p0 $0x0  }
.Ltmp1:
0x40: {  	[sflag:s10] =	ssyncadd.s32 @!p0 $0xFFFFFF80;
	(pc) =	sbr.rel @!p2 .LBB2_12-.Ltmp1, $4  }
0x41: {  	[hbm:s24], [sflag:s9] =	dma.local @!p0 [spmem:s13], $0x10  }
0x42: {  	_ =	swait.ge @!p0 [sflag:s10], $0x10  }
0x43: {  	[sflag:s10] =	ssyncset.done @!p0 $0x0  }
0x44: {  	[sflag:s10] =	ssyncadd.s32 @!p0 $0xFFFFFFF0  }
.LBB2_1:
0x45: {  	s9 =	rddreg [dreg:$0xf]  }
0x46: {  	[tilespmem:s4], [sflag:$0x4] =	stream.linear.gather [hbm4b:s9+s4], $0x4E20, $0x38;
	[tilespmem:$0x1F8A8] =	vst v63  }
0x47: {  	_ =	swait.ge [sflag:s30], $0x4E20  }
0x48: {  	[sflag:s30] =	ssyncset.done $0x0  }
0x49: {  	s10 =	simm.s32 $0x4E20;
	s20 =	rddreg [dreg:$0x10];
	[sflag:s30] =	ssyncadd.s32 $0xFFFFB1E0  }
0x4a: {  	[tilespmem:s10], [sflag:$0x4] =	stream.linear.gather [hbm4b:s20+s4], $0x4E20, $0x38;
	[tilespmem:$0x1F8A8] =	vst v63  }
0x4b: {  	_ =	swait.ge [sflag:s30], $0x4E20  }
0x4c: {  	[sflag:s30] =	ssyncset.done $0x0  }
0x4d: {  	s23 =	simm.s32 $0x9C40;
	s22 =	rddreg [dreg:$0x8];
	[sflag:s30] =	ssyncadd.s32 $0xFFFFB1E0  }
0x4e: {  	[tilespmem:s23], [sflag:$0x4] =	stream.linear.gather [hbm4b:s22+s4], $0x4E20, $0x38;
	[tilespmem:$0x1F8A8] =	vst v63  }
0x4f: {  	_ =	swait.ge [sflag:s30], $0x4E20  }
0x50: {  	[sflag:s30] =	ssyncset.done $0x0  }
0x51: {  	s9 =	simm.s32 $0x0;
	s10 =	simm.s32 $0x100;
	[sflag:s30] =	ssyncadd.s32 $0xFFFFB1E0  }
.LBB2_2:
0x52: {  	p2 =	sne.s32 s10, $0xCF00;
	[tilespmem:s9+$0x11510] =	vst v0;
	s11 =	smov.u32 s10;
	s10 =	sadd.s32 $0x100, s10  }
.Ltmp2:
0x53: {  	[tilespmem:s9+$0x11500] =	vst v0;
	(pc) =	sbr.rel @p2 .LBB2_2-.Ltmp2, $3  }
0x54: {  	[tilespmem:s9+$0x114E0] =	vst v0  }
0x55: {  	[tilespmem:s9+$0x114F0] =	vst v0;
	_ =	sdelay $0x1  }
0x56: {  	s9 =	sshra.s32 s11, $0x2  }
0x57: {  	[tilespmem:s9+$0x11510] =	vst v0  }
0x58: {  	[tilespmem:s9+$0x11500] =	vst v0  }
0x59: {  	[tilespmem:s9+$0x114E0] =	vst v0  }
0x5a: {  	[tilespmem:s9+$0x114F0] =	vst v0;
	s22 =	simm.s32 $0x11260  }
0x5b: {  	[tilespmem:s22], [sflag:$0x4] =	stream.linear.gather [hbm4b:s26+s4], $0x280, $0x38;
	[tilespmem:$0x1F8A8] =	vst v63  }
0x5c: {  	_ =	swait.ge [sflag:s30], $0x280  }
0x5d: {  	[sflag:s30] =	ssyncset.done $0x0  }
0x5e: {  	[sflag:s30] =	ssyncadd.s32 $0xFFFFFD80  }
0x5f: {  	[spmem:s17] =	stream.linear.scatter [tilespmem:s0], [sflag:$0x4], $0x3400, $0x38;
	[tilespmem:$0x1F8A8] =	vst v63  }
0x60: {  	s23 =	stileid.u32;
	_ =	swait.ge [sflag:s30], $0x3400  }
0x61: {  	s9 =	sshll.u32 s23, $0x6;
	[sflag:s30] =	ssyncset.done $0x0;
	s10 =	rddreg [dreg:$0x11]  }
0x62: {  	s9 =	sor.u32 $0x1C04, s9;
	[sflag:s30] =	ssyncadd.s32 $0xFFFFCC00;
	s10 =	sshrl.u32 s10, $0x3  }
0x63: {  	[spmem:s10], [sflag:s9] =	dma.local [hbm:s1], $0xD0  }
0x64: {  	_ =	swait.ge [sflag:s30], $0xD0  }
0x65: {  	[sflag:s30] =	ssyncset.done $0x0  }
0x66: {  	[sflag:s30] =	ssyncadd.s32 $0xFFFFFF30  }
0x67: {  	[spmem:s19] =	stream.linear.scatter [tilespmem:s0], [sflag:$0x4], $0x3400, $0x38;
	[tilespmem:$0x1F8A8] =	vst v63  }
0x68: {  	_ =	swait.ge [sflag:s30], $0x3400  }
0x69: {  	[sflag:s30] =	ssyncset.done $0x0;
	s11 =	rddreg [dreg:$0x12]  }
0x6a: {  	[sflag:s30] =	ssyncadd.s32 $0xFFFFCC00;
	s11 =	sshrl.u32 s11, $0x3  }
0x6b: {  	[spmem:s11], [sflag:s9] =	dma.local [hbm:s1], $0xD0  }
0x6c: {  	_ =	swait.ge [sflag:s30], $0xD0  }
0x6d: {  	[sflag:s30] =	ssyncset.done $0x0  }
0x6e: {  	[sflag:s30] =	ssyncadd.s32 $0xFFFFFF30  }
0x6f: {  	[spmem:s21] =	stream.linear.scatter [tilespmem:s0], [sflag:$0x4], $0x3400, $0x38;
	[tilespmem:$0x1F8A8] =	vst v63  }
0x70: {  	_ =	swait.ge [sflag:s30], $0x3400  }
0x71: {  	[sflag:s30] =	ssyncset.done $0x0;
	s12 =	rddreg [dreg:$0x13]  }
0x72: {  	[sflag:s30] =	ssyncadd.s32 $0xFFFFCC00;
	s12 =	sshrl.u32 s12, $0x3  }
0x73: {  	[spmem:s12], [sflag:s9] =	dma.local [hbm:s1], $0xD0  }
0x74: {  	_ =	swait.ge [sflag:s30], $0xD0  }
0x75: {  	[sflag:s30] =	ssyncset.done $0x0  }
0x76: {  	s13 =	simm.s32 @!p0 $0x114E0;
	s14 =	simm.s32 @!p0 $0x4;
	[sflag:s30] =	ssyncadd.s32 $0xFFFFFF30  }
0x77: {  	[spmem:s28] =	stream.linear.scatter @!p0 [tilespmem:s13], [sflag:$0x4], $0x400, $0x38;
	[tilespmem:$0x1F8A8] =	vst v63  }
0x78: {  	_ =	swait.ge @!p0 [sflag:s14], $0x400  }
0x79: {  	[sflag:s14] =	ssyncset.done @!p0 $0x0  }
0x7a: {  	s13 =	sshrl.u32 @!p0 s29, $0x3;
	[sflag:s14] =	ssyncadd.s32 @!p0 $0xFFFFFC00  }
0x7b: {  	[spmem:s13], [sflag:s9] =	dma.local @!p0 [hbm:s1], $0x10  }
.Ltmp3:
0x7c: {  	_ =	swait.ge @!p0 [sflag:s14], $0x10;
	(pc) =	sbr.rel .LBB2_4-.Ltmp3, $4  }
0x7d: {  	[sflag:s14] =	ssyncset.done @!p0 $0x0  }
0x7e: {  	[sflag:s14] =	ssyncadd.s32 @!p0 $0xFFFFFFF0  }
0x7f: {  	[bflag:$0x0] =	sbarrier.arrive $0xFFFF  }
0x80: {  	s15 =	simm.s32 $0x9C40;
	s14 =	simm.s32 $0x0  }
.LBB2_10:
0x81: {  	s14 =	sadd.s32 $0x1, s14  }
0x82: {  	p2 =	sne.s32 s14, $0xFC  }
.Ltmp4:
0x83: {  	_ = 	snop;
	(pc) =	sbr.rel @!p2 .LBB2_11-.Ltmp4, $2  }
0x84: {  	_ =	sdelay $0x2  }
0x85: {  	s15 =	sadd.s32 $0x50, s15  }
.LBB2_4:
0x86: {  	p2 =	slt.u32 s14, $0x2  }
0x87: {  	p3 =	seq.s32 @!p2 s6, $0x0  }
0x88: {  	p4 =	sgt.u32 @!p2 s14, $0x7E;
	s16 =	simm.s32 @!p2 $0x1;
	s18 =	simm.s32 @!p2 $0x1  }
0x89: {  	s20 =	simm.s32 @!p2 $0x2;
	p4 =	por !p4, p2;
	p3 =	por !p3, p2  }
0x8a: {  	_ =	swait.ge @!p2 [sflag:s20], $0x1400;
	s18 =	simm.s32 @p4 $0x0;
	s16 =	simm.s32 @p3 $0x0  }
0x8b: {  	[sflag:s20] =	ssyncset.done @!p2 $0x0;
	p4 =	sgt.u32 @!p2 s14, $0xF9;
	p3 =	seq.s32 @!p2 s16, s18  }
0x8c: {  	[sflag:s20] =	ssyncadd.s32 @!p2 $0xFFFFEC00;
	p3 =	por p3, p2;
	p2 =	por p2, !p4  }
.Ltmp5:
0x8d: {  	_ = 	snop;
	(pc) =	sbr.rel @!p2 .LBB2_6-.Ltmp5, $4  }
0x8e: {  	s16 =	simm.s32 @!p3 $0x3  }
0x8f: {  	_ =	swait.ge @!p3 [sflag:s16], $0x280  }
0x90: {  	[sflag:s16] =	ssyncset.done @!p3 $0x0  }
0x91: {  	[sflag:s16] =	ssyncadd.s32 @!p3 $0xFFFFFD80  }
0x92: {  	s16 =	smul.u32 $0x140, s14;
	s18 =	sand.u32 $0x1, s14  }
0x93: {  	p2 =	seq.s32 s18, $0x1;
	s18 =	simm.s32 $0xFE60  }
0x94: {  	s16 =	sshra.s32 s16, $0x2;
	s18 =	simm.s32 @!p2 $0xEA60  }
0x95: {  	[tilespmem:s18], [sflag:$0x1] =	stream.indirect.gather [hbm4b:s8+s31], $0x40, s16, s31, $0xb8;
	[tilespmem:$0x1F8A8] =	vst v63  }
.LBB2_6:
0x96: {  	p2 =	seq.s32 s14, $0x0  }
0x97: {  	p3 =	seq.s32 @!p2 s14, $0xFB  }
0x98: {  	p2 =	por p2, p3  }
.Ltmp6:
0x99: {  	_ = 	snop;
	(pc) =	sbr.rel @p2 .LBB2_10-.Ltmp6, $1  }
0x9a: {  	_ =	sdelay $0x3  }
0x9b: {  	s16 =	sadd.s32 $0xFFFFFFFF, s14  }
0x9c: {  	_ =	swait.ge [sflag:s5], $0x1400;
	v1 =	vmov s15;
	s18 =	sand.u32 $0x1, s16  }
0x9d: {  	s20 =	simm.s32 $0x1400;
	[sflag:s5] =	ssyncset.done $0x0;
	p2 =	seq.s32 s18, $0x1  }
0x9e: {  	s22 =	simm.s32 $0xFFFFFEC0;
	[sflag:s5] =	ssyncadd.s32 $0xFFFFEC00;
	s20 =	simm.s32 @!p2 $0x0  }
0x9f: {  	s18 =	smul.u32 $0x140, s16;
	s16 =	sor.u32 $0xEA60, s20;
	s20 =	sadd.s32 $0xEC60, s20  }
.LBB2_8:
0xa0: {  	s23 =	sshra.s32 s22, $0x2  }
0xa1: {  	v2 =	vld.idx.msk [tilespmem:v1+s23+$0x0 ss:$0x1], $0xffff;
	_ =	sdelay $0x1  }
0xa2: {  	v3 =	vld [tilespmem:s20+$0xFFFFFE00];
	_ =	sdelay $0x2  }
0xa3: {  	v4 =	vbroadcast v2, $0x0;
	_ =	sdelay $0x1  }
0xa4: {  	v3 =	vmul.f32 v4, v3;
	_ =	sdelay $0x1  }
0xa5: {  	[tilespmem:s20+$0xFFFFFE00] =	vst v3;
	v3 =	vld [tilespmem:s20+$0xFFFFFE10];
	_ =	sdelay $0x4  }
0xa6: {  	v3 =	vmul.f32 v3, v4;
	_ =	sdelay $0x1  }
0xa7: {  	[tilespmem:s20+$0xFFFFFE10] =	vst v3;
	v3 =	vld [tilespmem:s20+$0xFFFFFE20];
	_ =	sdelay $0x4  }
0xa8: {  	v3 =	vmul.f32 v3, v4;
	_ =	sdelay $0x1  }
0xa9: {  	[tilespmem:s20+$0xFFFFFE20] =	vst v3;
	v3 =	vld [tilespmem:s20+$0xFFFFFE30];
	_ =	sdelay $0x4  }
0xaa: {  	v3 =	vmul.f32 v3, v4;
	_ =	sdelay $0x1  }
0xab: {  	[tilespmem:s20+$0xFFFFFE30] =	vst v3;
	v3 =	vld [tilespmem:s20+$0xFFFFFE40];
	_ =	sdelay $0x2  }
0xac: {  	v50 =	vbroadcast v2, $0x1;
	_ =	sdelay $0x1  }
0xad: {  	v3 =	vmul.f32 v3, v50;
	_ =	sdelay $0x1  }
0xae: {  	[tilespmem:s20+$0xFFFFFE40] =	vst v3;
	v3 =	vld [tilespmem:s20+$0xFFFFFE50];
	_ =	sdelay $0x4  }
0xaf: {  	v3 =	vmul.f32 v3, v50;
	_ =	sdelay $0x1  }
0xb0: {  	[tilespmem:s20+$0xFFFFFE50] =	vst v3;
	v3 =	vld [tilespmem:s20+$0xFFFFFE60];
	_ =	sdelay $0x4  }
0xb1: {  	v3 =	vmul.f32 v3, v50;
	_ =	sdelay $0x1  }
0xb2: {  	[tilespmem:s20+$0xFFFFFE60] =	vst v3;
	v3 =	vld [tilespmem:s20+$0xFFFFFE70];
	_ =	sdelay $0x4  }
0xb3: {  	v3 =	vmul.f32 v3, v50;
	_ =	sdelay $0x1  }
0xb4: {  	[tilespmem:s20+$0xFFFFFE70] =	vst v3;
	v3 =	vld [tilespmem:s20+$0xFFFFFE80];
	_ =	sdelay $0x2  }
0xb5: {  	v51 =	vbroadcast v2, $0x2;
	_ =	sdelay $0x1  }
0xb6: {  	v3 =	vmul.f32 v3, v51;
	_ =	sdelay $0x1  }
0xb7: {  	[tilespmem:s20+$0xFFFFFE80] =	vst v3;
	v3 =	vld [tilespmem:s20+$0xFFFFFE90];
	_ =	sdelay $0x4  }
0xb8: {  	v3 =	vmul.f32 v3, v51;
	_ =	sdelay $0x1  }
0xb9: {  	[tilespmem:s20+$0xFFFFFE90] =	vst v3;
	v3 =	vld [tilespmem:s20+$0xFFFFFEA0];
	_ =	sdelay $0x4  }
0xba: {  	v3 =	vmul.f32 v3, v51;
	_ =	sdelay $0x1  }
0xbb: {  	[tilespmem:s20+$0xFFFFFEA0] =	vst v3;
	v3 =	vld [tilespmem:s20+$0xFFFFFEB0];
	_ =	sdelay $0x4  }
0xbc: {  	v3 =	vmul.f32 v3, v51;
	_ =	sdelay $0x1  }
0xbd: {  	[tilespmem:s20+$0xFFFFFEB0] =	vst v3;
	v3 =	vld [tilespmem:s20+$0xFFFFFEC0];
	_ =	sdelay $0x2  }
0xbe: {  	v52 =	vbroadcast v2, $0x3;
	_ =	sdelay $0x1  }
0xbf: {  	v3 =	vmul.f32 v3, v52;
	_ =	sdelay $0x1  }
0xc0: {  	[tilespmem:s20+$0xFFFFFEC0] =	vst v3;
	v3 =	vld [tilespmem:s20+$0xFFFFFED0];
	_ =	sdelay $0x4  }
0xc1: {  	v3 =	vmul.f32 v3, v52;
	_ =	sdelay $0x1  }
0xc2: {  	[tilespmem:s20+$0xFFFFFED0] =	vst v3;
	v3 =	vld [tilespmem:s20+$0xFFFFFEE0];
	_ =	sdelay $0x4  }
0xc3: {  	v3 =	vmul.f32 v3, v52;
	_ =	sdelay $0x1  }
0xc4: {  	[tilespmem:s20+$0xFFFFFEE0] =	vst v3;
	v3 =	vld [tilespmem:s20+$0xFFFFFEF0];
	_ =	sdelay $0x4  }
0xc5: {  	v3 =	vmul.f32 v3, v52;
	_ =	sdelay $0x1  }
0xc6: {  	[tilespmem:s20+$0xFFFFFEF0] =	vst v3;
	v3 =	vld [tilespmem:s20+$0xFFFFFF00];
	_ =	sdelay $0x2  }
0xc7: {  	v53 =	vbroadcast v2, $0x4;
	_ =	sdelay $0x1  }
0xc8: {  	v3 =	vmul.f32 v3, v53;
	_ =	sdelay $0x1  }
0xc9: {  	[tilespmem:s20+$0xFFFFFF00] =	vst v3;
	v3 =	vld [tilespmem:s20+$0xFFFFFF10];
	_ =	sdelay $0x4  }
0xca: {  	v3 =	vmul.f32 v3, v53;
	_ =	sdelay $0x1  }
0xcb: {  	[tilespmem:s20+$0xFFFFFF10] =	vst v3;
	v3 =	vld [tilespmem:s20+$0xFFFFFF20];
	_ =	sdelay $0x4  }
0xcc: {  	v3 =	vmul.f32 v3, v53;
	_ =	sdelay $0x1  }
0xcd: {  	[tilespmem:s20+$0xFFFFFF20] =	vst v3;
	v3 =	vld [tilespmem:s20+$0xFFFFFF30];
	_ =	sdelay $0x4  }
0xce: {  	v3 =	vmul.f32 v3, v53;
	_ =	sdelay $0x1  }
0xcf: {  	[tilespmem:s20+$0xFFFFFF30] =	vst v3;
	v3 =	vld [tilespmem:s20+$0xFFFFFF40];
	_ =	sdelay $0x2  }
0xd0: {  	v54 =	vbroadcast v2, $0x5;
	_ =	sdelay $0x1  }
0xd1: {  	v3 =	vmul.f32 v3, v54;
	_ =	sdelay $0x1  }
0xd2: {  	[tilespmem:s20+$0xFFFFFF40] =	vst v3;
	v3 =	vld [tilespmem:s20+$0xFFFFFF50];
	_ =	sdelay $0x4  }
0xd3: {  	v3 =	vmul.f32 v3, v54;
	_ =	sdelay $0x1  }
0xd4: {  	[tilespmem:s20+$0xFFFFFF50] =	vst v3;
	v3 =	vld [tilespmem:s20+$0xFFFFFF60];
	_ =	sdelay $0x4  }
0xd5: {  	v3 =	vmul.f32 v3, v54;
	_ =	sdelay $0x1  }
0xd6: {  	[tilespmem:s20+$0xFFFFFF60] =	vst v3;
	v3 =	vld [tilespmem:s20+$0xFFFFFF70];
	_ =	sdelay $0x4  }
0xd7: {  	v3 =	vmul.f32 v3, v54;
	_ =	sdelay $0x1  }
0xd8: {  	[tilespmem:s20+$0xFFFFFF70] =	vst v3;
	v3 =	vld [tilespmem:s20+$0xFFFFFF80];
	_ =	sdelay $0x2  }
0xd9: {  	v55 =	vbroadcast v2, $0x6;
	_ =	sdelay $0x1  }
0xda: {  	v3 =	vmul.f32 v3, v55;
	_ =	sdelay $0x1  }
0xdb: {  	[tilespmem:s20+$0xFFFFFF80] =	vst v3;
	v3 =	vld [tilespmem:s20+$0xFFFFFF90];
	_ =	sdelay $0x4  }
0xdc: {  	v3 =	vmul.f32 v3, v55;
	_ =	sdelay $0x1  }
0xdd: {  	[tilespmem:s20+$0xFFFFFF90] =	vst v3;
	v3 =	vld [tilespmem:s20+$0xFFFFFFA0];
	_ =	sdelay $0x4  }
0xde: {  	v3 =	vmul.f32 v3, v55;
	_ =	sdelay $0x1  }
0xdf: {  	[tilespmem:s20+$0xFFFFFFA0] =	vst v3;
	v3 =	vld [tilespmem:s20+$0xFFFFFFB0];
	_ =	sdelay $0x4  }
0xe0: {  	v3 =	vmul.f32 v3, v55;
	_ =	sdelay $0x1  }
0xe1: {  	[tilespmem:s20+$0xFFFFFFB0] =	vst v3;
	v3 =	vld [tilespmem:s20+$0xFFFFFFC0];
	_ =	sdelay $0x2  }
0xe2: {  	v56 =	vbroadcast v2, $0x7;
	_ =	sdelay $0x1  }
0xe3: {  	v3 =	vmul.f32 v3, v56;
	_ =	sdelay $0x1  }
0xe4: {  	[tilespmem:s20+$0xFFFFFFC0] =	vst v3;
	v3 =	vld [tilespmem:s20+$0xFFFFFFD0];
	_ =	sdelay $0x4  }
0xe5: {  	v3 =	vmul.f32 v3, v56;
	_ =	sdelay $0x1  }
0xe6: {  	[tilespmem:s20+$0xFFFFFFD0] =	vst v3;
	v3 =	vld [tilespmem:s20+$0xFFFFFFE0];
	_ =	sdelay $0x4  }
0xe7: {  	v3 =	vmul.f32 v3, v56;
	_ =	sdelay $0x1  }
0xe8: {  	[tilespmem:s20+$0xFFFFFFE0] =	vst v3;
	v3 =	vld [tilespmem:s20+$0xFFFFFFF0];
	_ =	sdelay $0x4  }
0xe9: {  	v3 =	vmul.f32 v3, v56;
	_ =	sdelay $0x1  }
0xea: {  	[tilespmem:s20+$0xFFFFFFF0] =	vst v3;
	v3 =	vld [tilespmem:s20+$0x0];
	_ =	sdelay $0x2  }
0xeb: {  	v57 =	vbroadcast v2, $0x8;
	_ =	sdelay $0x1  }
0xec: {  	v3 =	vmul.f32 v3, v57;
	_ =	sdelay $0x1  }
0xed: {  	[tilespmem:s20+$0x0] =	vst v3;
	v3 =	vld [tilespmem:s20+$0x10];
	_ =	sdelay $0x4  }
0xee: {  	v3 =	vmul.f32 v3, v57;
	_ =	sdelay $0x1  }
0xef: {  	[tilespmem:s20+$0x10] =	vst v3;
	v3 =	vld [tilespmem:s20+$0x20];
	_ =	sdelay $0x4  }
0xf0: {  	v3 =	vmul.f32 v3, v57;
	_ =	sdelay $0x1  }
0xf1: {  	[tilespmem:s20+$0x20] =	vst v3;
	v3 =	vld [tilespmem:s20+$0x30];
	_ =	sdelay $0x4  }
0xf2: {  	v3 =	vmul.f32 v3, v57;
	_ =	sdelay $0x1  }
0xf3: {  	[tilespmem:s20+$0x30] =	vst v3;
	v3 =	vld [tilespmem:s20+$0x40];
	_ =	sdelay $0x2  }
0xf4: {  	v58 =	vbroadcast v2, $0x9;
	_ =	sdelay $0x1  }
0xf5: {  	v3 =	vmul.f32 v3, v58;
	_ =	sdelay $0x1  }
0xf6: {  	[tilespmem:s20+$0x40] =	vst v3;
	v3 =	vld [tilespmem:s20+$0x50];
	_ =	sdelay $0x4  }
0xf7: {  	v3 =	vmul.f32 v3, v58;
	_ =	sdelay $0x1  }
0xf8: {  	[tilespmem:s20+$0x50] =	vst v3;
	v3 =	vld [tilespmem:s20+$0x60];
	_ =	sdelay $0x4  }
0xf9: {  	v3 =	vmul.f32 v3, v58;
	_ =	sdelay $0x1  }
0xfa: {  	[tilespmem:s20+$0x60] =	vst v3;
	v3 =	vld [tilespmem:s20+$0x70];
	_ =	sdelay $0x4  }
0xfb: {  	v3 =	vmul.f32 v3, v58;
	_ =	sdelay $0x1  }
0xfc: {  	[tilespmem:s20+$0x70] =	vst v3;
	v3 =	vld [tilespmem:s20+$0x80];
	_ =	sdelay $0x2  }
0xfd: {  	v59 =	vbroadcast v2, $0xA;
	_ =	sdelay $0x1  }
0xfe: {  	v3 =	vmul.f32 v3, v59;
	_ =	sdelay $0x1  }
0xff: {  	[tilespmem:s20+$0x80] =	vst v3;
	v3 =	vld [tilespmem:s20+$0x90];
	_ =	sdelay $0x4  }
0x100: {  	v3 =	vmul.f32 v3, v59;
	_ =	sdelay $0x1  }
0x101: {  	[tilespmem:s20+$0x90] =	vst v3;
	v3 =	vld [tilespmem:s20+$0xA0];
	_ =	sdelay $0x4  }
0x102: {  	v3 =	vmul.f32 v3, v59;
	_ =	sdelay $0x1  }
0x103: {  	[tilespmem:s20+$0xA0] =	vst v3;
	v3 =	vld [tilespmem:s20+$0xB0];
	_ =	sdelay $0x4  }
0x104: {  	v3 =	vmul.f32 v3, v59;
	_ =	sdelay $0x1  }
0x105: {  	[tilespmem:s20+$0xB0] =	vst v3;
	v3 =	vld [tilespmem:s20+$0xC0];
	_ =	sdelay $0x2  }
0x106: {  	v60 =	vbroadcast v2, $0xB;
	_ =	sdelay $0x1  }
0x107: {  	v3 =	vmul.f32 v3, v60;
	_ =	sdelay $0x1  }
0x108: {  	[tilespmem:s20+$0xC0] =	vst v3;
	v3 =	vld [tilespmem:s20+$0xD0];
	_ =	sdelay $0x4  }
0x109: {  	v3 =	vmul.f32 v3, v60;
	_ =	sdelay $0x1  }
0x10a: {  	[tilespmem:s20+$0xD0] =	vst v3;
	v3 =	vld [tilespmem:s20+$0xE0];
	_ =	sdelay $0x4  }
0x10b: {  	v3 =	vmul.f32 v3, v60;
	_ =	sdelay $0x1  }
0x10c: {  	[tilespmem:s20+$0xE0] =	vst v3;
	v3 =	vld [tilespmem:s20+$0xF0];
	_ =	sdelay $0x4  }
0x10d: {  	v3 =	vmul.f32 v3, v60;
	_ =	sdelay $0x1  }
0x10e: {  	[tilespmem:s20+$0xF0] =	vst v3;
	v3 =	vld [tilespmem:s20+$0x100];
	_ =	sdelay $0x2  }
0x10f: {  	v61 =	vbroadcast v2, $0xC;
	_ =	sdelay $0x1  }
0x110: {  	v3 =	vmul.f32 v3, v61;
	_ =	sdelay $0x1  }
0x111: {  	[tilespmem:s20+$0x100] =	vst v3;
	v3 =	vld [tilespmem:s20+$0x110];
	_ =	sdelay $0x4  }
0x112: {  	v3 =	vmul.f32 v3, v61;
	_ =	sdelay $0x1  }
0x113: {  	[tilespmem:s20+$0x110] =	vst v3;
	v3 =	vld [tilespmem:s20+$0x120];
	_ =	sdelay $0x4  }
0x114: {  	v3 =	vmul.f32 v3, v61;
	_ =	sdelay $0x1  }
0x115: {  	[tilespmem:s20+$0x120] =	vst v3;
	v3 =	vld [tilespmem:s20+$0x130];
	_ =	sdelay $0x4  }
0x116: {  	v3 =	vmul.f32 v3, v61;
	_ =	sdelay $0x1  }
0x117: {  	[tilespmem:s20+$0x130] =	vst v3;
	v3 =	vld [tilespmem:s20+$0x140];
	_ =	sdelay $0x2  }
0x118: {  	v62 =	vbroadcast v2, $0xD;
	_ =	sdelay $0x1  }
0x119: {  	v3 =	vmul.f32 v3, v62;
	_ =	sdelay $0x1  }
0x11a: {  	[tilespmem:s20+$0x140] =	vst v3;
	v3 =	vld [tilespmem:s20+$0x150];
	_ =	sdelay $0x4  }
0x11b: {  	v3 =	vmul.f32 v3, v62;
	_ =	sdelay $0x1  }
0x11c: {  	[tilespmem:s20+$0x150] =	vst v3;
	v3 =	vld [tilespmem:s20+$0x160];
	_ =	sdelay $0x4  }
0x11d: {  	v3 =	vmul.f32 v3, v62;
	_ =	sdelay $0x1  }
0x11e: {  	[tilespmem:s20+$0x160] =	vst v3;
	v3 =	vld [tilespmem:s20+$0x170];
	_ =	sdelay $0x4  }
0x11f: {  	v3 =	vmul.f32 v3, v62;
	_ =	sdelay $0x1  }
0x120: {  	[tilespmem:s20+$0x170] =	vst v3;
	v3 =	vld [tilespmem:s20+$0x180];
	_ =	sdelay $0x2  }
0x121: {  	v63 =	vbroadcast v2, $0xE;
	_ =	sdelay $0x1  }
0x122: {  	v3 =	vmul.f32 v3, v63;
	_ =	sdelay $0x1  }
0x123: {  	[tilespmem:s20+$0x180] =	vst v3;
	v3 =	vld [tilespmem:s20+$0x190];
	_ =	sdelay $0x4  }
0x124: {  	v3 =	vmul.f32 v3, v63;
	_ =	sdelay $0x1  }
0x125: {  	[tilespmem:s20+$0x190] =	vst v3;
	v3 =	vld [tilespmem:s20+$0x1A0];
	_ =	sdelay $0x4  }
0x126: {  	v3 =	vmul.f32 v3, v63;
	_ =	sdelay $0x1  }
0x127: {  	[tilespmem:s20+$0x1A0] =	vst v3;
	v3 =	vld [tilespmem:s20+$0x1B0];
	_ =	sdelay $0x4  }
0x128: {  	v3 =	vmul.f32 v3, v63;
	_ =	sdelay $0x1  }
0x129: {  	[tilespmem:s20+$0x1B0] =	vst v3;
	v3 =	vld [tilespmem:s20+$0x1C0];
	_ =	sdelay $0x2  }
0x12a: {  	v2 =	vbroadcast v2, $0xF;
	_ =	sdelay $0x1  }
0x12b: {  	v3 =	vmul.f32 v3, v2;
	_ =	sdelay $0x1  }
0x12c: {  	[tilespmem:s20+$0x1C0] =	vst v3;
	v3 =	vld [tilespmem:s20+$0x1D0];
	_ =	sdelay $0x4  }
0x12d: {  	v3 =	vmul.f32 v3, v2;
	_ =	sdelay $0x1  }
0x12e: {  	[tilespmem:s20+$0x1D0] =	vst v3;
	v3 =	vld [tilespmem:s20+$0x1E0];
	_ =	sdelay $0x4  }
0x12f: {  	v3 =	vmul.f32 v3, v2;
	_ =	sdelay $0x1  }
0x130: {  	[tilespmem:s20+$0x1E0] =	vst v3;
	v3 =	vld [tilespmem:s20+$0x1F0];
	_ =	sdelay $0x1  }
0x131: {  	p2 =	sne.s32 s22, $0xFFFFFFC0  }
.Ltmp7:
0x132: {  	_ = 	snop;
	(pc) =	sbr.rel @p2 .LBB2_8-.Ltmp7, $3  }
0x133: {  	_ = 	snop  }
0x134: {  	v2 =	vmul.f32 v3, v2;
	_ =	sdelay $0x1  }
0x135: {  	s22 =	sadd.s32 $0x40, s22;
	[tilespmem:s20+$0x1F0] =	vst v2;
	s20 =	sadd.s32 $0x400, s20  }
0x136: {  	s18 =	sshra.s32 s18, $0x2  }
0x137: {  	p2 =	sgt.u32 s14, $0x7D;
	s18 =	sadd.s32 $0x4E20, s18  }
0x138: {  	[spmem:s2] =	stream.indirect.scatter.add.f32 [tilespmem:s16], [sflag:$0x2], $0x40, s18, s31, $0xb8;
	[tilespmem:$0x1F8A8] =	vst v63  }
.Ltmp8:
0x139: {  	s20 =	simm.s32 $0x1;
	s16 =	simm.s32 $0x1;
	(pc) =	sbr.rel .LBB2_10-.Ltmp8, $4  }
0x13a: {  	s20 =	simm.s32 @!p2 $0x0;
	s16 =	simm.s32 @!p1 $0x0  }
0x13b: {  	p2 =	seq.s32 s20, s16  }
0x13c: {  	s16 =	simm.s32 @!p2 $0x50;
	s20 =	simm.s32 @!p2 $0x11260  }
0x13d: {  	[spmem:s3] =	stream.indirect.scatter.add.f32 @!p2 [tilespmem:s20], [sflag:$0x3], $0x8, s18, s16, $0xb8;
	[tilespmem:$0x1F8A8] =	vst v63  }
.LBB2_12:
0x13e: {  	_ =	sfence.sel $0x180000  }
0x13f: {  	[bflag:$0x0] =	sbarrier.arrive $0xFFFF  }
0x140: {  	_ =	strace $0x90000047  }
0x141: {  	[bflag:$0x2] =	sbarrier.arrive $0xFFFF  }
0x142: {  	s0 =	rddreg [dreg:$0x7]  }
0x143: {  	s0 =	sadd.s32 @!p0 $0x100000, s0  }
0x144: {  	[sflag:s0] =	ssyncadd.tile.s32 @!p0 $0x1;
	_ =	shalt  }
.Lfunc_end2:
_tile_overlayer_lowered:
.L_overlay_start_2:
0x145: {  	(tag) =	ssettag $0x2  }
0x146: {  	s0 =	rddreg [dreg:$0x0];
	s2 =	stileid.u32  }
0x147: {  	s1 =	rddreg [dreg:$0x1];
	p0 =	sne.s32 s2, $0x0  }
0x148: {  	s3 =	rddreg [dreg:$0x2];
	[bflag:$0x3] =	sbarrier.arrive $0xFFFF;
	s2 =	simm.s32 @!p0 $0x1C04  }
0x149: {  	[timem:s3], [sflag:s2] =	dma.local @!p0 [hbm:s0], s1  }
0x14a: {  	s0 =	simm.s32 @!p0 $0x4  }
0x14b: {  	_ =	swait.ge @!p0 [sflag:s0], s1  }
0x14c: {  	s1 =	ssub.s32 @!p0 $0x0, s1;
	[sflag:s0] =	ssyncset.done @!p0 $0x0  }
0x14d: {  	[sflag:s0] =	ssyncadd.s32 @!p0 s1  }
0x14e: {  	[bflag:$0x3] =	sbarrier.arrive $0xFFFF  }
0x14f: {  	_ =	shalt  }

</sc_bundles>
